<compile_context>
chip_gen: v7x
topology: tpu7x:2x2x1
jax: 0.10.2.dev20260603
libtpu: 0.0.44.dev20260713+nightly
codegen_flags: <defaults>
</compile_context>

<pallas_src>
import functools

import jax
import jax.numpy as jnp
from jax import lax
from jax.experimental import pallas as pl
from jax.experimental.pallas import tpu as pltpu
from jax.experimental.pallas import tpu_sc as plsc

_B = 4096
_L = 20
_D = 4
_LANES = 16
_NC = 2
_NS = 16
_NW = _NC * _NS
_BPW = _B // _NW
_G = _BPW // _LANES
_GI = 4
_NTOK = 128
_TBL_ROWS = 32

_SH = 32 - _L
_ONE = 1 << _SH
_VP0 = -(1 << _SH)
_WPW = _BPW * _L
_A_OFF = 0
_B_OFF = _B * _L
_T_OFF = 2 * _B * _L


def _splat(v):
    return jnp.full((_LANES,), v, jnp.int32)


def _sc_body(cat_hbm, out_hbm, a_v, b_v, tbl_v, peq_v, out_v, sa, sb, st):
    wid = lax.axis_index("s") * _NC + lax.axis_index("c")
    cpa = pltpu.async_copy(cat_hbm.at[pl.ds(_A_OFF + wid * _WPW, _WPW)], a_v, sa)
    cpb = pltpu.async_copy(cat_hbm.at[pl.ds(_B_OFF + wid * _WPW, _WPW)], b_v, sb)
    cpt = pltpu.async_copy(cat_hbm.at[pl.ds(_T_OFF, _TBL_ROWS * _D)], tbl_v, st)
    lane = lax.broadcasted_iota(jnp.int32, (_LANES,), 0)
    lane_l = lane * _L

    def zero_body(i, carry):
        off = pl.multiple_of(i * 256, _LANES)
        for t in range(16):
            peq_v[pl.ds(off + t * _LANES, _LANES)] = _splat(0)
        return carry

    lax.fori_loop(0, _GI * _NTOK * _LANES // 256, zero_body, 0)
    cpa.wait()
    cpb.wait()
    cpt.wait()

    for half in range(_G // _GI):
        groups = [half * _GI + t for t in range(_GI)]
        pbases = [t * _NTOK * _LANES + lane for t in range(_GI)]

        def build_body(j, idxs, pbases=pbases):
            bit = jnp.broadcast_to(jnp.int32(1) << (j + _SH), (_LANES,))
            nidxs = []
            for t in range(_GI):
                bj = plsc.load_gather(b_v, [idxs[t]])
                plsc.addupdate_scatter(peq_v, [pbases[t] + (bj << 4)], bit)
                nidxs.append(idxs[t] + 1)
            return tuple(nidxs)

        lax.fori_loop(0, _L, build_body,
                      tuple(lane_l + g * _LANES * _L for g in groups))

        def i_body(i, carry, pbases=pbases):
            del i
            vps, vns, scs, idxs = carry
            nvps, nvns, nscs, nidxs = [], [], [], []
            for t in range(_GI):
                vp, vn, sc, idxa = vps[t], vns[t], scs[t], idxs[t]
                ai = plsc.load_gather(a_v, [idxa])
                peq = plsc.load_gather(peq_v, [pbases[t] + (ai << 4)])
                x = peq | vn
                d0 = ((vp + (x & vp)) ^ vp) | x
                hn = vp & d0
                hp = vn | ((vp | d0) ^ -1)
                sc = sc - (hp >> 31) + (hn >> 31)
                xs = (hp << 1) | _ONE
                nvns.append(xs & d0)
                nvps.append((hn << 1) | ((xs | d0) ^ -1))
                nscs.append(sc)
                nidxs.append(idxa + 1)
            return (tuple(nvps), tuple(nvns), tuple(nscs), tuple(nidxs))

        init = (tuple(_splat(_VP0) for _ in groups),
                tuple(_splat(0) for _ in groups),
                tuple(_splat(_L) for _ in groups),
                tuple(lane_l + g * _LANES * _L for g in groups))
        _, _, scores, _ = lax.fori_loop(0, _L, i_body, init, unroll=4)

        if half + 1 < _G // _GI:
            def clear_body(j, idxs, pbases=pbases):
                del j
                nidxs = []
                for t in range(_GI):
                    bj = plsc.load_gather(b_v, [idxs[t]])
                    plsc.store_scatter(peq_v, [pbases[t] + (bj << 4)], _splat(0))
                    nidxs.append(idxs[t] + 1)
                return tuple(nidxs)

            lax.fori_loop(0, _L, clear_body,
                          tuple(lane_l + g * _LANES * _L for g in groups))

        for t, g in enumerate(groups):
            dist = jnp.minimum(scores[t], _TBL_ROWS - 1)
            base = dist * _D
            orow = g * _LANES + lane
            for c in range(_D):
                col = plsc.load_gather(tbl_v, [base + c])
                plsc.store_scatter(
                    out_v, [orow, _splat(c)], plsc.bitcast(col, jnp.float32))

    pltpu.sync_copy(out_v, out_hbm.at[pl.ds(wid * _BPW, _BPW)])


_sc_call = functools.partial(
    pl.kernel,
    mesh=plsc.VectorSubcoreMesh(core_axis_name="c", subcore_axis_name="s"),
    out_type=jax.ShapeDtypeStruct((_B, _D), jnp.float32),
    compiler_params=pltpu.CompilerParams(
        needs_layout_passes=False,
        disable_bounds_checks=True,
        disable_semaphore_checks=True,
        skip_device_barrier=True,
    ),
    scratch_types=[
        pltpu.VMEM((_WPW,), jnp.int32),
        pltpu.VMEM((_WPW,), jnp.int32),
        pltpu.VMEM((_TBL_ROWS * _D,), jnp.int32),
        pltpu.VMEM((_GI * _NTOK * _LANES,), jnp.int32),
        pltpu.VMEM((_BPW, _D), jnp.float32),
        pltpu.SemaphoreType.DMA,
        pltpu.SemaphoreType.DMA,
        pltpu.SemaphoreType.DMA,
    ],
)(_sc_body)


def kernel(input1, input2, embedding_table):
    cat = jnp.concatenate([
        input1.reshape(-1),
        input2.reshape(-1),
        jax.lax.bitcast_convert_type(
            embedding_table[:_TBL_ROWS], jnp.int32).reshape(-1),
    ])
    return _sc_call(cat)

# --- scband reference (transcript-rebuilt; emitter-appended) ---
"""Pipeline reference for scband-edit-distance-52767968199033 (READ-ONLY COPY).

The authoritative reference and input builder live on the scoring server;
editing this copy changes nothing except your own understanding.
"""

import jax, jax.numpy as jnp
import numpy as np

B = 4096
L = 20
EMB_SIZE = 512
EMB_DIM = 4


def setup_inputs(seed: int = 0) -> dict:
    key = jax.random.key(seed)
    k1, k2, k3 = jax.random.split(key, 3)
    input1 = jax.random.randint(k1, (B, L), 0, 128).astype(jnp.int32)
    input2 = jax.random.randint(k2, (B, L), 0, 128).astype(jnp.int32)
    embedding_table = jax.random.normal(k3, (EMB_SIZE, EMB_DIM), dtype=jnp.float32)
    return {"input1": input1, "input2": input2, "embedding_table": embedding_table}


def _levenshtein(a, b):
    # a: [B, L1] int tokens, b: [B, L2] int tokens -> [B] int32 edit distance
    a = a.astype(jnp.int32)
    b = b.astype(jnp.int32)
    Bn, L1 = a.shape
    L2 = b.shape[1]
    prev0 = jnp.broadcast_to(jnp.arange(L2 + 1, dtype=jnp.int32), (Bn, L2 + 1))
    bT = b.T  # [L2, B]

    def row_step(prev, ai):  # prev: [B, L2+1], ai: [B]
        cur0 = prev[:, 0] + 1

        def inner(carry, xs):  # carry: cur[j-1] [B]
            prev_j, prev_jm1, bj = xs
            sub = prev_jm1 + (ai != bj).astype(jnp.int32)
            cur_j = jnp.minimum(jnp.minimum(prev_j + 1, carry + 1), sub)
            return cur_j, cur_j

        xs = (prev[:, 1:].T, prev[:, :-1].T, bT)
        _, cur_rest = jax.lax.scan(inner, cur0, xs)
        cur = jnp.concatenate([cur0[:, None], cur_rest.T], axis=1)
        return cur, None

    prev_final, _ = jax.lax.scan(row_step, prev0, a.T)
    return prev_final[:, L2]


def reference(input1, input2, embedding_table):
    dist = _levenshtein(input1, input2)
    ids = jnp.clip(dist, 0, embedding_table.shape[0] - 1)
    embed = jnp.take(embedding_table, ids, axis=0)
    return embed

if __name__ == "__main__":
    import jax
    _d = setup_inputs()
    print(jax.jit(kernel)(*tuple(_d.values())))

</pallas_src>

<mosaic_0001>
#map = affine_map<(d0, d1) -> (0)>
#map1 = affine_map<(d0, d1) -> (0, 0)>
module attributes {stable_mosaic.version = 14 : i64} {
  func.func @_sc_body(%arg0: i32, %arg1: i32, %arg2: memref<163968xi32, #tpu.memory_space<hbm>>, %arg3: memref<4096x4xf32, #tpu.memory_space<hbm>>, %arg4: memref<2560xi32, #tpu.memory_space<vmem>>, %arg5: memref<2560xi32, #tpu.memory_space<vmem>>, %arg6: memref<128xi32, #tpu.memory_space<vmem>>, %arg7: memref<8192xi32, #tpu.memory_space<vmem>>, %arg8: memref<128x4xf32, #tpu.memory_space<vmem>>, %arg9: memref<!tpu.dma_semaphore, #tpu.memory_space<semaphore_mem>>, %arg10: memref<!tpu.dma_semaphore, #tpu.memory_space<semaphore_mem>>, %arg11: memref<!tpu.dma_semaphore, #tpu.memory_space<semaphore_mem>>) attributes {dimension_semantics = [#tpu.dimension_semantics<core_parallel>, #tpu.dimension_semantics<subcore_parallel>], iteration_bounds = array<i64: 2, 16>, scalar_prefetch = 0 : i64, scratch_operands = 8 : i64, tpu.core_type = #tpu.core_type<sc_vector_subcore>, window_params = [{transform_indices = #map}, {transform_indices = #map1}]} {
    %mul3A = arith.constant 2 : i32
    %mul3A_0 = arith.muli %arg1, %mul3A : i32
    %add3A = arith.addi %mul3A_0, %arg0 : i32
    %mul3A_1 = arith.constant 2560 : i32
    %mul3A_2 = arith.muli %add3A, %mul3A_1 : i32
    %add3A_3 = arith.constant 0 : i32
    %add3A_4 = arith.addi %add3A_3, %mul3A_2 : i32
    %dma_start3A = tpu.memref_slice %arg2[%add3A_4] : memref<163968xi32, #tpu.memory_space<hbm>> -> memref<2560xi32, #tpu.memory_space<hbm>>
    %dma_start3A_5 = tpu.memref_slice %arg2[%add3A_4] : memref<163968xi32, #tpu.memory_space<hbm>> -> memref<2560xi32, #tpu.memory_space<hbm>>
    tpu.enqueue_dma source(%dma_start3A_5 : memref<2560xi32, #tpu.memory_space<hbm>>) target(%arg4 : memref<2560xi32, #tpu.memory_space<vmem>>) target_semaphore(%arg9 : memref<!tpu.dma_semaphore, #tpu.memory_space<semaphore_mem>>)
    %mul3A_6 = arith.constant 2560 : i32
    %mul3A_7 = arith.muli %add3A, %mul3A_6 : i32
    %add3A_8 = arith.constant 81920 : i32
    %add3A_9 = arith.addi %add3A_8, %mul3A_7 : i32
    %dma_start3A_10 = tpu.memref_slice %arg2[%add3A_9] : memref<163968xi32, #tpu.memory_space<hbm>> -> memref<2560xi32, #tpu.memory_space<hbm>>
    %dma_start3A_11 = tpu.memref_slice %arg2[%add3A_9] : memref<163968xi32, #tpu.memory_space<hbm>> -> memref<2560xi32, #tpu.memory_space<hbm>>
    tpu.enqueue_dma source(%dma_start3A_11 : memref<2560xi32, #tpu.memory_space<hbm>>) target(%arg5 : memref<2560xi32, #tpu.memory_space<vmem>>) target_semaphore(%arg10 : memref<!tpu.dma_semaphore, #tpu.memory_space<semaphore_mem>>)
    %dma_start3A_12 = arith.constant 163840 : i32
    %dma_start3A_13 = tpu.memref_slice %arg2[%dma_start3A_12] : memref<163968xi32, #tpu.memory_space<hbm>> -> memref<128xi32, #tpu.memory_space<hbm>>
    %dma_start3A_14 = arith.constant 163840 : i32
    %dma_start3A_15 = tpu.memref_slice %arg2[%dma_start3A_14] : memref<163968xi32, #tpu.memory_space<hbm>> -> memref<128xi32, #tpu.memory_space<hbm>>
    tpu.enqueue_dma source(%dma_start3A_15 : memref<128xi32, #tpu.memory_space<hbm>>) target(%arg6 : memref<128xi32, #tpu.memory_space<vmem>>) target_semaphore(%arg11 : memref<!tpu.dma_semaphore, #tpu.memory_space<semaphore_mem>>)
    %iota3A = tpu.iota {dimensions = array<i32: 0>} : vector<16xi32>
    %mul3A_16 = arith.constant 20 : i32
    %mul3A_17 = vector.broadcast %mul3A_16 : i32 to vector<16xi32>
    %mul3A_18 = arith.muli %iota3A, %mul3A_17 : vector<16xi32>
    %scan3A = arith.constant 0 : i32
    %scan3A_19 = arith.constant 0 : i32
    %scan3A_20 = arith.constant 32 : i32
    %scan3A_21 = arith.addi %scan3A_19, %scan3A_20 : i32
    %scan3A_22 = arith.constant 1 : i32
    scf.for %scan3A_487 = %scan3A_19 to %scan3A_21 step %scan3A_22  : i32 {
      %mul3A_488 = arith.constant 256 : i32
      %mul3A_489 = arith.muli %scan3A_487, %mul3A_488 : i32
      %multiple_of3A = tpu.assume_multiple %mul3A_489, 16 : i32
      %broadcast_in_dim3A_490 = arith.constant 0 : i32
      %broadcast_in_dim3A_491 = vector.broadcast %broadcast_in_dim3A_490 : i32 to vector<16xi32>
      %add3A_492 = arith.constant 0 : i32
      %add3A_493 = arith.addi %multiple_of3A, %add3A_492 : i32
      %swap3A = arith.index_cast %add3A_493 : i32 to index
      %swap3A_494 = tpu.vector_load %arg7[%swap3A] {strides = array<i32>} : memref<8192xi32, #tpu.memory_space<vmem>>, vector<16xi32>,
      tpu.vector_store %arg7[%swap3A], %broadcast_in_dim3A_491 {strides = array<i32>} : memref<8192xi32, #tpu.memory_space<vmem>>, vector<16xi32>,
      %broadcast_in_dim3A_495 = arith.constant 0 : i32
      %broadcast_in_dim3A_496 = vector.broadcast %broadcast_in_dim3A_495 : i32 to vector<16xi32>
      %add3A_497 = arith.constant 16 : i32
      %add3A_498 = arith.addi %multiple_of3A, %add3A_497 : i32
      %swap3A_499 = arith.index_cast %add3A_498 : i32 to index
      %swap3A_500 = tpu.vector_load %arg7[%swap3A_499] {strides = array<i32>} : memref<8192xi32, #tpu.memory_space<vmem>>, vector<16xi32>,
      tpu.vector_store %arg7[%swap3A_499], %broadcast_in_dim3A_496 {strides = array<i32>} : memref<8192xi32, #tpu.memory_space<vmem>>, vector<16xi32>,
      %broadcast_in_dim3A_501 = arith.constant 0 : i32
      %broadcast_in_dim3A_502 = vector.broadcast %broadcast_in_dim3A_501 : i32 to vector<16xi32>
      %add3A_503 = arith.constant 32 : i32
      %add3A_504 = arith.addi %multiple_of3A, %add3A_503 : i32
      %swap3A_505 = arith.index_cast %add3A_504 : i32 to index
      %swap3A_506 = tpu.vector_load %arg7[%swap3A_505] {strides = array<i32>} : memref<8192xi32, #tpu.memory_space<vmem>>, vector<16xi32>,
      tpu.vector_store %arg7[%swap3A_505], %broadcast_in_dim3A_502 {strides = array<i32>} : memref<8192xi32, #tpu.memory_space<vmem>>, vector<16xi32>,
      %broadcast_in_dim3A_507 = arith.constant 0 : i32
      %broadcast_in_dim3A_508 = vector.broadcast %broadcast_in_dim3A_507 : i32 to vector<16xi32>
      %add3A_509 = arith.constant 48 : i32
      %add3A_510 = arith.addi %multiple_of3A, %add3A_509 : i32
      %swap3A_511 = arith.index_cast %add3A_510 : i32 to index
      %swap3A_512 = tpu.vector_load %arg7[%swap3A_511] {strides = array<i32>} : memref<8192xi32, #tpu.memory_space<vmem>>, vector<16xi32>,
      tpu.vector_store %arg7[%swap3A_511], %broadcast_in_dim3A_508 {strides = array<i32>} : memref<8192xi32, #tpu.memory_space<vmem>>, vector<16xi32>,
      %broadcast_in_dim3A_513 = arith.constant 0 : i32
      %broadcast_in_dim3A_514 = vector.broadcast %broadcast_in_dim3A_513 : i32 to vector<16xi32>
      %add3A_515 = arith.constant 64 : i32
      %add3A_516 = arith.addi %multiple_of3A, %add3A_515 : i32
      %swap3A_517 = arith.index_cast %add3A_516 : i32 to index
      %swap3A_518 = tpu.vector_load %arg7[%swap3A_517] {strides = array<i32>} : memref<8192xi32, #tpu.memory_space<vmem>>, vector<16xi32>,
      tpu.vector_store %arg7[%swap3A_517], %broadcast_in_dim3A_514 {strides = array<i32>} : memref<8192xi32, #tpu.memory_space<vmem>>, vector<16xi32>,
      %broadcast_in_dim3A_519 = arith.constant 0 : i32
      %broadcast_in_dim3A_520 = vector.broadcast %broadcast_in_dim3A_519 : i32 to vector<16xi32>
      %add3A_521 = arith.constant 80 : i32
      %add3A_522 = arith.addi %multiple_of3A, %add3A_521 : i32
      %swap3A_523 = arith.index_cast %add3A_522 : i32 to index
      %swap3A_524 = tpu.vector_load %arg7[%swap3A_523] {strides = array<i32>} : memref<8192xi32, #tpu.memory_space<vmem>>, vector<16xi32>,
      tpu.vector_store %arg7[%swap3A_523], %broadcast_in_dim3A_520 {strides = array<i32>} : memref<8192xi32, #tpu.memory_space<vmem>>, vector<16xi32>,
      %broadcast_in_dim3A_525 = arith.constant 0 : i32
      %broadcast_in_dim3A_526 = vector.broadcast %broadcast_in_dim3A_525 : i32 to vector<16xi32>
      %add3A_527 = arith.constant 96 : i32
      %add3A_528 = arith.addi %multiple_of3A, %add3A_527 : i32
      %swap3A_529 = arith.index_cast %add3A_528 : i32 to index
      %swap3A_530 = tpu.vector_load %arg7[%swap3A_529] {strides = array<i32>} : memref<8192xi32, #tpu.memory_space<vmem>>, vector<16xi32>,
      tpu.vector_store %arg7[%swap3A_529], %broadcast_in_dim3A_526 {strides = array<i32>} : memref<8192xi32, #tpu.memory_space<vmem>>, vector<16xi32>,
      %broadcast_in_dim3A_531 = arith.constant 0 : i32
      %broadcast_in_dim3A_532 = vector.broadcast %broadcast_in_dim3A_531 : i32 to vector<16xi32>
      %add3A_533 = arith.constant 112 : i32
      %add3A_534 = arith.addi %multiple_of3A, %add3A_533 : i32
      %swap3A_535 = arith.index_cast %add3A_534 : i32 to index
      %swap3A_536 = tpu.vector_load %arg7[%swap3A_535] {strides = array<i32>} : memref<8192xi32, #tpu.memory_space<vmem>>, vector<16xi32>,
      tpu.vector_store %arg7[%swap3A_535], %broadcast_in_dim3A_532 {strides = array<i32>} : memref<8192xi32, #tpu.memory_space<vmem>>, vector<16xi32>,
      %broadcast_in_dim3A_537 = arith.constant 0 : i32
      %broadcast_in_dim3A_538 = vector.broadcast %broadcast_in_dim3A_537 : i32 to vector<16xi32>
      %add3A_539 = arith.constant 128 : i32
      %add3A_540 = arith.addi %multiple_of3A, %add3A_539 : i32
      %swap3A_541 = arith.index_cast %add3A_540 : i32 to index
      %swap3A_542 = tpu.vector_load %arg7[%swap3A_541] {strides = array<i32>} : memref<8192xi32, #tpu.memory_space<vmem>>, vector<16xi32>,
      tpu.vector_store %arg7[%swap3A_541], %broadcast_in_dim3A_538 {strides = array<i32>} : memref<8192xi32, #tpu.memory_space<vmem>>, vector<16xi32>,
      %broadcast_in_dim3A_543 = arith.constant 0 : i32
      %broadcast_in_dim3A_544 = vector.broadcast %broadcast_in_dim3A_543 : i32 to vector<16xi32>
      %add3A_545 = arith.constant 144 : i32
      %add3A_546 = arith.addi %multiple_of3A, %add3A_545 : i32
      %swap3A_547 = arith.index_cast %add3A_546 : i32 to index
      %swap3A_548 = tpu.vector_load %arg7[%swap3A_547] {strides = array<i32>} : memref<8192xi32, #tpu.memory_space<vmem>>, vector<16xi32>,
      tpu.vector_store %arg7[%swap3A_547], %broadcast_in_dim3A_544 {strides = array<i32>} : memref<8192xi32, #tpu.memory_space<vmem>>, vector<16xi32>,
      %broadcast_in_dim3A_549 = arith.constant 0 : i32
      %broadcast_in_dim3A_550 = vector.broadcast %broadcast_in_dim3A_549 : i32 to vector<16xi32>
      %add3A_551 = arith.constant 160 : i32
      %add3A_552 = arith.addi %multiple_of3A, %add3A_551 : i32
      %swap3A_553 = arith.index_cast %add3A_552 : i32 to index
      %swap3A_554 = tpu.vector_load %arg7[%swap3A_553] {strides = array<i32>} : memref<8192xi32, #tpu.memory_space<vmem>>, vector<16xi32>,
      tpu.vector_store %arg7[%swap3A_553], %broadcast_in_dim3A_550 {strides = array<i32>} : memref<8192xi32, #tpu.memory_space<vmem>>, vector<16xi32>,
      %broadcast_in_dim3A_555 = arith.constant 0 : i32
      %broadcast_in_dim3A_556 = vector.broadcast %broadcast_in_dim3A_555 : i32 to vector<16xi32>
      %add3A_557 = arith.constant 176 : i32
      %add3A_558 = arith.addi %multiple_of3A, %add3A_557 : i32
      %swap3A_559 = arith.index_cast %add3A_558 : i32 to index
      %swap3A_560 = tpu.vector_load %arg7[%swap3A_559] {strides = array<i32>} : memref<8192xi32, #tpu.memory_space<vmem>>, vector<16xi32>,
      tpu.vector_store %arg7[%swap3A_559], %broadcast_in_dim3A_556 {strides = array<i32>} : memref<8192xi32, #tpu.memory_space<vmem>>, vector<16xi32>,
      %broadcast_in_dim3A_561 = arith.constant 0 : i32
      %broadcast_in_dim3A_562 = vector.broadcast %broadcast_in_dim3A_561 : i32 to vector<16xi32>
      %add3A_563 = arith.constant 192 : i32
      %add3A_564 = arith.addi %multiple_of3A, %add3A_563 : i32
      %swap3A_565 = arith.index_cast %add3A_564 : i32 to index
      %swap3A_566 = tpu.vector_load %arg7[%swap3A_565] {strides = array<i32>} : memref<8192xi32, #tpu.memory_space<vmem>>, vector<16xi32>,
      tpu.vector_store %arg7[%swap3A_565], %broadcast_in_dim3A_562 {strides = array<i32>} : memref<8192xi32, #tpu.memory_space<vmem>>, vector<16xi32>,
      %broadcast_in_dim3A_567 = arith.constant 0 : i32
      %broadcast_in_dim3A_568 = vector.broadcast %broadcast_in_dim3A_567 : i32 to vector<16xi32>
      %add3A_569 = arith.constant 208 : i32
      %add3A_570 = arith.addi %multiple_of3A, %add3A_569 : i32
      %swap3A_571 = arith.index_cast %add3A_570 : i32 to index
      %swap3A_572 = tpu.vector_load %arg7[%swap3A_571] {strides = array<i32>} : memref<8192xi32, #tpu.memory_space<vmem>>, vector<16xi32>,
      tpu.vector_store %arg7[%swap3A_571], %broadcast_in_dim3A_568 {strides = array<i32>} : memref<8192xi32, #tpu.memory_space<vmem>>, vector<16xi32>,
      %broadcast_in_dim3A_573 = arith.constant 0 : i32
      %broadcast_in_dim3A_574 = vector.broadcast %broadcast_in_dim3A_573 : i32 to vector<16xi32>
      %add3A_575 = arith.constant 224 : i32
      %add3A_576 = arith.addi %multiple_of3A, %add3A_575 : i32
      %swap3A_577 = arith.index_cast %add3A_576 : i32 to index
      %swap3A_578 = tpu.vector_load %arg7[%swap3A_577] {strides = array<i32>} : memref<8192xi32, #tpu.memory_space<vmem>>, vector<16xi32>,
      tpu.vector_store %arg7[%swap3A_577], %broadcast_in_dim3A_574 {strides = array<i32>} : memref<8192xi32, #tpu.memory_space<vmem>>, vector<16xi32>,
      %broadcast_in_dim3A_579 = arith.constant 0 : i32
      %broadcast_in_dim3A_580 = vector.broadcast %broadcast_in_dim3A_579 : i32 to vector<16xi32>
      %add3A_581 = arith.constant 240 : i32
      %add3A_582 = arith.addi %multiple_of3A, %add3A_581 : i32
      %swap3A_583 = arith.index_cast %add3A_582 : i32 to index
      %swap3A_584 = tpu.vector_load %arg7[%swap3A_583] {strides = array<i32>} : memref<8192xi32, #tpu.memory_space<vmem>>, vector<16xi32>,
      tpu.vector_store %arg7[%swap3A_583], %broadcast_in_dim3A_580 {strides = array<i32>} : memref<8192xi32, #tpu.memory_space<vmem>>, vector<16xi32>,
    }
    %scan3A_23 = arith.constant 32 : i32
    %dma_wait3A = tpu.memref_slice %arg2[%add3A_4] : memref<163968xi32, #tpu.memory_space<hbm>> -> memref<2560xi32, #tpu.memory_space<hbm>>
    %dma_wait3A_24 = tpu.memref_slice %arg2[%add3A_4] : memref<163968xi32, #tpu.memory_space<hbm>> -> memref<2560xi32, #tpu.memory_space<hbm>>
    tpu.wait_dma2 semaphore(%arg9 : memref<!tpu.dma_semaphore, #tpu.memory_space<semaphore_mem>>) src(%dma_wait3A_24 : memref<2560xi32, #tpu.memory_space<hbm>>) dst(%arg4 : memref<2560xi32, #tpu.memory_space<vmem>>)
    %dma_wait3A_25 = tpu.memref_slice %arg2[%add3A_9] : memref<163968xi32, #tpu.memory_space<hbm>> -> memref<2560xi32, #tpu.memory_space<hbm>>
    %dma_wait3A_26 = tpu.memref_slice %arg2[%add3A_9] : memref<163968xi32, #tpu.memory_space<hbm>> -> memref<2560xi32, #tpu.memory_space<hbm>>
    tpu.wait_dma2 semaphore(%arg10 : memref<!tpu.dma_semaphore, #tpu.memory_space<semaphore_mem>>) src(%dma_wait3A_26 : memref<2560xi32, #tpu.memory_space<hbm>>) dst(%arg5 : memref<2560xi32, #tpu.memory_space<vmem>>)
    %dma_wait3A_27 = arith.constant 163840 : i32
    %dma_wait3A_28 = tpu.memref_slice %arg2[%dma_wait3A_27] : memref<163968xi32, #tpu.memory_space<hbm>> -> memref<128xi32, #tpu.memory_space<hbm>>
    %dma_wait3A_29 = arith.constant 163840 : i32
    %dma_wait3A_30 = tpu.memref_slice %arg2[%dma_wait3A_29] : memref<163968xi32, #tpu.memory_space<hbm>> -> memref<128xi32, #tpu.memory_space<hbm>>
    tpu.wait_dma2 semaphore(%arg11 : memref<!tpu.dma_semaphore, #tpu.memory_space<semaphore_mem>>) src(%dma_wait3A_30 : memref<128xi32, #tpu.memory_space<hbm>>) dst(%arg6 : memref<128xi32, #tpu.memory_space<vmem>>)
    %add3A_31 = arith.constant 0 : i32
    %add3A_32 = vector.broadcast %add3A_31 : i32 to vector<16xi32>
    %add3A_33 = arith.addi %add3A_32, %iota3A : vector<16xi32>
    %add3A_34 = arith.constant 2048 : i32
    %add3A_35 = vector.broadcast %add3A_34 : i32 to vector<16xi32>
    %add3A_36 = arith.addi %add3A_35, %iota3A : vector<16xi32>
    %add3A_37 = arith.constant 4096 : i32
    %add3A_38 = vector.broadcast %add3A_37 : i32 to vector<16xi32>
    %add3A_39 = arith.addi %add3A_38, %iota3A : vector<16xi32>
    %add3A_40 = arith.constant 6144 : i32
    %add3A_41 = vector.broadcast %add3A_40 : i32 to vector<16xi32>
    %add3A_42 = arith.addi %add3A_41, %iota3A : vector<16xi32>
    %add3A_43 = arith.constant 0 : i32
    %add3A_44 = vector.broadcast %add3A_43 : i32 to vector<16xi32>
    %add3A_45 = arith.addi %mul3A_18, %add3A_44 : vector<16xi32>
    %add3A_46 = arith.constant 320 : i32
    %add3A_47 = vector.broadcast %add3A_46 : i32 to vector<16xi32>
    %add3A_48 = arith.addi %mul3A_18, %add3A_47 : vector<16xi32>
    %add3A_49 = arith.constant 640 : i32
    %add3A_50 = vector.broadcast %add3A_49 : i32 to vector<16xi32>
    %add3A_51 = arith.addi %mul3A_18, %add3A_50 : vector<16xi32>
    %add3A_52 = arith.constant 960 : i32
    %add3A_53 = vector.broadcast %add3A_52 : i32 to vector<16xi32>
    %add3A_54 = arith.addi %mul3A_18, %add3A_53 : vector<16xi32>
    %scan3A_55 = arith.constant 0 : i32
    %scan3A_56 = arith.constant 20 : i32
    %scan3A_57 = arith.addi %scan3A_55, %scan3A_56 : i32
    %scan3A_58 = arith.constant 1 : i32
    %scan3A_59:4 = scf.for %scan3A_487 = %scan3A_55 to %scan3A_57 step %scan3A_58 iter_args(%scan3A_488 = %add3A_45, %scan3A_489 = %add3A_48, %scan3A_490 = %add3A_51, %scan3A_491 = %add3A_54) -> (vector<16xi32>, vector<16xi32>, vector<16xi32>, vector<16xi32>)  : i32 {
      %add3A_492 = arith.constant 12 : i32
      %add3A_493 = arith.addi %scan3A_487, %add3A_492 : i32
      %shift_left3A = arith.constant 1 : i32
      %shift_left3A_494 = arith.shli %shift_left3A, %add3A_493 : i32
      %broadcast_in_dim3A_495 = vector.broadcast %shift_left3A_494 : i32 to vector<16xi32>
      %gather3A_496 = tpu.vector_load_idx %arg5[%scan3A_488] : memref<2560xi32, #tpu.memory_space<vmem>>[vector<16xi32>], vector<16xi32>,
      %shift_left3A_497 = arith.constant 4 : i32
      %shift_left3A_498 = vector.broadcast %shift_left3A_497 : i32 to vector<16xi32>
      %shift_left3A_499 = arith.shli %gather3A_496, %shift_left3A_498 : vector<16xi32>
      %add3A_500 = arith.addi %add3A_33, %shift_left3A_499 : vector<16xi32>
      tpu.vector_store_idx %arg7[%add3A_500], %broadcast_in_dim3A_495 {add = true} : memref<8192xi32, #tpu.memory_space<vmem>>[vector<16xi32>], vector<16xi32>,
      %add3A_501 = arith.constant 1 : i32
      %add3A_502 = vector.broadcast %add3A_501 : i32 to vector<16xi32>
      %add3A_503 = arith.addi %scan3A_488, %add3A_502 : vector<16xi32>
      %gather3A_504 = tpu.vector_load_idx %arg5[%scan3A_489] : memref<2560xi32, #tpu.memory_space<vmem>>[vector<16xi32>], vector<16xi32>,
      %shift_left3A_505 = arith.constant 4 : i32
      %shift_left3A_506 = vector.broadcast %shift_left3A_505 : i32 to vector<16xi32>
      %shift_left3A_507 = arith.shli %gather3A_504, %shift_left3A_506 : vector<16xi32>
      %add3A_508 = arith.addi %add3A_36, %shift_left3A_507 : vector<16xi32>
      tpu.vector_store_idx %arg7[%add3A_508], %broadcast_in_dim3A_495 {add = true} : memref<8192xi32, #tpu.memory_space<vmem>>[vector<16xi32>], vector<16xi32>,
      %add3A_509 = arith.constant 1 : i32
      %add3A_510 = vector.broadcast %add3A_509 : i32 to vector<16xi32>
      %add3A_511 = arith.addi %scan3A_489, %add3A_510 : vector<16xi32>
      %gather3A_512 = tpu.vector_load_idx %arg5[%scan3A_490] : memref<2560xi32, #tpu.memory_space<vmem>>[vector<16xi32>], vector<16xi32>,
      %shift_left3A_513 = arith.constant 4 : i32
      %shift_left3A_514 = vector.broadcast %shift_left3A_513 : i32 to vector<16xi32>
      %shift_left3A_515 = arith.shli %gather3A_512, %shift_left3A_514 : vector<16xi32>
      %add3A_516 = arith.addi %add3A_39, %shift_left3A_515 : vector<16xi32>
      tpu.vector_store_idx %arg7[%add3A_516], %broadcast_in_dim3A_495 {add = true} : memref<8192xi32, #tpu.memory_space<vmem>>[vector<16xi32>], vector<16xi32>,
      %add3A_517 = arith.constant 1 : i32
      %add3A_518 = vector.broadcast %add3A_517 : i32 to vector<16xi32>
      %add3A_519 = arith.addi %scan3A_490, %add3A_518 : vector<16xi32>
      %gather3A_520 = tpu.vector_load_idx %arg5[%scan3A_491] : memref<2560xi32, #tpu.memory_space<vmem>>[vector<16xi32>], vector<16xi32>,
      %shift_left3A_521 = arith.constant 4 : i32
      %shift_left3A_522 = vector.broadcast %shift_left3A_521 : i32 to vector<16xi32>
      %shift_left3A_523 = arith.shli %gather3A_520, %shift_left3A_522 : vector<16xi32>
      %add3A_524 = arith.addi %add3A_42, %shift_left3A_523 : vector<16xi32>
      tpu.vector_store_idx %arg7[%add3A_524], %broadcast_in_dim3A_495 {add = true} : memref<8192xi32, #tpu.memory_space<vmem>>[vector<16xi32>], vector<16xi32>,
      %add3A_525 = arith.constant 1 : i32
      %add3A_526 = vector.broadcast %add3A_525 : i32 to vector<16xi32>
      %add3A_527 = arith.addi %scan3A_491, %add3A_526 : vector<16xi32>
      scf.yield %add3A_503, %add3A_511, %add3A_519, %add3A_527 : vector<16xi32>, vector<16xi32>, vector<16xi32>, vector<16xi32>
    }
    %scan3A_60 = arith.constant 20 : i32
    %broadcast_in_dim3A = arith.constant -4096 : i32
    %broadcast_in_dim3A_61 = vector.broadcast %broadcast_in_dim3A : i32 to vector<16xi32>
    %broadcast_in_dim3A_62 = arith.constant -4096 : i32
    %broadcast_in_dim3A_63 = vector.broadcast %broadcast_in_dim3A_62 : i32 to vector<16xi32>
    %broadcast_in_dim3A_64 = arith.constant -4096 : i32
    %broadcast_in_dim3A_65 = vector.broadcast %broadcast_in_dim3A_64 : i32 to vector<16xi32>
    %broadcast_in_dim3A_66 = arith.constant -4096 : i32
    %broadcast_in_dim3A_67 = vector.broadcast %broadcast_in_dim3A_66 : i32 to vector<16xi32>
    %broadcast_in_dim3A_68 = arith.constant 0 : i32
    %broadcast_in_dim3A_69 = vector.broadcast %broadcast_in_dim3A_68 : i32 to vector<16xi32>
    %broadcast_in_dim3A_70 = arith.constant 0 : i32
    %broadcast_in_dim3A_71 = vector.broadcast %broadcast_in_dim3A_70 : i32 to vector<16xi32>
    %broadcast_in_dim3A_72 = arith.constant 0 : i32
    %broadcast_in_dim3A_73 = vector.broadcast %broadcast_in_dim3A_72 : i32 to vector<16xi32>
    %broadcast_in_dim3A_74 = arith.constant 0 : i32
    %broadcast_in_dim3A_75 = vector.broadcast %broadcast_in_dim3A_74 : i32 to vector<16xi32>
    %broadcast_in_dim3A_76 = arith.constant 20 : i32
    %broadcast_in_dim3A_77 = vector.broadcast %broadcast_in_dim3A_76 : i32 to vector<16xi32>
    %broadcast_in_dim3A_78 = arith.constant 20 : i32
    %broadcast_in_dim3A_79 = vector.broadcast %broadcast_in_dim3A_78 : i32 to vector<16xi32>
    %broadcast_in_dim3A_80 = arith.constant 20 : i32
    %broadcast_in_dim3A_81 = vector.broadcast %broadcast_in_dim3A_80 : i32 to vector<16xi32>
    %broadcast_in_dim3A_82 = arith.constant 20 : i32
    %broadcast_in_dim3A_83 = vector.broadcast %broadcast_in_dim3A_82 : i32 to vector<16xi32>
    %add3A_84 = arith.constant 0 : i32
    %add3A_85 = vector.broadcast %add3A_84 : i32 to vector<16xi32>
    %add3A_86 = arith.addi %mul3A_18, %add3A_85 : vector<16xi32>
    %add3A_87 = arith.constant 320 : i32
    %add3A_88 = vector.broadcast %add3A_87 : i32 to vector<16xi32>
    %add3A_89 = arith.addi %mul3A_18, %add3A_88 : vector<16xi32>
    %add3A_90 = arith.constant 640 : i32
    %add3A_91 = vector.broadcast %add3A_90 : i32 to vector<16xi32>
    %add3A_92 = arith.addi %mul3A_18, %add3A_91 : vector<16xi32>
    %add3A_93 = arith.constant 960 : i32
    %add3A_94 = vector.broadcast %add3A_93 : i32 to vector<16xi32>
    %add3A_95 = arith.addi %mul3A_18, %add3A_94 : vector<16xi32>
    %scan3A_96 = arith.constant 0 : i32
    %scan3A_97 = arith.constant 20 : i32
    %scan3A_98 = arith.addi %scan3A_96, %scan3A_97 : i32
    %scan3A_99 = arith.constant 4 : i32
    %scan3A_100:16 = scf.for %scan3A_487 = %scan3A_96 to %scan3A_98 step %scan3A_99 iter_args(%scan3A_488 = %broadcast_in_dim3A_61, %scan3A_489 = %broadcast_in_dim3A_63, %scan3A_490 = %broadcast_in_dim3A_65, %scan3A_491 = %broadcast_in_dim3A_67, %scan3A_492 = %broadcast_in_dim3A_69, %scan3A_493 = %broadcast_in_dim3A_71, %scan3A_494 = %broadcast_in_dim3A_73, %scan3A_495 = %broadcast_in_dim3A_75, %scan3A_496 = %broadcast_in_dim3A_77, %scan3A_497 = %broadcast_in_dim3A_79, %scan3A_498 = %broadcast_in_dim3A_81, %scan3A_499 = %broadcast_in_dim3A_83, %scan3A_500 = %add3A_86, %scan3A_501 = %add3A_89, %scan3A_502 = %add3A_92, %scan3A_503 = %add3A_95) -> (vector<16xi32>, vector<16xi32>, vector<16xi32>, vector<16xi32>, vector<16xi32>, vector<16xi32>, vector<16xi32>, vector<16xi32>, vector<16xi32>, vector<16xi32>, vector<16xi32>, vector<16xi32>, vector<16xi32>, vector<16xi32>, vector<16xi32>, vector<16xi32>)  : i32 {
      %gather3A_504 = tpu.vector_load_idx %arg4[%scan3A_500] : memref<2560xi32, #tpu.memory_space<vmem>>[vector<16xi32>], vector<16xi32>,
      %shift_left3A = arith.constant 4 : i32
      %shift_left3A_505 = vector.broadcast %shift_left3A : i32 to vector<16xi32>
      %shift_left3A_506 = arith.shli %gather3A_504, %shift_left3A_505 : vector<16xi32>
      %add3A_507 = arith.addi %add3A_33, %shift_left3A_506 : vector<16xi32>
      %gather3A_508 = tpu.vector_load_idx %arg7[%add3A_507] : memref<8192xi32, #tpu.memory_space<vmem>>[vector<16xi32>], vector<16xi32>,
      %or3A = arith.ori %gather3A_508, %scan3A_492 : vector<16xi32>
      %and3A = arith.andi %or3A, %scan3A_488 : vector<16xi32>
      %add3A_509 = arith.addi %scan3A_488, %and3A : vector<16xi32>
      %xor3A = arith.xori %add3A_509, %scan3A_488 : vector<16xi32>
      %or3A_510 = arith.ori %xor3A, %or3A : vector<16xi32>
      %and3A_511 = arith.andi %scan3A_488, %or3A_510 : vector<16xi32>
      %or3A_512 = arith.ori %scan3A_488, %or3A_510 : vector<16xi32>
      %xor3A_513 = arith.constant -1 : i32
      %xor3A_514 = vector.broadcast %xor3A_513 : i32 to vector<16xi32>
      %xor3A_515 = arith.xori %or3A_512, %xor3A_514 : vector<16xi32>
      %or3A_516 = arith.ori %scan3A_492, %xor3A_515 : vector<16xi32>
      %shift_right_arithmetic3A = arith.constant 31 : i32
      %shift_right_arithmetic3A_517 = vector.broadcast %shift_right_arithmetic3A : i32 to vector<16xi32>
      %shift_right_arithmetic3A_518 = arith.shrsi %or3A_516, %shift_right_arithmetic3A_517 : vector<16xi32>
      %sub3A = arith.subi %scan3A_496, %shift_right_arithmetic3A_518 : vector<16xi32>
      %shift_right_arithmetic3A_519 = arith.constant 31 : i32
      %shift_right_arithmetic3A_520 = vector.broadcast %shift_right_arithmetic3A_519 : i32 to vector<16xi32>
      %shift_right_arithmetic3A_521 = arith.shrsi %and3A_511, %shift_right_arithmetic3A_520 : vector<16xi32>
      %add3A_522 = arith.addi %sub3A, %shift_right_arithmetic3A_521 : vector<16xi32>
      %shift_left3A_523 = arith.constant 1 : i32
      %shift_left3A_524 = vector.broadcast %shift_left3A_523 : i32 to vector<16xi32>
      %shift_left3A_525 = arith.shli %or3A_516, %shift_left3A_524 : vector<16xi32>
      %or3A_526 = arith.constant 4096 : i32
      %or3A_527 = vector.broadcast %or3A_526 : i32 to vector<16xi32>
      %or3A_528 = arith.ori %shift_left3A_525, %or3A_527 : vector<16xi32>
      %and3A_529 = arith.andi %or3A_528, %or3A_510 : vector<16xi32>
      %shift_left3A_530 = arith.constant 1 : i32
      %shift_left3A_531 = vector.broadcast %shift_left3A_530 : i32 to vector<16xi32>
      %shift_left3A_532 = arith.shli %and3A_511, %shift_left3A_531 : vector<16xi32>
      %or3A_533 = arith.ori %or3A_528, %or3A_510 : vector<16xi32>
      %xor3A_534 = arith.constant -1 : i32
      %xor3A_535 = vector.broadcast %xor3A_534 : i32 to vector<16xi32>
      %xor3A_536 = arith.xori %or3A_533, %xor3A_535 : vector<16xi32>
      %or3A_537 = arith.ori %shift_left3A_532, %xor3A_536 : vector<16xi32>
      %add3A_538 = arith.constant 1 : i32
      %add3A_539 = vector.broadcast %add3A_538 : i32 to vector<16xi32>
      %add3A_540 = arith.addi %scan3A_500, %add3A_539 : vector<16xi32>
      %gather3A_541 = tpu.vector_load_idx %arg4[%scan3A_501] : memref<2560xi32, #tpu.memory_space<vmem>>[vector<16xi32>], vector<16xi32>,
      %shift_left3A_542 = arith.constant 4 : i32
      %shift_left3A_543 = vector.broadcast %shift_left3A_542 : i32 to vector<16xi32>
      %shift_left3A_544 = arith.shli %gather3A_541, %shift_left3A_543 : vector<16xi32>
      %add3A_545 = arith.addi %add3A_36, %shift_left3A_544 : vector<16xi32>
      %gather3A_546 = tpu.vector_load_idx %arg7[%add3A_545] : memref<8192xi32, #tpu.memory_space<vmem>>[vector<16xi32>], vector<16xi32>,
      %or3A_547 = arith.ori %gather3A_546, %scan3A_493 : vector<16xi32>
      %and3A_548 = arith.andi %or3A_547, %scan3A_489 : vector<16xi32>
      %add3A_549 = arith.addi %scan3A_489, %and3A_548 : vector<16xi32>
      %xor3A_550 = arith.xori %add3A_549, %scan3A_489 : vector<16xi32>
      %or3A_551 = arith.ori %xor3A_550, %or3A_547 : vector<16xi32>
      %and3A_552 = arith.andi %scan3A_489, %or3A_551 : vector<16xi32>
      %or3A_553 = arith.ori %scan3A_489, %or3A_551 : vector<16xi32>
      %xor3A_554 = arith.constant -1 : i32
      %xor3A_555 = vector.broadcast %xor3A_554 : i32 to vector<16xi32>
      %xor3A_556 = arith.xori %or3A_553, %xor3A_555 : vector<16xi32>
      %or3A_557 = arith.ori %scan3A_493, %xor3A_556 : vector<16xi32>
      %shift_right_arithmetic3A_558 = arith.constant 31 : i32
      %shift_right_arithmetic3A_559 = vector.broadcast %shift_right_arithmetic3A_558 : i32 to vector<16xi32>
      %shift_right_arithmetic3A_560 = arith.shrsi %or3A_557, %shift_right_arithmetic3A_559 : vector<16xi32>
      %sub3A_561 = arith.subi %scan3A_497, %shift_right_arithmetic3A_560 : vector<16xi32>
      %shift_right_arithmetic3A_562 = arith.constant 31 : i32
      %shift_right_arithmetic3A_563 = vector.broadcast %shift_right_arithmetic3A_562 : i32 to vector<16xi32>
      %shift_right_arithmetic3A_564 = arith.shrsi %and3A_552, %shift_right_arithmetic3A_563 : vector<16xi32>
      %add3A_565 = arith.addi %sub3A_561, %shift_right_arithmetic3A_564 : vector<16xi32>
      %shift_left3A_566 = arith.constant 1 : i32
      %shift_left3A_567 = vector.broadcast %shift_left3A_566 : i32 to vector<16xi32>
      %shift_left3A_568 = arith.shli %or3A_557, %shift_left3A_567 : vector<16xi32>
      %or3A_569 = arith.constant 4096 : i32
      %or3A_570 = vector.broadcast %or3A_569 : i32 to vector<16xi32>
      %or3A_571 = arith.ori %shift_left3A_568, %or3A_570 : vector<16xi32>
      %and3A_572 = arith.andi %or3A_571, %or3A_551 : vector<16xi32>
      %shift_left3A_573 = arith.constant 1 : i32
      %shift_left3A_574 = vector.broadcast %shift_left3A_573 : i32 to vector<16xi32>
      %shift_left3A_575 = arith.shli %and3A_552, %shift_left3A_574 : vector<16xi32>
      %or3A_576 = arith.ori %or3A_571, %or3A_551 : vector<16xi32>
      %xor3A_577 = arith.constant -1 : i32
      %xor3A_578 = vector.broadcast %xor3A_577 : i32 to vector<16xi32>
      %xor3A_579 = arith.xori %or3A_576, %xor3A_578 : vector<16xi32>
      %or3A_580 = arith.ori %shift_left3A_575, %xor3A_579 : vector<16xi32>
      %add3A_581 = arith.constant 1 : i32
      %add3A_582 = vector.broadcast %add3A_581 : i32 to vector<16xi32>
      %add3A_583 = arith.addi %scan3A_501, %add3A_582 : vector<16xi32>
      %gather3A_584 = tpu.vector_load_idx %arg4[%scan3A_502] : memref<2560xi32, #tpu.memory_space<vmem>>[vector<16xi32>], vector<16xi32>,
      %shift_left3A_585 = arith.constant 4 : i32
      %shift_left3A_586 = vector.broadcast %shift_left3A_585 : i32 to vector<16xi32>
      %shift_left3A_587 = arith.shli %gather3A_584, %shift_left3A_586 : vector<16xi32>
      %add3A_588 = arith.addi %add3A_39, %shift_left3A_587 : vector<16xi32>
      %gather3A_589 = tpu.vector_load_idx %arg7[%add3A_588] : memref<8192xi32, #tpu.memory_space<vmem>>[vector<16xi32>], vector<16xi32>,
      %or3A_590 = arith.ori %gather3A_589, %scan3A_494 : vector<16xi32>
      %and3A_591 = arith.andi %or3A_590, %scan3A_490 : vector<16xi32>
      %add3A_592 = arith.addi %scan3A_490, %and3A_591 : vector<16xi32>
      %xor3A_593 = arith.xori %add3A_592, %scan3A_490 : vector<16xi32>
      %or3A_594 = arith.ori %xor3A_593, %or3A_590 : vector<16xi32>
      %and3A_595 = arith.andi %scan3A_490, %or3A_594 : vector<16xi32>
      %or3A_596 = arith.ori %scan3A_490, %or3A_594 : vector<16xi32>
      %xor3A_597 = arith.constant -1 : i32
      %xor3A_598 = vector.broadcast %xor3A_597 : i32 to vector<16xi32>
      %xor3A_599 = arith.xori %or3A_596, %xor3A_598 : vector<16xi32>
      %or3A_600 = arith.ori %scan3A_494, %xor3A_599 : vector<16xi32>
      %shift_right_arithmetic3A_601 = arith.constant 31 : i32
      %shift_right_arithmetic3A_602 = vector.broadcast %shift_right_arithmetic3A_601 : i32 to vector<16xi32>
      %shift_right_arithmetic3A_603 = arith.shrsi %or3A_600, %shift_right_arithmetic3A_602 : vector<16xi32>
      %sub3A_604 = arith.subi %scan3A_498, %shift_right_arithmetic3A_603 : vector<16xi32>
      %shift_right_arithmetic3A_605 = arith.constant 31 : i32
      %shift_right_arithmetic3A_606 = vector.broadcast %shift_right_arithmetic3A_605 : i32 to vector<16xi32>
      %shift_right_arithmetic3A_607 = arith.shrsi %and3A_595, %shift_right_arithmetic3A_606 : vector<16xi32>
      %add3A_608 = arith.addi %sub3A_604, %shift_right_arithmetic3A_607 : vector<16xi32>
      %shift_left3A_609 = arith.constant 1 : i32
      %shift_left3A_610 = vector.broadcast %shift_left3A_609 : i32 to vector<16xi32>
      %shift_left3A_611 = arith.shli %or3A_600, %shift_left3A_610 : vector<16xi32>
      %or3A_612 = arith.constant 4096 : i32
      %or3A_613 = vector.broadcast %or3A_612 : i32 to vector<16xi32>
      %or3A_614 = arith.ori %shift_left3A_611, %or3A_613 : vector<16xi32>
      %and3A_615 = arith.andi %or3A_614, %or3A_594 : vector<16xi32>
      %shift_left3A_616 = arith.constant 1 : i32
      %shift_left3A_617 = vector.broadcast %shift_left3A_616 : i32 to vector<16xi32>
      %shift_left3A_618 = arith.shli %and3A_595, %shift_left3A_617 : vector<16xi32>
      %or3A_619 = arith.ori %or3A_614, %or3A_594 : vector<16xi32>
      %xor3A_620 = arith.constant -1 : i32
      %xor3A_621 = vector.broadcast %xor3A_620 : i32 to vector<16xi32>
      %xor3A_622 = arith.xori %or3A_619, %xor3A_621 : vector<16xi32>
      %or3A_623 = arith.ori %shift_left3A_618, %xor3A_622 : vector<16xi32>
      %add3A_624 = arith.constant 1 : i32
      %add3A_625 = vector.broadcast %add3A_624 : i32 to vector<16xi32>
      %add3A_626 = arith.addi %scan3A_502, %add3A_625 : vector<16xi32>
      %gather3A_627 = tpu.vector_load_idx %arg4[%scan3A_503] : memref<2560xi32, #tpu.memory_space<vmem>>[vector<16xi32>], vector<16xi32>,
      %shift_left3A_628 = arith.constant 4 : i32
      %shift_left3A_629 = vector.broadcast %shift_left3A_628 : i32 to vector<16xi32>
      %shift_left3A_630 = arith.shli %gather3A_627, %shift_left3A_629 : vector<16xi32>
      %add3A_631 = arith.addi %add3A_42, %shift_left3A_630 : vector<16xi32>
      %gather3A_632 = tpu.vector_load_idx %arg7[%add3A_631] : memref<8192xi32, #tpu.memory_space<vmem>>[vector<16xi32>], vector<16xi32>,
      %or3A_633 = arith.ori %gather3A_632, %scan3A_495 : vector<16xi32>
      %and3A_634 = arith.andi %or3A_633, %scan3A_491 : vector<16xi32>
      %add3A_635 = arith.addi %scan3A_491, %and3A_634 : vector<16xi32>
      %xor3A_636 = arith.xori %add3A_635, %scan3A_491 : vector<16xi32>
      %or3A_637 = arith.ori %xor3A_636, %or3A_633 : vector<16xi32>
      %and3A_638 = arith.andi %scan3A_491, %or3A_637 : vector<16xi32>
      %or3A_639 = arith.ori %scan3A_491, %or3A_637 : vector<16xi32>
      %xor3A_640 = arith.constant -1 : i32
      %xor3A_641 = vector.broadcast %xor3A_640 : i32 to vector<16xi32>
      %xor3A_642 = arith.xori %or3A_639, %xor3A_641 : vector<16xi32>
      %or3A_643 = arith.ori %scan3A_495, %xor3A_642 : vector<16xi32>
      %shift_right_arithmetic3A_644 = arith.constant 31 : i32
      %shift_right_arithmetic3A_645 = vector.broadcast %shift_right_arithmetic3A_644 : i32 to vector<16xi32>
      %shift_right_arithmetic3A_646 = arith.shrsi %or3A_643, %shift_right_arithmetic3A_645 : vector<16xi32>
      %sub3A_647 = arith.subi %scan3A_499, %shift_right_arithmetic3A_646 : vector<16xi32>
      %shift_right_arithmetic3A_648 = arith.constant 31 : i32
      %shift_right_arithmetic3A_649 = vector.broadcast %shift_right_arithmetic3A_648 : i32 to vector<16xi32>
      %shift_right_arithmetic3A_650 = arith.shrsi %and3A_638, %shift_right_arithmetic3A_649 : vector<16xi32>
      %add3A_651 = arith.addi %sub3A_647, %shift_right_arithmetic3A_650 : vector<16xi32>
      %shift_left3A_652 = arith.constant 1 : i32
      %shift_left3A_653 = vector.broadcast %shift_left3A_652 : i32 to vector<16xi32>
      %shift_left3A_654 = arith.shli %or3A_643, %shift_left3A_653 : vector<16xi32>
      %or3A_655 = arith.constant 4096 : i32
      %or3A_656 = vector.broadcast %or3A_655 : i32 to vector<16xi32>
      %or3A_657 = arith.ori %shift_left3A_654, %or3A_656 : vector<16xi32>
      %and3A_658 = arith.andi %or3A_657, %or3A_637 : vector<16xi32>
      %shift_left3A_659 = arith.constant 1 : i32
      %shift_left3A_660 = vector.broadcast %shift_left3A_659 : i32 to vector<16xi32>
      %shift_left3A_661 = arith.shli %and3A_638, %shift_left3A_660 : vector<16xi32>
      %or3A_662 = arith.ori %or3A_657, %or3A_637 : vector<16xi32>
      %xor3A_663 = arith.constant -1 : i32
      %xor3A_664 = vector.broadcast %xor3A_663 : i32 to vector<16xi32>
      %xor3A_665 = arith.xori %or3A_662, %xor3A_664 : vector<16xi32>
      %or3A_666 = arith.ori %shift_left3A_661, %xor3A_665 : vector<16xi32>
      %add3A_667 = arith.constant 1 : i32
      %add3A_668 = vector.broadcast %add3A_667 : i32 to vector<16xi32>
      %add3A_669 = arith.addi %scan3A_503, %add3A_668 : vector<16xi32>
      %scan3A_670 = arith.constant 1 : i32
      %scan3A_671 = arith.addi %scan3A_487, %scan3A_670 : i32
      %gather3A_672 = tpu.vector_load_idx %arg4[%add3A_540] : memref<2560xi32, #tpu.memory_space<vmem>>[vector<16xi32>], vector<16xi32>,
      %shift_left3A_673 = arith.constant 4 : i32
      %shift_left3A_674 = vector.broadcast %shift_left3A_673 : i32 to vector<16xi32>
      %shift_left3A_675 = arith.shli %gather3A_672, %shift_left3A_674 : vector<16xi32>
      %add3A_676 = arith.addi %add3A_33, %shift_left3A_675 : vector<16xi32>
      %gather3A_677 = tpu.vector_load_idx %arg7[%add3A_676] : memref<8192xi32, #tpu.memory_space<vmem>>[vector<16xi32>], vector<16xi32>,
      %or3A_678 = arith.ori %gather3A_677, %and3A_529 : vector<16xi32>
      %and3A_679 = arith.andi %or3A_678, %or3A_537 : vector<16xi32>
      %add3A_680 = arith.addi %or3A_537, %and3A_679 : vector<16xi32>
      %xor3A_681 = arith.xori %add3A_680, %or3A_537 : vector<16xi32>
      %or3A_682 = arith.ori %xor3A_681, %or3A_678 : vector<16xi32>
      %and3A_683 = arith.andi %or3A_537, %or3A_682 : vector<16xi32>
      %or3A_684 = arith.ori %or3A_537, %or3A_682 : vector<16xi32>
      %xor3A_685 = arith.constant -1 : i32
      %xor3A_686 = vector.broadcast %xor3A_685 : i32 to vector<16xi32>
      %xor3A_687 = arith.xori %or3A_684, %xor3A_686 : vector<16xi32>
      %or3A_688 = arith.ori %and3A_529, %xor3A_687 : vector<16xi32>
      %shift_right_arithmetic3A_689 = arith.constant 31 : i32
      %shift_right_arithmetic3A_690 = vector.broadcast %shift_right_arithmetic3A_689 : i32 to vector<16xi32>
      %shift_right_arithmetic3A_691 = arith.shrsi %or3A_688, %shift_right_arithmetic3A_690 : vector<16xi32>
      %sub3A_692 = arith.subi %add3A_522, %shift_right_arithmetic3A_691 : vector<16xi32>
      %shift_right_arithmetic3A_693 = arith.constant 31 : i32
      %shift_right_arithmetic3A_694 = vector.broadcast %shift_right_arithmetic3A_693 : i32 to vector<16xi32>
      %shift_right_arithmetic3A_695 = arith.shrsi %and3A_683, %shift_right_arithmetic3A_694 : vector<16xi32>
      %add3A_696 = arith.addi %sub3A_692, %shift_right_arithmetic3A_695 : vector<16xi32>
      %shift_left3A_697 = arith.constant 1 : i32
      %shift_left3A_698 = vector.broadcast %shift_left3A_697 : i32 to vector<16xi32>
      %shift_left3A_699 = arith.shli %or3A_688, %shift_left3A_698 : vector<16xi32>
      %or3A_700 = arith.constant 4096 : i32
      %or3A_701 = vector.broadcast %or3A_700 : i32 to vector<16xi32>
      %or3A_702 = arith.ori %shift_left3A_699, %or3A_701 : vector<16xi32>
      %and3A_703 = arith.andi %or3A_702, %or3A_682 : vector<16xi32>
      %shift_left3A_704 = arith.constant 1 : i32
      %shift_left3A_705 = vector.broadcast %shift_left3A_704 : i32 to vector<16xi32>
      %shift_left3A_706 = arith.shli %and3A_683, %shift_left3A_705 : vector<16xi32>
      %or3A_707 = arith.ori %or3A_702, %or3A_682 : vector<16xi32>
      %xor3A_708 = arith.constant -1 : i32
      %xor3A_709 = vector.broadcast %xor3A_708 : i32 to vector<16xi32>
      %xor3A_710 = arith.xori %or3A_707, %xor3A_709 : vector<16xi32>
      %or3A_711 = arith.ori %shift_left3A_706, %xor3A_710 : vector<16xi32>
      %add3A_712 = arith.constant 1 : i32
      %add3A_713 = vector.broadcast %add3A_712 : i32 to vector<16xi32>
      %add3A_714 = arith.addi %add3A_540, %add3A_713 : vector<16xi32>
      %gather3A_715 = tpu.vector_load_idx %arg4[%add3A_583] : memref<2560xi32, #tpu.memory_space<vmem>>[vector<16xi32>], vector<16xi32>,
      %shift_left3A_716 = arith.constant 4 : i32
      %shift_left3A_717 = vector.broadcast %shift_left3A_716 : i32 to vector<16xi32>
      %shift_left3A_718 = arith.shli %gather3A_715, %shift_left3A_717 : vector<16xi32>
      %add3A_719 = arith.addi %add3A_36, %shift_left3A_718 : vector<16xi32>
      %gather3A_720 = tpu.vector_load_idx %arg7[%add3A_719] : memref<8192xi32, #tpu.memory_space<vmem>>[vector<16xi32>], vector<16xi32>,
      %or3A_721 = arith.ori %gather3A_720, %and3A_572 : vector<16xi32>
      %and3A_722 = arith.andi %or3A_721, %or3A_580 : vector<16xi32>
      %add3A_723 = arith.addi %or3A_580, %and3A_722 : vector<16xi32>
      %xor3A_724 = arith.xori %add3A_723, %or3A_580 : vector<16xi32>
      %or3A_725 = arith.ori %xor3A_724, %or3A_721 : vector<16xi32>
      %and3A_726 = arith.andi %or3A_580, %or3A_725 : vector<16xi32>
      %or3A_727 = arith.ori %or3A_580, %or3A_725 : vector<16xi32>
      %xor3A_728 = arith.constant -1 : i32
      %xor3A_729 = vector.broadcast %xor3A_728 : i32 to vector<16xi32>
      %xor3A_730 = arith.xori %or3A_727, %xor3A_729 : vector<16xi32>
      %or3A_731 = arith.ori %and3A_572, %xor3A_730 : vector<16xi32>
      %shift_right_arithmetic3A_732 = arith.constant 31 : i32
      %shift_right_arithmetic3A_733 = vector.broadcast %shift_right_arithmetic3A_732 : i32 to vector<16xi32>
      %shift_right_arithmetic3A_734 = arith.shrsi %or3A_731, %shift_right_arithmetic3A_733 : vector<16xi32>
      %sub3A_735 = arith.subi %add3A_565, %shift_right_arithmetic3A_734 : vector<16xi32>
      %shift_right_arithmetic3A_736 = arith.constant 31 : i32
      %shift_right_arithmetic3A_737 = vector.broadcast %shift_right_arithmetic3A_736 : i32 to vector<16xi32>
      %shift_right_arithmetic3A_738 = arith.shrsi %and3A_726, %shift_right_arithmetic3A_737 : vector<16xi32>
      %add3A_739 = arith.addi %sub3A_735, %shift_right_arithmetic3A_738 : vector<16xi32>
      %shift_left3A_740 = arith.constant 1 : i32
      %shift_left3A_741 = vector.broadcast %shift_left3A_740 : i32 to vector<16xi32>
      %shift_left3A_742 = arith.shli %or3A_731, %shift_left3A_741 : vector<16xi32>
      %or3A_743 = arith.constant 4096 : i32
      %or3A_744 = vector.broadcast %or3A_743 : i32 to vector<16xi32>
      %or3A_745 = arith.ori %shift_left3A_742, %or3A_744 : vector<16xi32>
      %and3A_746 = arith.andi %or3A_745, %or3A_725 : vector<16xi32>
      %shift_left3A_747 = arith.constant 1 : i32
      %shift_left3A_748 = vector.broadcast %shift_left3A_747 : i32 to vector<16xi32>
      %shift_left3A_749 = arith.shli %and3A_726, %shift_left3A_748 : vector<16xi32>
      %or3A_750 = arith.ori %or3A_745, %or3A_725 : vector<16xi32>
      %xor3A_751 = arith.constant -1 : i32
      %xor3A_752 = vector.broadcast %xor3A_751 : i32 to vector<16xi32>
      %xor3A_753 = arith.xori %or3A_750, %xor3A_752 : vector<16xi32>
      %or3A_754 = arith.ori %shift_left3A_749, %xor3A_753 : vector<16xi32>
      %add3A_755 = arith.constant 1 : i32
      %add3A_756 = vector.broadcast %add3A_755 : i32 to vector<16xi32>
      %add3A_757 = arith.addi %add3A_583, %add3A_756 : vector<16xi32>
      %gather3A_758 = tpu.vector_load_idx %arg4[%add3A_626] : memref<2560xi32, #tpu.memory_space<vmem>>[vector<16xi32>], vector<16xi32>,
      %shift_left3A_759 = arith.constant 4 : i32
      %shift_left3A_760 = vector.broadcast %shift_left3A_759 : i32 to vector<16xi32>
      %shift_left3A_761 = arith.shli %gather3A_758, %shift_left3A_760 : vector<16xi32>
      %add3A_762 = arith.addi %add3A_39, %shift_left3A_761 : vector<16xi32>
      %gather3A_763 = tpu.vector_load_idx %arg7[%add3A_762] : memref<8192xi32, #tpu.memory_space<vmem>>[vector<16xi32>], vector<16xi32>,
      %or3A_764 = arith.ori %gather3A_763, %and3A_615 : vector<16xi32>
      %and3A_765 = arith.andi %or3A_764, %or3A_623 : vector<16xi32>
      %add3A_766 = arith.addi %or3A_623, %and3A_765 : vector<16xi32>
      %xor3A_767 = arith.xori %add3A_766, %or3A_623 : vector<16xi32>
      %or3A_768 = arith.ori %xor3A_767, %or3A_764 : vector<16xi32>
      %and3A_769 = arith.andi %or3A_623, %or3A_768 : vector<16xi32>
      %or3A_770 = arith.ori %or3A_623, %or3A_768 : vector<16xi32>
      %xor3A_771 = arith.constant -1 : i32
      %xor3A_772 = vector.broadcast %xor3A_771 : i32 to vector<16xi32>
      %xor3A_773 = arith.xori %or3A_770, %xor3A_772 : vector<16xi32>
      %or3A_774 = arith.ori %and3A_615, %xor3A_773 : vector<16xi32>
      %shift_right_arithmetic3A_775 = arith.constant 31 : i32
      %shift_right_arithmetic3A_776 = vector.broadcast %shift_right_arithmetic3A_775 : i32 to vector<16xi32>
      %shift_right_arithmetic3A_777 = arith.shrsi %or3A_774, %shift_right_arithmetic3A_776 : vector<16xi32>
      %sub3A_778 = arith.subi %add3A_608, %shift_right_arithmetic3A_777 : vector<16xi32>
      %shift_right_arithmetic3A_779 = arith.constant 31 : i32
      %shift_right_arithmetic3A_780 = vector.broadcast %shift_right_arithmetic3A_779 : i32 to vector<16xi32>
      %shift_right_arithmetic3A_781 = arith.shrsi %and3A_769, %shift_right_arithmetic3A_780 : vector<16xi32>
      %add3A_782 = arith.addi %sub3A_778, %shift_right_arithmetic3A_781 : vector<16xi32>
      %shift_left3A_783 = arith.constant 1 : i32
      %shift_left3A_784 = vector.broadcast %shift_left3A_783 : i32 to vector<16xi32>
      %shift_left3A_785 = arith.shli %or3A_774, %shift_left3A_784 : vector<16xi32>
      %or3A_786 = arith.constant 4096 : i32
      %or3A_787 = vector.broadcast %or3A_786 : i32 to vector<16xi32>
      %or3A_788 = arith.ori %shift_left3A_785, %or3A_787 : vector<16xi32>
      %and3A_789 = arith.andi %or3A_788, %or3A_768 : vector<16xi32>
      %shift_left3A_790 = arith.constant 1 : i32
      %shift_left3A_791 = vector.broadcast %shift_left3A_790 : i32 to vector<16xi32>
      %shift_left3A_792 = arith.shli %and3A_769, %shift_left3A_791 : vector<16xi32>
      %or3A_793 = arith.ori %or3A_788, %or3A_768 : vector<16xi32>
      %xor3A_794 = arith.constant -1 : i32
      %xor3A_795 = vector.broadcast %xor3A_794 : i32 to vector<16xi32>
      %xor3A_796 = arith.xori %or3A_793, %xor3A_795 : vector<16xi32>
      %or3A_797 = arith.ori %shift_left3A_792, %xor3A_796 : vector<16xi32>
      %add3A_798 = arith.constant 1 : i32
      %add3A_799 = vector.broadcast %add3A_798 : i32 to vector<16xi32>
      %add3A_800 = arith.addi %add3A_626, %add3A_799 : vector<16xi32>
      %gather3A_801 = tpu.vector_load_idx %arg4[%add3A_669] : memref<2560xi32, #tpu.memory_space<vmem>>[vector<16xi32>], vector<16xi32>,
      %shift_left3A_802 = arith.constant 4 : i32
      %shift_left3A_803 = vector.broadcast %shift_left3A_802 : i32 to vector<16xi32>
      %shift_left3A_804 = arith.shli %gather3A_801, %shift_left3A_803 : vector<16xi32>
      %add3A_805 = arith.addi %add3A_42, %shift_left3A_804 : vector<16xi32>
      %gather3A_806 = tpu.vector_load_idx %arg7[%add3A_805] : memref<8192xi32, #tpu.memory_space<vmem>>[vector<16xi32>], vector<16xi32>,
      %or3A_807 = arith.ori %gather3A_806, %and3A_658 : vector<16xi32>
      %and3A_808 = arith.andi %or3A_807, %or3A_666 : vector<16xi32>
      %add3A_809 = arith.addi %or3A_666, %and3A_808 : vector<16xi32>
      %xor3A_810 = arith.xori %add3A_809, %or3A_666 : vector<16xi32>
      %or3A_811 = arith.ori %xor3A_810, %or3A_807 : vector<16xi32>
      %and3A_812 = arith.andi %or3A_666, %or3A_811 : vector<16xi32>
      %or3A_813 = arith.ori %or3A_666, %or3A_811 : vector<16xi32>
      %xor3A_814 = arith.constant -1 : i32
      %xor3A_815 = vector.broadcast %xor3A_814 : i32 to vector<16xi32>
      %xor3A_816 = arith.xori %or3A_813, %xor3A_815 : vector<16xi32>
      %or3A_817 = arith.ori %and3A_658, %xor3A_816 : vector<16xi32>
      %shift_right_arithmetic3A_818 = arith.constant 31 : i32
      %shift_right_arithmetic3A_819 = vector.broadcast %shift_right_arithmetic3A_818 : i32 to vector<16xi32>
      %shift_right_arithmetic3A_820 = arith.shrsi %or3A_817, %shift_right_arithmetic3A_819 : vector<16xi32>
      %sub3A_821 = arith.subi %add3A_651, %shift_right_arithmetic3A_820 : vector<16xi32>
      %shift_right_arithmetic3A_822 = arith.constant 31 : i32
      %shift_right_arithmetic3A_823 = vector.broadcast %shift_right_arithmetic3A_822 : i32 to vector<16xi32>
      %shift_right_arithmetic3A_824 = arith.shrsi %and3A_812, %shift_right_arithmetic3A_823 : vector<16xi32>
      %add3A_825 = arith.addi %sub3A_821, %shift_right_arithmetic3A_824 : vector<16xi32>
      %shift_left3A_826 = arith.constant 1 : i32
      %shift_left3A_827 = vector.broadcast %shift_left3A_826 : i32 to vector<16xi32>
      %shift_left3A_828 = arith.shli %or3A_817, %shift_left3A_827 : vector<16xi32>
      %or3A_829 = arith.constant 4096 : i32
      %or3A_830 = vector.broadcast %or3A_829 : i32 to vector<16xi32>
      %or3A_831 = arith.ori %shift_left3A_828, %or3A_830 : vector<16xi32>
      %and3A_832 = arith.andi %or3A_831, %or3A_811 : vector<16xi32>
      %shift_left3A_833 = arith.constant 1 : i32
      %shift_left3A_834 = vector.broadcast %shift_left3A_833 : i32 to vector<16xi32>
      %shift_left3A_835 = arith.shli %and3A_812, %shift_left3A_834 : vector<16xi32>
      %or3A_836 = arith.ori %or3A_831, %or3A_811 : vector<16xi32>
      %xor3A_837 = arith.constant -1 : i32
      %xor3A_838 = vector.broadcast %xor3A_837 : i32 to vector<16xi32>
      %xor3A_839 = arith.xori %or3A_836, %xor3A_838 : vector<16xi32>
      %or3A_840 = arith.ori %shift_left3A_835, %xor3A_839 : vector<16xi32>
      %add3A_841 = arith.constant 1 : i32
      %add3A_842 = vector.broadcast %add3A_841 : i32 to vector<16xi32>
      %add3A_843 = arith.addi %add3A_669, %add3A_842 : vector<16xi32>
      %scan3A_844 = arith.constant 2 : i32
      %scan3A_845 = arith.addi %scan3A_487, %scan3A_844 : i32
      %gather3A_846 = tpu.vector_load_idx %arg4[%add3A_714] : memref<2560xi32, #tpu.memory_space<vmem>>[vector<16xi32>], vector<16xi32>,
      %shift_left3A_847 = arith.constant 4 : i32
      %shift_left3A_848 = vector.broadcast %shift_left3A_847 : i32 to vector<16xi32>
      %shift_left3A_849 = arith.shli %gather3A_846, %shift_left3A_848 : vector<16xi32>
      %add3A_850 = arith.addi %add3A_33, %shift_left3A_849 : vector<16xi32>
      %gather3A_851 = tpu.vector_load_idx %arg7[%add3A_850] : memref<8192xi32, #tpu.memory_space<vmem>>[vector<16xi32>], vector<16xi32>,
      %or3A_852 = arith.ori %gather3A_851, %and3A_703 : vector<16xi32>
      %and3A_853 = arith.andi %or3A_852, %or3A_711 : vector<16xi32>
      %add3A_854 = arith.addi %or3A_711, %and3A_853 : vector<16xi32>
      %xor3A_855 = arith.xori %add3A_854, %or3A_711 : vector<16xi32>
      %or3A_856 = arith.ori %xor3A_855, %or3A_852 : vector<16xi32>
      %and3A_857 = arith.andi %or3A_711, %or3A_856 : vector<16xi32>
      %or3A_858 = arith.ori %or3A_711, %or3A_856 : vector<16xi32>
      %xor3A_859 = arith.constant -1 : i32
      %xor3A_860 = vector.broadcast %xor3A_859 : i32 to vector<16xi32>
      %xor3A_861 = arith.xori %or3A_858, %xor3A_860 : vector<16xi32>
      %or3A_862 = arith.ori %and3A_703, %xor3A_861 : vector<16xi32>
      %shift_right_arithmetic3A_863 = arith.constant 31 : i32
      %shift_right_arithmetic3A_864 = vector.broadcast %shift_right_arithmetic3A_863 : i32 to vector<16xi32>
      %shift_right_arithmetic3A_865 = arith.shrsi %or3A_862, %shift_right_arithmetic3A_864 : vector<16xi32>
      %sub3A_866 = arith.subi %add3A_696, %shift_right_arithmetic3A_865 : vector<16xi32>
      %shift_right_arithmetic3A_867 = arith.constant 31 : i32
      %shift_right_arithmetic3A_868 = vector.broadcast %shift_right_arithmetic3A_867 : i32 to vector<16xi32>
      %shift_right_arithmetic3A_869 = arith.shrsi %and3A_857, %shift_right_arithmetic3A_868 : vector<16xi32>
      %add3A_870 = arith.addi %sub3A_866, %shift_right_arithmetic3A_869 : vector<16xi32>
      %shift_left3A_871 = arith.constant 1 : i32
      %shift_left3A_872 = vector.broadcast %shift_left3A_871 : i32 to vector<16xi32>
      %shift_left3A_873 = arith.shli %or3A_862, %shift_left3A_872 : vector<16xi32>
      %or3A_874 = arith.constant 4096 : i32
      %or3A_875 = vector.broadcast %or3A_874 : i32 to vector<16xi32>
      %or3A_876 = arith.ori %shift_left3A_873, %or3A_875 : vector<16xi32>
      %and3A_877 = arith.andi %or3A_876, %or3A_856 : vector<16xi32>
      %shift_left3A_878 = arith.constant 1 : i32
      %shift_left3A_879 = vector.broadcast %shift_left3A_878 : i32 to vector<16xi32>
      %shift_left3A_880 = arith.shli %and3A_857, %shift_left3A_879 : vector<16xi32>
      %or3A_881 = arith.ori %or3A_876, %or3A_856 : vector<16xi32>
      %xor3A_882 = arith.constant -1 : i32
      %xor3A_883 = vector.broadcast %xor3A_882 : i32 to vector<16xi32>
      %xor3A_884 = arith.xori %or3A_881, %xor3A_883 : vector<16xi32>
      %or3A_885 = arith.ori %shift_left3A_880, %xor3A_884 : vector<16xi32>
      %add3A_886 = arith.constant 1 : i32
      %add3A_887 = vector.broadcast %add3A_886 : i32 to vector<16xi32>
      %add3A_888 = arith.addi %add3A_714, %add3A_887 : vector<16xi32>
      %gather3A_889 = tpu.vector_load_idx %arg4[%add3A_757] : memref<2560xi32, #tpu.memory_space<vmem>>[vector<16xi32>], vector<16xi32>,
      %shift_left3A_890 = arith.constant 4 : i32
      %shift_left3A_891 = vector.broadcast %shift_left3A_890 : i32 to vector<16xi32>
      %shift_left3A_892 = arith.shli %gather3A_889, %shift_left3A_891 : vector<16xi32>
      %add3A_893 = arith.addi %add3A_36, %shift_left3A_892 : vector<16xi32>
      %gather3A_894 = tpu.vector_load_idx %arg7[%add3A_893] : memref<8192xi32, #tpu.memory_space<vmem>>[vector<16xi32>], vector<16xi32>,
      %or3A_895 = arith.ori %gather3A_894, %and3A_746 : vector<16xi32>
      %and3A_896 = arith.andi %or3A_895, %or3A_754 : vector<16xi32>
      %add3A_897 = arith.addi %or3A_754, %and3A_896 : vector<16xi32>
      %xor3A_898 = arith.xori %add3A_897, %or3A_754 : vector<16xi32>
      %or3A_899 = arith.ori %xor3A_898, %or3A_895 : vector<16xi32>
      %and3A_900 = arith.andi %or3A_754, %or3A_899 : vector<16xi32>
      %or3A_901 = arith.ori %or3A_754, %or3A_899 : vector<16xi32>
      %xor3A_902 = arith.constant -1 : i32
      %xor3A_903 = vector.broadcast %xor3A_902 : i32 to vector<16xi32>
      %xor3A_904 = arith.xori %or3A_901, %xor3A_903 : vector<16xi32>
      %or3A_905 = arith.ori %and3A_746, %xor3A_904 : vector<16xi32>
      %shift_right_arithmetic3A_906 = arith.constant 31 : i32
      %shift_right_arithmetic3A_907 = vector.broadcast %shift_right_arithmetic3A_906 : i32 to vector<16xi32>
      %shift_right_arithmetic3A_908 = arith.shrsi %or3A_905, %shift_right_arithmetic3A_907 : vector<16xi32>
      %sub3A_909 = arith.subi %add3A_739, %shift_right_arithmetic3A_908 : vector<16xi32>
      %shift_right_arithmetic3A_910 = arith.constant 31 : i32
      %shift_right_arithmetic3A_911 = vector.broadcast %shift_right_arithmetic3A_910 : i32 to vector<16xi32>
      %shift_right_arithmetic3A_912 = arith.shrsi %and3A_900, %shift_right_arithmetic3A_911 : vector<16xi32>
      %add3A_913 = arith.addi %sub3A_909, %shift_right_arithmetic3A_912 : vector<16xi32>
      %shift_left3A_914 = arith.constant 1 : i32
      %shift_left3A_915 = vector.broadcast %shift_left3A_914 : i32 to vector<16xi32>
      %shift_left3A_916 = arith.shli %or3A_905, %shift_left3A_915 : vector<16xi32>
      %or3A_917 = arith.constant 4096 : i32
      %or3A_918 = vector.broadcast %or3A_917 : i32 to vector<16xi32>
      %or3A_919 = arith.ori %shift_left3A_916, %or3A_918 : vector<16xi32>
      %and3A_920 = arith.andi %or3A_919, %or3A_899 : vector<16xi32>
      %shift_left3A_921 = arith.constant 1 : i32
      %shift_left3A_922 = vector.broadcast %shift_left3A_921 : i32 to vector<16xi32>
      %shift_left3A_923 = arith.shli %and3A_900, %shift_left3A_922 : vector<16xi32>
      %or3A_924 = arith.ori %or3A_919, %or3A_899 : vector<16xi32>
      %xor3A_925 = arith.constant -1 : i32
      %xor3A_926 = vector.broadcast %xor3A_925 : i32 to vector<16xi32>
      %xor3A_927 = arith.xori %or3A_924, %xor3A_926 : vector<16xi32>
      %or3A_928 = arith.ori %shift_left3A_923, %xor3A_927 : vector<16xi32>
      %add3A_929 = arith.constant 1 : i32
      %add3A_930 = vector.broadcast %add3A_929 : i32 to vector<16xi32>
      %add3A_931 = arith.addi %add3A_757, %add3A_930 : vector<16xi32>
      %gather3A_932 = tpu.vector_load_idx %arg4[%add3A_800] : memref<2560xi32, #tpu.memory_space<vmem>>[vector<16xi32>], vector<16xi32>,
      %shift_left3A_933 = arith.constant 4 : i32
      %shift_left3A_934 = vector.broadcast %shift_left3A_933 : i32 to vector<16xi32>
      %shift_left3A_935 = arith.shli %gather3A_932, %shift_left3A_934 : vector<16xi32>
      %add3A_936 = arith.addi %add3A_39, %shift_left3A_935 : vector<16xi32>
      %gather3A_937 = tpu.vector_load_idx %arg7[%add3A_936] : memref<8192xi32, #tpu.memory_space<vmem>>[vector<16xi32>], vector<16xi32>,
      %or3A_938 = arith.ori %gather3A_937, %and3A_789 : vector<16xi32>
      %and3A_939 = arith.andi %or3A_938, %or3A_797 : vector<16xi32>
      %add3A_940 = arith.addi %or3A_797, %and3A_939 : vector<16xi32>
      %xor3A_941 = arith.xori %add3A_940, %or3A_797 : vector<16xi32>
      %or3A_942 = arith.ori %xor3A_941, %or3A_938 : vector<16xi32>
      %and3A_943 = arith.andi %or3A_797, %or3A_942 : vector<16xi32>
      %or3A_944 = arith.ori %or3A_797, %or3A_942 : vector<16xi32>
      %xor3A_945 = arith.constant -1 : i32
      %xor3A_946 = vector.broadcast %xor3A_945 : i32 to vector<16xi32>
      %xor3A_947 = arith.xori %or3A_944, %xor3A_946 : vector<16xi32>
      %or3A_948 = arith.ori %and3A_789, %xor3A_947 : vector<16xi32>
      %shift_right_arithmetic3A_949 = arith.constant 31 : i32
      %shift_right_arithmetic3A_950 = vector.broadcast %shift_right_arithmetic3A_949 : i32 to vector<16xi32>
      %shift_right_arithmetic3A_951 = arith.shrsi %or3A_948, %shift_right_arithmetic3A_950 : vector<16xi32>
      %sub3A_952 = arith.subi %add3A_782, %shift_right_arithmetic3A_951 : vector<16xi32>
      %shift_right_arithmetic3A_953 = arith.constant 31 : i32
      %shift_right_arithmetic3A_954 = vector.broadcast %shift_right_arithmetic3A_953 : i32 to vector<16xi32>
      %shift_right_arithmetic3A_955 = arith.shrsi %and3A_943, %shift_right_arithmetic3A_954 : vector<16xi32>
      %add3A_956 = arith.addi %sub3A_952, %shift_right_arithmetic3A_955 : vector<16xi32>
      %shift_left3A_957 = arith.constant 1 : i32
      %shift_left3A_958 = vector.broadcast %shift_left3A_957 : i32 to vector<16xi32>
      %shift_left3A_959 = arith.shli %or3A_948, %shift_left3A_958 : vector<16xi32>
      %or3A_960 = arith.constant 4096 : i32
      %or3A_961 = vector.broadcast %or3A_960 : i32 to vector<16xi32>
      %or3A_962 = arith.ori %shift_left3A_959, %or3A_961 : vector<16xi32>
      %and3A_963 = arith.andi %or3A_962, %or3A_942 : vector<16xi32>
      %shift_left3A_964 = arith.constant 1 : i32
      %shift_left3A_965 = vector.broadcast %shift_left3A_964 : i32 to vector<16xi32>
      %shift_left3A_966 = arith.shli %and3A_943, %shift_left3A_965 : vector<16xi32>
      %or3A_967 = arith.ori %or3A_962, %or3A_942 : vector<16xi32>
      %xor3A_968 = arith.constant -1 : i32
      %xor3A_969 = vector.broadcast %xor3A_968 : i32 to vector<16xi32>
      %xor3A_970 = arith.xori %or3A_967, %xor3A_969 : vector<16xi32>
      %or3A_971 = arith.ori %shift_left3A_966, %xor3A_970 : vector<16xi32>
      %add3A_972 = arith.constant 1 : i32
      %add3A_973 = vector.broadcast %add3A_972 : i32 to vector<16xi32>
      %add3A_974 = arith.addi %add3A_800, %add3A_973 : vector<16xi32>
      %gather3A_975 = tpu.vector_load_idx %arg4[%add3A_843] : memref<2560xi32, #tpu.memory_space<vmem>>[vector<16xi32>], vector<16xi32>,
      %shift_left3A_976 = arith.constant 4 : i32
      %shift_left3A_977 = vector.broadcast %shift_left3A_976 : i32 to vector<16xi32>
      %shift_left3A_978 = arith.shli %gather3A_975, %shift_left3A_977 : vector<16xi32>
      %add3A_979 = arith.addi %add3A_42, %shift_left3A_978 : vector<16xi32>
      %gather3A_980 = tpu.vector_load_idx %arg7[%add3A_979] : memref<8192xi32, #tpu.memory_space<vmem>>[vector<16xi32>], vector<16xi32>,
      %or3A_981 = arith.ori %gather3A_980, %and3A_832 : vector<16xi32>
      %and3A_982 = arith.andi %or3A_981, %or3A_840 : vector<16xi32>
      %add3A_983 = arith.addi %or3A_840, %and3A_982 : vector<16xi32>
      %xor3A_984 = arith.xori %add3A_983, %or3A_840 : vector<16xi32>
      %or3A_985 = arith.ori %xor3A_984, %or3A_981 : vector<16xi32>
      %and3A_986 = arith.andi %or3A_840, %or3A_985 : vector<16xi32>
      %or3A_987 = arith.ori %or3A_840, %or3A_985 : vector<16xi32>
      %xor3A_988 = arith.constant -1 : i32
      %xor3A_989 = vector.broadcast %xor3A_988 : i32 to vector<16xi32>
      %xor3A_990 = arith.xori %or3A_987, %xor3A_989 : vector<16xi32>
      %or3A_991 = arith.ori %and3A_832, %xor3A_990 : vector<16xi32>
      %shift_right_arithmetic3A_992 = arith.constant 31 : i32
      %shift_right_arithmetic3A_993 = vector.broadcast %shift_right_arithmetic3A_992 : i32 to vector<16xi32>
      %shift_right_arithmetic3A_994 = arith.shrsi %or3A_991, %shift_right_arithmetic3A_993 : vector<16xi32>
      %sub3A_995 = arith.subi %add3A_825, %shift_right_arithmetic3A_994 : vector<16xi32>
      %shift_right_arithmetic3A_996 = arith.constant 31 : i32
      %shift_right_arithmetic3A_997 = vector.broadcast %shift_right_arithmetic3A_996 : i32 to vector<16xi32>
      %shift_right_arithmetic3A_998 = arith.shrsi %and3A_986, %shift_right_arithmetic3A_997 : vector<16xi32>
      %add3A_999 = arith.addi %sub3A_995, %shift_right_arithmetic3A_998 : vector<16xi32>
      %shift_left3A_1000 = arith.constant 1 : i32
      %shift_left3A_1001 = vector.broadcast %shift_left3A_1000 : i32 to vector<16xi32>
      %shift_left3A_1002 = arith.shli %or3A_991, %shift_left3A_1001 : vector<16xi32>
      %or3A_1003 = arith.constant 4096 : i32
      %or3A_1004 = vector.broadcast %or3A_1003 : i32 to vector<16xi32>
      %or3A_1005 = arith.ori %shift_left3A_1002, %or3A_1004 : vector<16xi32>
      %and3A_1006 = arith.andi %or3A_1005, %or3A_985 : vector<16xi32>
      %shift_left3A_1007 = arith.constant 1 : i32
      %shift_left3A_1008 = vector.broadcast %shift_left3A_1007 : i32 to vector<16xi32>
      %shift_left3A_1009 = arith.shli %and3A_986, %shift_left3A_1008 : vector<16xi32>
      %or3A_1010 = arith.ori %or3A_1005, %or3A_985 : vector<16xi32>
      %xor3A_1011 = arith.constant -1 : i32
      %xor3A_1012 = vector.broadcast %xor3A_1011 : i32 to vector<16xi32>
      %xor3A_1013 = arith.xori %or3A_1010, %xor3A_1012 : vector<16xi32>
      %or3A_1014 = arith.ori %shift_left3A_1009, %xor3A_1013 : vector<16xi32>
      %add3A_1015 = arith.constant 1 : i32
      %add3A_1016 = vector.broadcast %add3A_1015 : i32 to vector<16xi32>
      %add3A_1017 = arith.addi %add3A_843, %add3A_1016 : vector<16xi32>
      %scan3A_1018 = arith.constant 3 : i32
      %scan3A_1019 = arith.addi %scan3A_487, %scan3A_1018 : i32
      %gather3A_1020 = tpu.vector_load_idx %arg4[%add3A_888] : memref<2560xi32, #tpu.memory_space<vmem>>[vector<16xi32>], vector<16xi32>,
      %shift_left3A_1021 = arith.constant 4 : i32
      %shift_left3A_1022 = vector.broadcast %shift_left3A_1021 : i32 to vector<16xi32>
      %shift_left3A_1023 = arith.shli %gather3A_1020, %shift_left3A_1022 : vector<16xi32>
      %add3A_1024 = arith.addi %add3A_33, %shift_left3A_1023 : vector<16xi32>
      %gather3A_1025 = tpu.vector_load_idx %arg7[%add3A_1024] : memref<8192xi32, #tpu.memory_space<vmem>>[vector<16xi32>], vector<16xi32>,
      %or3A_1026 = arith.ori %gather3A_1025, %and3A_877 : vector<16xi32>
      %and3A_1027 = arith.andi %or3A_1026, %or3A_885 : vector<16xi32>
      %add3A_1028 = arith.addi %or3A_885, %and3A_1027 : vector<16xi32>
      %xor3A_1029 = arith.xori %add3A_1028, %or3A_885 : vector<16xi32>
      %or3A_1030 = arith.ori %xor3A_1029, %or3A_1026 : vector<16xi32>
      %and3A_1031 = arith.andi %or3A_885, %or3A_1030 : vector<16xi32>
      %or3A_1032 = arith.ori %or3A_885, %or3A_1030 : vector<16xi32>
      %xor3A_1033 = arith.constant -1 : i32
      %xor3A_1034 = vector.broadcast %xor3A_1033 : i32 to vector<16xi32>
      %xor3A_1035 = arith.xori %or3A_1032, %xor3A_1034 : vector<16xi32>
      %or3A_1036 = arith.ori %and3A_877, %xor3A_1035 : vector<16xi32>
      %shift_right_arithmetic3A_1037 = arith.constant 31 : i32
      %shift_right_arithmetic3A_1038 = vector.broadcast %shift_right_arithmetic3A_1037 : i32 to vector<16xi32>
      %shift_right_arithmetic3A_1039 = arith.shrsi %or3A_1036, %shift_right_arithmetic3A_1038 : vector<16xi32>
      %sub3A_1040 = arith.subi %add3A_870, %shift_right_arithmetic3A_1039 : vector<16xi32>
      %shift_right_arithmetic3A_1041 = arith.constant 31 : i32
      %shift_right_arithmetic3A_1042 = vector.broadcast %shift_right_arithmetic3A_1041 : i32 to vector<16xi32>
      %shift_right_arithmetic3A_1043 = arith.shrsi %and3A_1031, %shift_right_arithmetic3A_1042 : vector<16xi32>
      %add3A_1044 = arith.addi %sub3A_1040, %shift_right_arithmetic3A_1043 : vector<16xi32>
      %shift_left3A_1045 = arith.constant 1 : i32
      %shift_left3A_1046 = vector.broadcast %shift_left3A_1045 : i32 to vector<16xi32>
      %shift_left3A_1047 = arith.shli %or3A_1036, %shift_left3A_1046 : vector<16xi32>
      %or3A_1048 = arith.constant 4096 : i32
      %or3A_1049 = vector.broadcast %or3A_1048 : i32 to vector<16xi32>
      %or3A_1050 = arith.ori %shift_left3A_1047, %or3A_1049 : vector<16xi32>
      %and3A_1051 = arith.andi %or3A_1050, %or3A_1030 : vector<16xi32>
      %shift_left3A_1052 = arith.constant 1 : i32
      %shift_left3A_1053 = vector.broadcast %shift_left3A_1052 : i32 to vector<16xi32>
      %shift_left3A_1054 = arith.shli %and3A_1031, %shift_left3A_1053 : vector<16xi32>
      %or3A_1055 = arith.ori %or3A_1050, %or3A_1030 : vector<16xi32>
      %xor3A_1056 = arith.constant -1 : i32
      %xor3A_1057 = vector.broadcast %xor3A_1056 : i32 to vector<16xi32>
      %xor3A_1058 = arith.xori %or3A_1055, %xor3A_1057 : vector<16xi32>
      %or3A_1059 = arith.ori %shift_left3A_1054, %xor3A_1058 : vector<16xi32>
      %add3A_1060 = arith.constant 1 : i32
      %add3A_1061 = vector.broadcast %add3A_1060 : i32 to vector<16xi32>
      %add3A_1062 = arith.addi %add3A_888, %add3A_1061 : vector<16xi32>
      %gather3A_1063 = tpu.vector_load_idx %arg4[%add3A_931] : memref<2560xi32, #tpu.memory_space<vmem>>[vector<16xi32>], vector<16xi32>,
      %shift_left3A_1064 = arith.constant 4 : i32
      %shift_left3A_1065 = vector.broadcast %shift_left3A_1064 : i32 to vector<16xi32>
      %shift_left3A_1066 = arith.shli %gather3A_1063, %shift_left3A_1065 : vector<16xi32>
      %add3A_1067 = arith.addi %add3A_36, %shift_left3A_1066 : vector<16xi32>
      %gather3A_1068 = tpu.vector_load_idx %arg7[%add3A_1067] : memref<8192xi32, #tpu.memory_space<vmem>>[vector<16xi32>], vector<16xi32>,
      %or3A_1069 = arith.ori %gather3A_1068, %and3A_920 : vector<16xi32>
      %and3A_1070 = arith.andi %or3A_1069, %or3A_928 : vector<16xi32>
      %add3A_1071 = arith.addi %or3A_928, %and3A_1070 : vector<16xi32>
      %xor3A_1072 = arith.xori %add3A_1071, %or3A_928 : vector<16xi32>
      %or3A_1073 = arith.ori %xor3A_1072, %or3A_1069 : vector<16xi32>
      %and3A_1074 = arith.andi %or3A_928, %or3A_1073 : vector<16xi32>
      %or3A_1075 = arith.ori %or3A_928, %or3A_1073 : vector<16xi32>
      %xor3A_1076 = arith.constant -1 : i32
      %xor3A_1077 = vector.broadcast %xor3A_1076 : i32 to vector<16xi32>
      %xor3A_1078 = arith.xori %or3A_1075, %xor3A_1077 : vector<16xi32>
      %or3A_1079 = arith.ori %and3A_920, %xor3A_1078 : vector<16xi32>
      %shift_right_arithmetic3A_1080 = arith.constant 31 : i32
      %shift_right_arithmetic3A_1081 = vector.broadcast %shift_right_arithmetic3A_1080 : i32 to vector<16xi32>
      %shift_right_arithmetic3A_1082 = arith.shrsi %or3A_1079, %shift_right_arithmetic3A_1081 : vector<16xi32>
      %sub3A_1083 = arith.subi %add3A_913, %shift_right_arithmetic3A_1082 : vector<16xi32>
      %shift_right_arithmetic3A_1084 = arith.constant 31 : i32
      %shift_right_arithmetic3A_1085 = vector.broadcast %shift_right_arithmetic3A_1084 : i32 to vector<16xi32>
      %shift_right_arithmetic3A_1086 = arith.shrsi %and3A_1074, %shift_right_arithmetic3A_1085 : vector<16xi32>
      %add3A_1087 = arith.addi %sub3A_1083, %shift_right_arithmetic3A_1086 : vector<16xi32>
      %shift_left3A_1088 = arith.constant 1 : i32
      %shift_left3A_1089 = vector.broadcast %shift_left3A_1088 : i32 to vector<16xi32>
      %shift_left3A_1090 = arith.shli %or3A_1079, %shift_left3A_1089 : vector<16xi32>
      %or3A_1091 = arith.constant 4096 : i32
      %or3A_1092 = vector.broadcast %or3A_1091 : i32 to vector<16xi32>
      %or3A_1093 = arith.ori %shift_left3A_1090, %or3A_1092 : vector<16xi32>
      %and3A_1094 = arith.andi %or3A_1093, %or3A_1073 : vector<16xi32>
      %shift_left3A_1095 = arith.constant 1 : i32
      %shift_left3A_1096 = vector.broadcast %shift_left3A_1095 : i32 to vector<16xi32>
      %shift_left3A_1097 = arith.shli %and3A_1074, %shift_left3A_1096 : vector<16xi32>
      %or3A_1098 = arith.ori %or3A_1093, %or3A_1073 : vector<16xi32>
      %xor3A_1099 = arith.constant -1 : i32
      %xor3A_1100 = vector.broadcast %xor3A_1099 : i32 to vector<16xi32>
      %xor3A_1101 = arith.xori %or3A_1098, %xor3A_1100 : vector<16xi32>
      %or3A_1102 = arith.ori %shift_left3A_1097, %xor3A_1101 : vector<16xi32>
      %add3A_1103 = arith.constant 1 : i32
      %add3A_1104 = vector.broadcast %add3A_1103 : i32 to vector<16xi32>
      %add3A_1105 = arith.addi %add3A_931, %add3A_1104 : vector<16xi32>
      %gather3A_1106 = tpu.vector_load_idx %arg4[%add3A_974] : memref<2560xi32, #tpu.memory_space<vmem>>[vector<16xi32>], vector<16xi32>,
      %shift_left3A_1107 = arith.constant 4 : i32
      %shift_left3A_1108 = vector.broadcast %shift_left3A_1107 : i32 to vector<16xi32>
      %shift_left3A_1109 = arith.shli %gather3A_1106, %shift_left3A_1108 : vector<16xi32>
      %add3A_1110 = arith.addi %add3A_39, %shift_left3A_1109 : vector<16xi32>
      %gather3A_1111 = tpu.vector_load_idx %arg7[%add3A_1110] : memref<8192xi32, #tpu.memory_space<vmem>>[vector<16xi32>], vector<16xi32>,
      %or3A_1112 = arith.ori %gather3A_1111, %and3A_963 : vector<16xi32>
      %and3A_1113 = arith.andi %or3A_1112, %or3A_971 : vector<16xi32>
      %add3A_1114 = arith.addi %or3A_971, %and3A_1113 : vector<16xi32>
      %xor3A_1115 = arith.xori %add3A_1114, %or3A_971 : vector<16xi32>
      %or3A_1116 = arith.ori %xor3A_1115, %or3A_1112 : vector<16xi32>
      %and3A_1117 = arith.andi %or3A_971, %or3A_1116 : vector<16xi32>
      %or3A_1118 = arith.ori %or3A_971, %or3A_1116 : vector<16xi32>
      %xor3A_1119 = arith.constant -1 : i32
      %xor3A_1120 = vector.broadcast %xor3A_1119 : i32 to vector<16xi32>
      %xor3A_1121 = arith.xori %or3A_1118, %xor3A_1120 : vector<16xi32>
      %or3A_1122 = arith.ori %and3A_963, %xor3A_1121 : vector<16xi32>
      %shift_right_arithmetic3A_1123 = arith.constant 31 : i32
      %shift_right_arithmetic3A_1124 = vector.broadcast %shift_right_arithmetic3A_1123 : i32 to vector<16xi32>
      %shift_right_arithmetic3A_1125 = arith.shrsi %or3A_1122, %shift_right_arithmetic3A_1124 : vector<16xi32>
      %sub3A_1126 = arith.subi %add3A_956, %shift_right_arithmetic3A_1125 : vector<16xi32>
      %shift_right_arithmetic3A_1127 = arith.constant 31 : i32
      %shift_right_arithmetic3A_1128 = vector.broadcast %shift_right_arithmetic3A_1127 : i32 to vector<16xi32>
      %shift_right_arithmetic3A_1129 = arith.shrsi %and3A_1117, %shift_right_arithmetic3A_1128 : vector<16xi32>
      %add3A_1130 = arith.addi %sub3A_1126, %shift_right_arithmetic3A_1129 : vector<16xi32>
      %shift_left3A_1131 = arith.constant 1 : i32
      %shift_left3A_1132 = vector.broadcast %shift_left3A_1131 : i32 to vector<16xi32>
      %shift_left3A_1133 = arith.shli %or3A_1122, %shift_left3A_1132 : vector<16xi32>
      %or3A_1134 = arith.constant 4096 : i32
      %or3A_1135 = vector.broadcast %or3A_1134 : i32 to vector<16xi32>
      %or3A_1136 = arith.ori %shift_left3A_1133, %or3A_1135 : vector<16xi32>
      %and3A_1137 = arith.andi %or3A_1136, %or3A_1116 : vector<16xi32>
      %shift_left3A_1138 = arith.constant 1 : i32
      %shift_left3A_1139 = vector.broadcast %shift_left3A_1138 : i32 to vector<16xi32>
      %shift_left3A_1140 = arith.shli %and3A_1117, %shift_left3A_1139 : vector<16xi32>
      %or3A_1141 = arith.ori %or3A_1136, %or3A_1116 : vector<16xi32>
      %xor3A_1142 = arith.constant -1 : i32
      %xor3A_1143 = vector.broadcast %xor3A_1142 : i32 to vector<16xi32>
      %xor3A_1144 = arith.xori %or3A_1141, %xor3A_1143 : vector<16xi32>
      %or3A_1145 = arith.ori %shift_left3A_1140, %xor3A_1144 : vector<16xi32>
      %add3A_1146 = arith.constant 1 : i32
      %add3A_1147 = vector.broadcast %add3A_1146 : i32 to vector<16xi32>
      %add3A_1148 = arith.addi %add3A_974, %add3A_1147 : vector<16xi32>
      %gather3A_1149 = tpu.vector_load_idx %arg4[%add3A_1017] : memref<2560xi32, #tpu.memory_space<vmem>>[vector<16xi32>], vector<16xi32>,
      %shift_left3A_1150 = arith.constant 4 : i32
      %shift_left3A_1151 = vector.broadcast %shift_left3A_1150 : i32 to vector<16xi32>
      %shift_left3A_1152 = arith.shli %gather3A_1149, %shift_left3A_1151 : vector<16xi32>
      %add3A_1153 = arith.addi %add3A_42, %shift_left3A_1152 : vector<16xi32>
      %gather3A_1154 = tpu.vector_load_idx %arg7[%add3A_1153] : memref<8192xi32, #tpu.memory_space<vmem>>[vector<16xi32>], vector<16xi32>,
      %or3A_1155 = arith.ori %gather3A_1154, %and3A_1006 : vector<16xi32>
      %and3A_1156 = arith.andi %or3A_1155, %or3A_1014 : vector<16xi32>
      %add3A_1157 = arith.addi %or3A_1014, %and3A_1156 : vector<16xi32>
      %xor3A_1158 = arith.xori %add3A_1157, %or3A_1014 : vector<16xi32>
      %or3A_1159 = arith.ori %xor3A_1158, %or3A_1155 : vector<16xi32>
      %and3A_1160 = arith.andi %or3A_1014, %or3A_1159 : vector<16xi32>
      %or3A_1161 = arith.ori %or3A_1014, %or3A_1159 : vector<16xi32>
      %xor3A_1162 = arith.constant -1 : i32
      %xor3A_1163 = vector.broadcast %xor3A_1162 : i32 to vector<16xi32>
      %xor3A_1164 = arith.xori %or3A_1161, %xor3A_1163 : vector<16xi32>
      %or3A_1165 = arith.ori %and3A_1006, %xor3A_1164 : vector<16xi32>
      %shift_right_arithmetic3A_1166 = arith.constant 31 : i32
      %shift_right_arithmetic3A_1167 = vector.broadcast %shift_right_arithmetic3A_1166 : i32 to vector<16xi32>
      %shift_right_arithmetic3A_1168 = arith.shrsi %or3A_1165, %shift_right_arithmetic3A_1167 : vector<16xi32>
      %sub3A_1169 = arith.subi %add3A_999, %shift_right_arithmetic3A_1168 : vector<16xi32>
      %shift_right_arithmetic3A_1170 = arith.constant 31 : i32
      %shift_right_arithmetic3A_1171 = vector.broadcast %shift_right_arithmetic3A_1170 : i32 to vector<16xi32>
      %shift_right_arithmetic3A_1172 = arith.shrsi %and3A_1160, %shift_right_arithmetic3A_1171 : vector<16xi32>
      %add3A_1173 = arith.addi %sub3A_1169, %shift_right_arithmetic3A_1172 : vector<16xi32>
      %shift_left3A_1174 = arith.constant 1 : i32
      %shift_left3A_1175 = vector.broadcast %shift_left3A_1174 : i32 to vector<16xi32>
      %shift_left3A_1176 = arith.shli %or3A_1165, %shift_left3A_1175 : vector<16xi32>
      %or3A_1177 = arith.constant 4096 : i32
      %or3A_1178 = vector.broadcast %or3A_1177 : i32 to vector<16xi32>
      %or3A_1179 = arith.ori %shift_left3A_1176, %or3A_1178 : vector<16xi32>
      %and3A_1180 = arith.andi %or3A_1179, %or3A_1159 : vector<16xi32>
      %shift_left3A_1181 = arith.constant 1 : i32
      %shift_left3A_1182 = vector.broadcast %shift_left3A_1181 : i32 to vector<16xi32>
      %shift_left3A_1183 = arith.shli %and3A_1160, %shift_left3A_1182 : vector<16xi32>
      %or3A_1184 = arith.ori %or3A_1179, %or3A_1159 : vector<16xi32>
      %xor3A_1185 = arith.constant -1 : i32
      %xor3A_1186 = vector.broadcast %xor3A_1185 : i32 to vector<16xi32>
      %xor3A_1187 = arith.xori %or3A_1184, %xor3A_1186 : vector<16xi32>
      %or3A_1188 = arith.ori %shift_left3A_1183, %xor3A_1187 : vector<16xi32>
      %add3A_1189 = arith.constant 1 : i32
      %add3A_1190 = vector.broadcast %add3A_1189 : i32 to vector<16xi32>
      %add3A_1191 = arith.addi %add3A_1017, %add3A_1190 : vector<16xi32>
      scf.yield %or3A_1059, %or3A_1102, %or3A_1145, %or3A_1188, %and3A_1051, %and3A_1094, %and3A_1137, %and3A_1180, %add3A_1044, %add3A_1087, %add3A_1130, %add3A_1173, %add3A_1062, %add3A_1105, %add3A_1148, %add3A_1191 : vector<16xi32>, vector<16xi32>, vector<16xi32>, vector<16xi32>, vector<16xi32>, vector<16xi32>, vector<16xi32>, vector<16xi32>, vector<16xi32>, vector<16xi32>, vector<16xi32>, vector<16xi32>, vector<16xi32>, vector<16xi32>, vector<16xi32>, vector<16xi32>
    }
    %scan3A_101 = arith.constant 20 : i32
    %add3A_102 = arith.constant 0 : i32
    %add3A_103 = vector.broadcast %add3A_102 : i32 to vector<16xi32>
    %add3A_104 = arith.addi %mul3A_18, %add3A_103 : vector<16xi32>
    %add3A_105 = arith.constant 320 : i32
    %add3A_106 = vector.broadcast %add3A_105 : i32 to vector<16xi32>
    %add3A_107 = arith.addi %mul3A_18, %add3A_106 : vector<16xi32>
    %add3A_108 = arith.constant 640 : i32
    %add3A_109 = vector.broadcast %add3A_108 : i32 to vector<16xi32>
    %add3A_110 = arith.addi %mul3A_18, %add3A_109 : vector<16xi32>
    %add3A_111 = arith.constant 960 : i32
    %add3A_112 = vector.broadcast %add3A_111 : i32 to vector<16xi32>
    %add3A_113 = arith.addi %mul3A_18, %add3A_112 : vector<16xi32>
    %scan3A_114 = arith.constant 0 : i32
    %scan3A_115 = arith.constant 20 : i32
    %scan3A_116 = arith.addi %scan3A_114, %scan3A_115 : i32
    %scan3A_117 = arith.constant 1 : i32
    %scan3A_118:4 = scf.for %scan3A_487 = %scan3A_114 to %scan3A_116 step %scan3A_117 iter_args(%scan3A_488 = %add3A_104, %scan3A_489 = %add3A_107, %scan3A_490 = %add3A_110, %scan3A_491 = %add3A_113) -> (vector<16xi32>, vector<16xi32>, vector<16xi32>, vector<16xi32>)  : i32 {
      %gather3A_492 = tpu.vector_load_idx %arg5[%scan3A_488] : memref<2560xi32, #tpu.memory_space<vmem>>[vector<16xi32>], vector<16xi32>,
      %shift_left3A = arith.constant 4 : i32
      %shift_left3A_493 = vector.broadcast %shift_left3A : i32 to vector<16xi32>
      %shift_left3A_494 = arith.shli %gather3A_492, %shift_left3A_493 : vector<16xi32>
      %add3A_495 = arith.addi %add3A_33, %shift_left3A_494 : vector<16xi32>
      %broadcast_in_dim3A_496 = arith.constant 0 : i32
      %broadcast_in_dim3A_497 = vector.broadcast %broadcast_in_dim3A_496 : i32 to vector<16xi32>
      tpu.vector_store_idx %arg7[%add3A_495], %broadcast_in_dim3A_497 : memref<8192xi32, #tpu.memory_space<vmem>>[vector<16xi32>], vector<16xi32>,
      %add3A_498 = arith.constant 1 : i32
      %add3A_499 = vector.broadcast %add3A_498 : i32 to vector<16xi32>
      %add3A_500 = arith.addi %scan3A_488, %add3A_499 : vector<16xi32>
      %gather3A_501 = tpu.vector_load_idx %arg5[%scan3A_489] : memref<2560xi32, #tpu.memory_space<vmem>>[vector<16xi32>], vector<16xi32>,
      %shift_left3A_502 = arith.constant 4 : i32
      %shift_left3A_503 = vector.broadcast %shift_left3A_502 : i32 to vector<16xi32>
      %shift_left3A_504 = arith.shli %gather3A_501, %shift_left3A_503 : vector<16xi32>
      %add3A_505 = arith.addi %add3A_36, %shift_left3A_504 : vector<16xi32>
      %broadcast_in_dim3A_506 = arith.constant 0 : i32
      %broadcast_in_dim3A_507 = vector.broadcast %broadcast_in_dim3A_506 : i32 to vector<16xi32>
      tpu.vector_store_idx %arg7[%add3A_505], %broadcast_in_dim3A_507 : memref<8192xi32, #tpu.memory_space<vmem>>[vector<16xi32>], vector<16xi32>,
      %add3A_508 = arith.constant 1 : i32
      %add3A_509 = vector.broadcast %add3A_508 : i32 to vector<16xi32>
      %add3A_510 = arith.addi %scan3A_489, %add3A_509 : vector<16xi32>
      %gather3A_511 = tpu.vector_load_idx %arg5[%scan3A_490] : memref<2560xi32, #tpu.memory_space<vmem>>[vector<16xi32>], vector<16xi32>,
      %shift_left3A_512 = arith.constant 4 : i32
      %shift_left3A_513 = vector.broadcast %shift_left3A_512 : i32 to vector<16xi32>
      %shift_left3A_514 = arith.shli %gather3A_511, %shift_left3A_513 : vector<16xi32>
      %add3A_515 = arith.addi %add3A_39, %shift_left3A_514 : vector<16xi32>
      %broadcast_in_dim3A_516 = arith.constant 0 : i32
      %broadcast_in_dim3A_517 = vector.broadcast %broadcast_in_dim3A_516 : i32 to vector<16xi32>
      tpu.vector_store_idx %arg7[%add3A_515], %broadcast_in_dim3A_517 : memref<8192xi32, #tpu.memory_space<vmem>>[vector<16xi32>], vector<16xi32>,
      %add3A_518 = arith.constant 1 : i32
      %add3A_519 = vector.broadcast %add3A_518 : i32 to vector<16xi32>
      %add3A_520 = arith.addi %scan3A_490, %add3A_519 : vector<16xi32>
      %gather3A_521 = tpu.vector_load_idx %arg5[%scan3A_491] : memref<2560xi32, #tpu.memory_space<vmem>>[vector<16xi32>], vector<16xi32>,
      %shift_left3A_522 = arith.constant 4 : i32
      %shift_left3A_523 = vector.broadcast %shift_left3A_522 : i32 to vector<16xi32>
      %shift_left3A_524 = arith.shli %gather3A_521, %shift_left3A_523 : vector<16xi32>
      %add3A_525 = arith.addi %add3A_42, %shift_left3A_524 : vector<16xi32>
      %broadcast_in_dim3A_526 = arith.constant 0 : i32
      %broadcast_in_dim3A_527 = vector.broadcast %broadcast_in_dim3A_526 : i32 to vector<16xi32>
      tpu.vector_store_idx %arg7[%add3A_525], %broadcast_in_dim3A_527 : memref<8192xi32, #tpu.memory_space<vmem>>[vector<16xi32>], vector<16xi32>,
      %add3A_528 = arith.constant 1 : i32
      %add3A_529 = vector.broadcast %add3A_528 : i32 to vector<16xi32>
      %add3A_530 = arith.addi %scan3A_491, %add3A_529 : vector<16xi32>
      scf.yield %add3A_500, %add3A_510, %add3A_520, %add3A_530 : vector<16xi32>, vector<16xi32>, vector<16xi32>, vector<16xi32>
    }
    %scan3A_119 = arith.constant 20 : i32
    %min3A = arith.constant 31 : i32
    %min3A_120 = vector.broadcast %min3A : i32 to vector<16xi32>
    %min3A_121 = arith.minsi %scan3A_100#8, %min3A_120 : vector<16xi32>
    %mul3A_122 = arith.constant 4 : i32
    %mul3A_123 = vector.broadcast %mul3A_122 : i32 to vector<16xi32>
    %mul3A_124 = arith.muli %min3A_121, %mul3A_123 : vector<16xi32>
    %add3A_125 = arith.constant 0 : i32
    %add3A_126 = vector.broadcast %add3A_125 : i32 to vector<16xi32>
    %add3A_127 = arith.addi %add3A_126, %iota3A : vector<16xi32>
    %add3A_128 = arith.constant 0 : i32
    %add3A_129 = vector.broadcast %add3A_128 : i32 to vector<16xi32>
    %add3A_130 = arith.addi %mul3A_124, %add3A_129 : vector<16xi32>
    %gather3A = tpu.vector_load_idx %arg6[%add3A_130] : memref<128xi32, #tpu.memory_space<vmem>>[vector<16xi32>], vector<16xi32>,
    %broadcast_in_dim3A_131 = arith.constant 0 : i32
    %broadcast_in_dim3A_132 = vector.broadcast %broadcast_in_dim3A_131 : i32 to vector<16xi32>
    %bitcast3A = vector.bitcast %gather3A : vector<16xi32> to vector<16xf32>
    tpu.vector_store_idx %arg8[%add3A_127, %broadcast_in_dim3A_132], %bitcast3A : memref<128x4xf32, #tpu.memory_space<vmem>>[vector<16xi32>, vector<16xi32>], vector<16xf32>,
    %add3A_133 = arith.constant 1 : i32
    %add3A_134 = vector.broadcast %add3A_133 : i32 to vector<16xi32>
    %add3A_135 = arith.addi %mul3A_124, %add3A_134 : vector<16xi32>
    %gather3A_136 = tpu.vector_load_idx %arg6[%add3A_135] : memref<128xi32, #tpu.memory_space<vmem>>[vector<16xi32>], vector<16xi32>,
    %broadcast_in_dim3A_137 = arith.constant 1 : i32
    %broadcast_in_dim3A_138 = vector.broadcast %broadcast_in_dim3A_137 : i32 to vector<16xi32>
    %bitcast3A_139 = vector.bitcast %gather3A_136 : vector<16xi32> to vector<16xf32>
    tpu.vector_store_idx %arg8[%add3A_127, %broadcast_in_dim3A_138], %bitcast3A_139 : memref<128x4xf32, #tpu.memory_space<vmem>>[vector<16xi32>, vector<16xi32>], vector<16xf32>,
    %add3A_140 = arith.constant 2 : i32
    %add3A_141 = vector.broadcast %add3A_140 : i32 to vector<16xi32>
    %add3A_142 = arith.addi %mul3A_124, %add3A_141 : vector<16xi32>
    %gather3A_143 = tpu.vector_load_idx %arg6[%add3A_142] : memref<128xi32, #tpu.memory_space<vmem>>[vector<16xi32>], vector<16xi32>,
    %broadcast_in_dim3A_144 = arith.constant 2 : i32
    %broadcast_in_dim3A_145 = vector.broadcast %broadcast_in_dim3A_144 : i32 to vector<16xi32>
    %bitcast3A_146 = vector.bitcast %gather3A_143 : vector<16xi32> to vector<16xf32>
    tpu.vector_store_idx %arg8[%add3A_127, %broadcast_in_dim3A_145], %bitcast3A_146 : memref<128x4xf32, #tpu.memory_space<vmem>>[vector<16xi32>, vector<16xi32>], vector<16xf32>,
    %add3A_147 = arith.constant 3 : i32
    %add3A_148 = vector.broadcast %add3A_147 : i32 to vector<16xi32>
    %add3A_149 = arith.addi %mul3A_124, %add3A_148 : vector<16xi32>
    %gather3A_150 = tpu.vector_load_idx %arg6[%add3A_149] : memref<128xi32, #tpu.memory_space<vmem>>[vector<16xi32>], vector<16xi32>,
    %broadcast_in_dim3A_151 = arith.constant 3 : i32
    %broadcast_in_dim3A_152 = vector.broadcast %broadcast_in_dim3A_151 : i32 to vector<16xi32>
    %bitcast3A_153 = vector.bitcast %gather3A_150 : vector<16xi32> to vector<16xf32>
    tpu.vector_store_idx %arg8[%add3A_127, %broadcast_in_dim3A_152], %bitcast3A_153 : memref<128x4xf32, #tpu.memory_space<vmem>>[vector<16xi32>, vector<16xi32>], vector<16xf32>,
    %min3A_154 = arith.constant 31 : i32
    %min3A_155 = vector.broadcast %min3A_154 : i32 to vector<16xi32>
    %min3A_156 = arith.minsi %scan3A_100#9, %min3A_155 : vector<16xi32>
    %mul3A_157 = arith.constant 4 : i32
    %mul3A_158 = vector.broadcast %mul3A_157 : i32 to vector<16xi32>
    %mul3A_159 = arith.muli %min3A_156, %mul3A_158 : vector<16xi32>
    %add3A_160 = arith.constant 16 : i32
    %add3A_161 = vector.broadcast %add3A_160 : i32 to vector<16xi32>
    %add3A_162 = arith.addi %add3A_161, %iota3A : vector<16xi32>
    %add3A_163 = arith.constant 0 : i32
    %add3A_164 = vector.broadcast %add3A_163 : i32 to vector<16xi32>
    %add3A_165 = arith.addi %mul3A_159, %add3A_164 : vector<16xi32>
    %gather3A_166 = tpu.vector_load_idx %arg6[%add3A_165] : memref<128xi32, #tpu.memory_space<vmem>>[vector<16xi32>], vector<16xi32>,
    %broadcast_in_dim3A_167 = arith.constant 0 : i32
    %broadcast_in_dim3A_168 = vector.broadcast %broadcast_in_dim3A_167 : i32 to vector<16xi32>
    %bitcast3A_169 = vector.bitcast %gather3A_166 : vector<16xi32> to vector<16xf32>
    tpu.vector_store_idx %arg8[%add3A_162, %broadcast_in_dim3A_168], %bitcast3A_169 : memref<128x4xf32, #tpu.memory_space<vmem>>[vector<16xi32>, vector<16xi32>], vector<16xf32>,
    %add3A_170 = arith.constant 1 : i32
    %add3A_171 = vector.broadcast %add3A_170 : i32 to vector<16xi32>
    %add3A_172 = arith.addi %mul3A_159, %add3A_171 : vector<16xi32>
    %gather3A_173 = tpu.vector_load_idx %arg6[%add3A_172] : memref<128xi32, #tpu.memory_space<vmem>>[vector<16xi32>], vector<16xi32>,
    %broadcast_in_dim3A_174 = arith.constant 1 : i32
    %broadcast_in_dim3A_175 = vector.broadcast %broadcast_in_dim3A_174 : i32 to vector<16xi32>
    %bitcast3A_176 = vector.bitcast %gather3A_173 : vector<16xi32> to vector<16xf32>
    tpu.vector_store_idx %arg8[%add3A_162, %broadcast_in_dim3A_175], %bitcast3A_176 : memref<128x4xf32, #tpu.memory_space<vmem>>[vector<16xi32>, vector<16xi32>], vector<16xf32>,
    %add3A_177 = arith.constant 2 : i32
    %add3A_178 = vector.broadcast %add3A_177 : i32 to vector<16xi32>
    %add3A_179 = arith.addi %mul3A_159, %add3A_178 : vector<16xi32>
    %gather3A_180 = tpu.vector_load_idx %arg6[%add3A_179] : memref<128xi32, #tpu.memory_space<vmem>>[vector<16xi32>], vector<16xi32>,
    %broadcast_in_dim3A_181 = arith.constant 2 : i32
    %broadcast_in_dim3A_182 = vector.broadcast %broadcast_in_dim3A_181 : i32 to vector<16xi32>
    %bitcast3A_183 = vector.bitcast %gather3A_180 : vector<16xi32> to vector<16xf32>
    tpu.vector_store_idx %arg8[%add3A_162, %broadcast_in_dim3A_182], %bitcast3A_183 : memref<128x4xf32, #tpu.memory_space<vmem>>[vector<16xi32>, vector<16xi32>], vector<16xf32>,
    %add3A_184 = arith.constant 3 : i32
    %add3A_185 = vector.broadcast %add3A_184 : i32 to vector<16xi32>
    %add3A_186 = arith.addi %mul3A_159, %add3A_185 : vector<16xi32>
    %gather3A_187 = tpu.vector_load_idx %arg6[%add3A_186] : memref<128xi32, #tpu.memory_space<vmem>>[vector<16xi32>], vector<16xi32>,
    %broadcast_in_dim3A_188 = arith.constant 3 : i32
    %broadcast_in_dim3A_189 = vector.broadcast %broadcast_in_dim3A_188 : i32 to vector<16xi32>
    %bitcast3A_190 = vector.bitcast %gather3A_187 : vector<16xi32> to vector<16xf32>
    tpu.vector_store_idx %arg8[%add3A_162, %broadcast_in_dim3A_189], %bitcast3A_190 : memref<128x4xf32, #tpu.memory_space<vmem>>[vector<16xi32>, vector<16xi32>], vector<16xf32>,
    %min3A_191 = arith.constant 31 : i32
    %min3A_192 = vector.broadcast %min3A_191 : i32 to vector<16xi32>
    %min3A_193 = arith.minsi %scan3A_100#10, %min3A_192 : vector<16xi32>
    %mul3A_194 = arith.constant 4 : i32
    %mul3A_195 = vector.broadcast %mul3A_194 : i32 to vector<16xi32>
    %mul3A_196 = arith.muli %min3A_193, %mul3A_195 : vector<16xi32>
    %add3A_197 = arith.constant 32 : i32
    %add3A_198 = vector.broadcast %add3A_197 : i32 to vector<16xi32>
    %add3A_199 = arith.addi %add3A_198, %iota3A : vector<16xi32>
    %add3A_200 = arith.constant 0 : i32
    %add3A_201 = vector.broadcast %add3A_200 : i32 to vector<16xi32>
    %add3A_202 = arith.addi %mul3A_196, %add3A_201 : vector<16xi32>
    %gather3A_203 = tpu.vector_load_idx %arg6[%add3A_202] : memref<128xi32, #tpu.memory_space<vmem>>[vector<16xi32>], vector<16xi32>,
    %broadcast_in_dim3A_204 = arith.constant 0 : i32
    %broadcast_in_dim3A_205 = vector.broadcast %broadcast_in_dim3A_204 : i32 to vector<16xi32>
    %bitcast3A_206 = vector.bitcast %gather3A_203 : vector<16xi32> to vector<16xf32>
    tpu.vector_store_idx %arg8[%add3A_199, %broadcast_in_dim3A_205], %bitcast3A_206 : memref<128x4xf32, #tpu.memory_space<vmem>>[vector<16xi32>, vector<16xi32>], vector<16xf32>,
    %add3A_207 = arith.constant 1 : i32
    %add3A_208 = vector.broadcast %add3A_207 : i32 to vector<16xi32>
    %add3A_209 = arith.addi %mul3A_196, %add3A_208 : vector<16xi32>
    %gather3A_210 = tpu.vector_load_idx %arg6[%add3A_209] : memref<128xi32, #tpu.memory_space<vmem>>[vector<16xi32>], vector<16xi32>,
    %broadcast_in_dim3A_211 = arith.constant 1 : i32
    %broadcast_in_dim3A_212 = vector.broadcast %broadcast_in_dim3A_211 : i32 to vector<16xi32>
    %bitcast3A_213 = vector.bitcast %gather3A_210 : vector<16xi32> to vector<16xf32>
    tpu.vector_store_idx %arg8[%add3A_199, %broadcast_in_dim3A_212], %bitcast3A_213 : memref<128x4xf32, #tpu.memory_space<vmem>>[vector<16xi32>, vector<16xi32>], vector<16xf32>,
    %add3A_214 = arith.constant 2 : i32
    %add3A_215 = vector.broadcast %add3A_214 : i32 to vector<16xi32>
    %add3A_216 = arith.addi %mul3A_196, %add3A_215 : vector<16xi32>
    %gather3A_217 = tpu.vector_load_idx %arg6[%add3A_216] : memref<128xi32, #tpu.memory_space<vmem>>[vector<16xi32>], vector<16xi32>,
    %broadcast_in_dim3A_218 = arith.constant 2 : i32
    %broadcast_in_dim3A_219 = vector.broadcast %broadcast_in_dim3A_218 : i32 to vector<16xi32>
    %bitcast3A_220 = vector.bitcast %gather3A_217 : vector<16xi32> to vector<16xf32>
    tpu.vector_store_idx %arg8[%add3A_199, %broadcast_in_dim3A_219], %bitcast3A_220 : memref<128x4xf32, #tpu.memory_space<vmem>>[vector<16xi32>, vector<16xi32>], vector<16xf32>,
    %add3A_221 = arith.constant 3 : i32
    %add3A_222 = vector.broadcast %add3A_221 : i32 to vector<16xi32>
    %add3A_223 = arith.addi %mul3A_196, %add3A_222 : vector<16xi32>
    %gather3A_224 = tpu.vector_load_idx %arg6[%add3A_223] : memref<128xi32, #tpu.memory_space<vmem>>[vector<16xi32>], vector<16xi32>,
    %broadcast_in_dim3A_225 = arith.constant 3 : i32
    %broadcast_in_dim3A_226 = vector.broadcast %broadcast_in_dim3A_225 : i32 to vector<16xi32>
    %bitcast3A_227 = vector.bitcast %gather3A_224 : vector<16xi32> to vector<16xf32>
    tpu.vector_store_idx %arg8[%add3A_199, %broadcast_in_dim3A_226], %bitcast3A_227 : memref<128x4xf32, #tpu.memory_space<vmem>>[vector<16xi32>, vector<16xi32>], vector<16xf32>,
    %min3A_228 = arith.constant 31 : i32
    %min3A_229 = vector.broadcast %min3A_228 : i32 to vector<16xi32>
    %min3A_230 = arith.minsi %scan3A_100#11, %min3A_229 : vector<16xi32>
    %mul3A_231 = arith.constant 4 : i32
    %mul3A_232 = vector.broadcast %mul3A_231 : i32 to vector<16xi32>
    %mul3A_233 = arith.muli %min3A_230, %mul3A_232 : vector<16xi32>
    %add3A_234 = arith.constant 48 : i32
    %add3A_235 = vector.broadcast %add3A_234 : i32 to vector<16xi32>
    %add3A_236 = arith.addi %add3A_235, %iota3A : vector<16xi32>
    %add3A_237 = arith.constant 0 : i32
    %add3A_238 = vector.broadcast %add3A_237 : i32 to vector<16xi32>
    %add3A_239 = arith.addi %mul3A_233, %add3A_238 : vector<16xi32>
    %gather3A_240 = tpu.vector_load_idx %arg6[%add3A_239] : memref<128xi32, #tpu.memory_space<vmem>>[vector<16xi32>], vector<16xi32>,
    %broadcast_in_dim3A_241 = arith.constant 0 : i32
    %broadcast_in_dim3A_242 = vector.broadcast %broadcast_in_dim3A_241 : i32 to vector<16xi32>
    %bitcast3A_243 = vector.bitcast %gather3A_240 : vector<16xi32> to vector<16xf32>
    tpu.vector_store_idx %arg8[%add3A_236, %broadcast_in_dim3A_242], %bitcast3A_243 : memref<128x4xf32, #tpu.memory_space<vmem>>[vector<16xi32>, vector<16xi32>], vector<16xf32>,
    %add3A_244 = arith.constant 1 : i32
    %add3A_245 = vector.broadcast %add3A_244 : i32 to vector<16xi32>
    %add3A_246 = arith.addi %mul3A_233, %add3A_245 : vector<16xi32>
    %gather3A_247 = tpu.vector_load_idx %arg6[%add3A_246] : memref<128xi32, #tpu.memory_space<vmem>>[vector<16xi32>], vector<16xi32>,
    %broadcast_in_dim3A_248 = arith.constant 1 : i32
    %broadcast_in_dim3A_249 = vector.broadcast %broadcast_in_dim3A_248 : i32 to vector<16xi32>
    %bitcast3A_250 = vector.bitcast %gather3A_247 : vector<16xi32> to vector<16xf32>
    tpu.vector_store_idx %arg8[%add3A_236, %broadcast_in_dim3A_249], %bitcast3A_250 : memref<128x4xf32, #tpu.memory_space<vmem>>[vector<16xi32>, vector<16xi32>], vector<16xf32>,
    %add3A_251 = arith.constant 2 : i32
    %add3A_252 = vector.broadcast %add3A_251 : i32 to vector<16xi32>
    %add3A_253 = arith.addi %mul3A_233, %add3A_252 : vector<16xi32>
    %gather3A_254 = tpu.vector_load_idx %arg6[%add3A_253] : memref<128xi32, #tpu.memory_space<vmem>>[vector<16xi32>], vector<16xi32>,
    %broadcast_in_dim3A_255 = arith.constant 2 : i32
    %broadcast_in_dim3A_256 = vector.broadcast %broadcast_in_dim3A_255 : i32 to vector<16xi32>
    %bitcast3A_257 = vector.bitcast %gather3A_254 : vector<16xi32> to vector<16xf32>
    tpu.vector_store_idx %arg8[%add3A_236, %broadcast_in_dim3A_256], %bitcast3A_257 : memref<128x4xf32, #tpu.memory_space<vmem>>[vector<16xi32>, vector<16xi32>], vector<16xf32>,
    %add3A_258 = arith.constant 3 : i32
    %add3A_259 = vector.broadcast %add3A_258 : i32 to vector<16xi32>
    %add3A_260 = arith.addi %mul3A_233, %add3A_259 : vector<16xi32>
    %gather3A_261 = tpu.vector_load_idx %arg6[%add3A_260] : memref<128xi32, #tpu.memory_space<vmem>>[vector<16xi32>], vector<16xi32>,
    %broadcast_in_dim3A_262 = arith.constant 3 : i32
    %broadcast_in_dim3A_263 = vector.broadcast %broadcast_in_dim3A_262 : i32 to vector<16xi32>
    %bitcast3A_264 = vector.bitcast %gather3A_261 : vector<16xi32> to vector<16xf32>
    tpu.vector_store_idx %arg8[%add3A_236, %broadcast_in_dim3A_263], %bitcast3A_264 : memref<128x4xf32, #tpu.memory_space<vmem>>[vector<16xi32>, vector<16xi32>], vector<16xf32>,
    %add3A_265 = arith.constant 0 : i32
    %add3A_266 = vector.broadcast %add3A_265 : i32 to vector<16xi32>
    %add3A_267 = arith.addi %add3A_266, %iota3A : vector<16xi32>
    %add3A_268 = arith.constant 2048 : i32
    %add3A_269 = vector.broadcast %add3A_268 : i32 to vector<16xi32>
    %add3A_270 = arith.addi %add3A_269, %iota3A : vector<16xi32>
    %add3A_271 = arith.constant 4096 : i32
    %add3A_272 = vector.broadcast %add3A_271 : i32 to vector<16xi32>
    %add3A_273 = arith.addi %add3A_272, %iota3A : vector<16xi32>
    %add3A_274 = arith.constant 6144 : i32
    %add3A_275 = vector.broadcast %add3A_274 : i32 to vector<16xi32>
    %add3A_276 = arith.addi %add3A_275, %iota3A : vector<16xi32>
    %add3A_277 = arith.constant 1280 : i32
    %add3A_278 = vector.broadcast %add3A_277 : i32 to vector<16xi32>
    %add3A_279 = arith.addi %mul3A_18, %add3A_278 : vector<16xi32>
    %add3A_280 = arith.constant 1600 : i32
    %add3A_281 = vector.broadcast %add3A_280 : i32 to vector<16xi32>
    %add3A_282 = arith.addi %mul3A_18, %add3A_281 : vector<16xi32>
    %add3A_283 = arith.constant 1920 : i32
    %add3A_284 = vector.broadcast %add3A_283 : i32 to vector<16xi32>
    %add3A_285 = arith.addi %mul3A_18, %add3A_284 : vector<16xi32>
    %add3A_286 = arith.constant 2240 : i32
    %add3A_287 = vector.broadcast %add3A_286 : i32 to vector<16xi32>
    %add3A_288 = arith.addi %mul3A_18, %add3A_287 : vector<16xi32>
    %scan3A_289 = arith.constant 0 : i32
    %scan3A_290 = arith.constant 20 : i32
    %scan3A_291 = arith.addi %scan3A_289, %scan3A_290 : i32
    %scan3A_292 = arith.constant 1 : i32
    %scan3A_293:4 = scf.for %scan3A_487 = %scan3A_289 to %scan3A_291 step %scan3A_292 iter_args(%scan3A_488 = %add3A_279, %scan3A_489 = %add3A_282, %scan3A_490 = %add3A_285, %scan3A_491 = %add3A_288) -> (vector<16xi32>, vector<16xi32>, vector<16xi32>, vector<16xi32>)  : i32 {
      %add3A_492 = arith.constant 12 : i32
      %add3A_493 = arith.addi %scan3A_487, %add3A_492 : i32
      %shift_left3A = arith.constant 1 : i32
      %shift_left3A_494 = arith.shli %shift_left3A, %add3A_493 : i32
      %broadcast_in_dim3A_495 = vector.broadcast %shift_left3A_494 : i32 to vector<16xi32>
      %gather3A_496 = tpu.vector_load_idx %arg5[%scan3A_488] : memref<2560xi32, #tpu.memory_space<vmem>>[vector<16xi32>], vector<16xi32>,
      %shift_left3A_497 = arith.constant 4 : i32
      %shift_left3A_498 = vector.broadcast %shift_left3A_497 : i32 to vector<16xi32>
      %shift_left3A_499 = arith.shli %gather3A_496, %shift_left3A_498 : vector<16xi32>
      %add3A_500 = arith.addi %add3A_267, %shift_left3A_499 : vector<16xi32>
      tpu.vector_store_idx %arg7[%add3A_500], %broadcast_in_dim3A_495 {add = true} : memref<8192xi32, #tpu.memory_space<vmem>>[vector<16xi32>], vector<16xi32>,
      %add3A_501 = arith.constant 1 : i32
      %add3A_502 = vector.broadcast %add3A_501 : i32 to vector<16xi32>
      %add3A_503 = arith.addi %scan3A_488, %add3A_502 : vector<16xi32>
      %gather3A_504 = tpu.vector_load_idx %arg5[%scan3A_489] : memref<2560xi32, #tpu.memory_space<vmem>>[vector<16xi32>], vector<16xi32>,
      %shift_left3A_505 = arith.constant 4 : i32
      %shift_left3A_506 = vector.broadcast %shift_left3A_505 : i32 to vector<16xi32>
      %shift_left3A_507 = arith.shli %gather3A_504, %shift_left3A_506 : vector<16xi32>
      %add3A_508 = arith.addi %add3A_270, %shift_left3A_507 : vector<16xi32>
      tpu.vector_store_idx %arg7[%add3A_508], %broadcast_in_dim3A_495 {add = true} : memref<8192xi32, #tpu.memory_space<vmem>>[vector<16xi32>], vector<16xi32>,
      %add3A_509 = arith.constant 1 : i32
      %add3A_510 = vector.broadcast %add3A_509 : i32 to vector<16xi32>
      %add3A_511 = arith.addi %scan3A_489, %add3A_510 : vector<16xi32>
      %gather3A_512 = tpu.vector_load_idx %arg5[%scan3A_490] : memref<2560xi32, #tpu.memory_space<vmem>>[vector<16xi32>], vector<16xi32>,
      %shift_left3A_513 = arith.constant 4 : i32
      %shift_left3A_514 = vector.broadcast %shift_left3A_513 : i32 to vector<16xi32>
      %shift_left3A_515 = arith.shli %gather3A_512, %shift_left3A_514 : vector<16xi32>
      %add3A_516 = arith.addi %add3A_273, %shift_left3A_515 : vector<16xi32>
      tpu.vector_store_idx %arg7[%add3A_516], %broadcast_in_dim3A_495 {add = true} : memref<8192xi32, #tpu.memory_space<vmem>>[vector<16xi32>], vector<16xi32>,
      %add3A_517 = arith.constant 1 : i32
      %add3A_518 = vector.broadcast %add3A_517 : i32 to vector<16xi32>
      %add3A_519 = arith.addi %scan3A_490, %add3A_518 : vector<16xi32>
      %gather3A_520 = tpu.vector_load_idx %arg5[%scan3A_491] : memref<2560xi32, #tpu.memory_space<vmem>>[vector<16xi32>], vector<16xi32>,
      %shift_left3A_521 = arith.constant 4 : i32
      %shift_left3A_522 = vector.broadcast %shift_left3A_521 : i32 to vector<16xi32>
      %shift_left3A_523 = arith.shli %gather3A_520, %shift_left3A_522 : vector<16xi32>
      %add3A_524 = arith.addi %add3A_276, %shift_left3A_523 : vector<16xi32>
      tpu.vector_store_idx %arg7[%add3A_524], %broadcast_in_dim3A_495 {add = true} : memref<8192xi32, #tpu.memory_space<vmem>>[vector<16xi32>], vector<16xi32>,
      %add3A_525 = arith.constant 1 : i32
      %add3A_526 = vector.broadcast %add3A_525 : i32 to vector<16xi32>
      %add3A_527 = arith.addi %scan3A_491, %add3A_526 : vector<16xi32>
      scf.yield %add3A_503, %add3A_511, %add3A_519, %add3A_527 : vector<16xi32>, vector<16xi32>, vector<16xi32>, vector<16xi32>
    }
    %scan3A_294 = arith.constant 20 : i32
    %broadcast_in_dim3A_295 = arith.constant -4096 : i32
    %broadcast_in_dim3A_296 = vector.broadcast %broadcast_in_dim3A_295 : i32 to vector<16xi32>
    %broadcast_in_dim3A_297 = arith.constant -4096 : i32
    %broadcast_in_dim3A_298 = vector.broadcast %broadcast_in_dim3A_297 : i32 to vector<16xi32>
    %broadcast_in_dim3A_299 = arith.constant -4096 : i32
    %broadcast_in_dim3A_300 = vector.broadcast %broadcast_in_dim3A_299 : i32 to vector<16xi32>
    %broadcast_in_dim3A_301 = arith.constant -4096 : i32
    %broadcast_in_dim3A_302 = vector.broadcast %broadcast_in_dim3A_301 : i32 to vector<16xi32>
    %broadcast_in_dim3A_303 = arith.constant 0 : i32
    %broadcast_in_dim3A_304 = vector.broadcast %broadcast_in_dim3A_303 : i32 to vector<16xi32>
    %broadcast_in_dim3A_305 = arith.constant 0 : i32
    %broadcast_in_dim3A_306 = vector.broadcast %broadcast_in_dim3A_305 : i32 to vector<16xi32>
    %broadcast_in_dim3A_307 = arith.constant 0 : i32
    %broadcast_in_dim3A_308 = vector.broadcast %broadcast_in_dim3A_307 : i32 to vector<16xi32>
    %broadcast_in_dim3A_309 = arith.constant 0 : i32
    %broadcast_in_dim3A_310 = vector.broadcast %broadcast_in_dim3A_309 : i32 to vector<16xi32>
    %broadcast_in_dim3A_311 = arith.constant 20 : i32
    %broadcast_in_dim3A_312 = vector.broadcast %broadcast_in_dim3A_311 : i32 to vector<16xi32>
    %broadcast_in_dim3A_313 = arith.constant 20 : i32
    %broadcast_in_dim3A_314 = vector.broadcast %broadcast_in_dim3A_313 : i32 to vector<16xi32>
    %broadcast_in_dim3A_315 = arith.constant 20 : i32
    %broadcast_in_dim3A_316 = vector.broadcast %broadcast_in_dim3A_315 : i32 to vector<16xi32>
    %broadcast_in_dim3A_317 = arith.constant 20 : i32
    %broadcast_in_dim3A_318 = vector.broadcast %broadcast_in_dim3A_317 : i32 to vector<16xi32>
    %add3A_319 = arith.constant 1280 : i32
    %add3A_320 = vector.broadcast %add3A_319 : i32 to vector<16xi32>
    %add3A_321 = arith.addi %mul3A_18, %add3A_320 : vector<16xi32>
    %add3A_322 = arith.constant 1600 : i32
    %add3A_323 = vector.broadcast %add3A_322 : i32 to vector<16xi32>
    %add3A_324 = arith.addi %mul3A_18, %add3A_323 : vector<16xi32>
    %add3A_325 = arith.constant 1920 : i32
    %add3A_326 = vector.broadcast %add3A_325 : i32 to vector<16xi32>
    %add3A_327 = arith.addi %mul3A_18, %add3A_326 : vector<16xi32>
    %add3A_328 = arith.constant 2240 : i32
    %add3A_329 = vector.broadcast %add3A_328 : i32 to vector<16xi32>
    %add3A_330 = arith.addi %mul3A_18, %add3A_329 : vector<16xi32>
    %scan3A_331 = arith.constant 0 : i32
    %scan3A_332 = arith.constant 20 : i32
    %scan3A_333 = arith.addi %scan3A_331, %scan3A_332 : i32
    %scan3A_334 = arith.constant 4 : i32
    %scan3A_335:16 = scf.for %scan3A_487 = %scan3A_331 to %scan3A_333 step %scan3A_334 iter_args(%scan3A_488 = %broadcast_in_dim3A_296, %scan3A_489 = %broadcast_in_dim3A_298, %scan3A_490 = %broadcast_in_dim3A_300, %scan3A_491 = %broadcast_in_dim3A_302, %scan3A_492 = %broadcast_in_dim3A_304, %scan3A_493 = %broadcast_in_dim3A_306, %scan3A_494 = %broadcast_in_dim3A_308, %scan3A_495 = %broadcast_in_dim3A_310, %scan3A_496 = %broadcast_in_dim3A_312, %scan3A_497 = %broadcast_in_dim3A_314, %scan3A_498 = %broadcast_in_dim3A_316, %scan3A_499 = %broadcast_in_dim3A_318, %scan3A_500 = %add3A_321, %scan3A_501 = %add3A_324, %scan3A_502 = %add3A_327, %scan3A_503 = %add3A_330) -> (vector<16xi32>, vector<16xi32>, vector<16xi32>, vector<16xi32>, vector<16xi32>, vector<16xi32>, vector<16xi32>, vector<16xi32>, vector<16xi32>, vector<16xi32>, vector<16xi32>, vector<16xi32>, vector<16xi32>, vector<16xi32>, vector<16xi32>, vector<16xi32>)  : i32 {
      %gather3A_504 = tpu.vector_load_idx %arg4[%scan3A_500] : memref<2560xi32, #tpu.memory_space<vmem>>[vector<16xi32>], vector<16xi32>,
      %shift_left3A = arith.constant 4 : i32
      %shift_left3A_505 = vector.broadcast %shift_left3A : i32 to vector<16xi32>
      %shift_left3A_506 = arith.shli %gather3A_504, %shift_left3A_505 : vector<16xi32>
      %add3A_507 = arith.addi %add3A_267, %shift_left3A_506 : vector<16xi32>
      %gather3A_508 = tpu.vector_load_idx %arg7[%add3A_507] : memref<8192xi32, #tpu.memory_space<vmem>>[vector<16xi32>], vector<16xi32>,
      %or3A = arith.ori %gather3A_508, %scan3A_492 : vector<16xi32>
      %and3A = arith.andi %or3A, %scan3A_488 : vector<16xi32>
      %add3A_509 = arith.addi %scan3A_488, %and3A : vector<16xi32>
      %xor3A = arith.xori %add3A_509, %scan3A_488 : vector<16xi32>
      %or3A_510 = arith.ori %xor3A, %or3A : vector<16xi32>
      %and3A_511 = arith.andi %scan3A_488, %or3A_510 : vector<16xi32>
      %or3A_512 = arith.ori %scan3A_488, %or3A_510 : vector<16xi32>
      %xor3A_513 = arith.constant -1 : i32
      %xor3A_514 = vector.broadcast %xor3A_513 : i32 to vector<16xi32>
      %xor3A_515 = arith.xori %or3A_512, %xor3A_514 : vector<16xi32>
      %or3A_516 = arith.ori %scan3A_492, %xor3A_515 : vector<16xi32>
      %shift_right_arithmetic3A = arith.constant 31 : i32
      %shift_right_arithmetic3A_517 = vector.broadcast %shift_right_arithmetic3A : i32 to vector<16xi32>
      %shift_right_arithmetic3A_518 = arith.shrsi %or3A_516, %shift_right_arithmetic3A_517 : vector<16xi32>
      %sub3A = arith.subi %scan3A_496, %shift_right_arithmetic3A_518 : vector<16xi32>
      %shift_right_arithmetic3A_519 = arith.constant 31 : i32
      %shift_right_arithmetic3A_520 = vector.broadcast %shift_right_arithmetic3A_519 : i32 to vector<16xi32>
      %shift_right_arithmetic3A_521 = arith.shrsi %and3A_511, %shift_right_arithmetic3A_520 : vector<16xi32>
      %add3A_522 = arith.addi %sub3A, %shift_right_arithmetic3A_521 : vector<16xi32>
      %shift_left3A_523 = arith.constant 1 : i32
      %shift_left3A_524 = vector.broadcast %shift_left3A_523 : i32 to vector<16xi32>
      %shift_left3A_525 = arith.shli %or3A_516, %shift_left3A_524 : vector<16xi32>
      %or3A_526 = arith.constant 4096 : i32
      %or3A_527 = vector.broadcast %or3A_526 : i32 to vector<16xi32>
      %or3A_528 = arith.ori %shift_left3A_525, %or3A_527 : vector<16xi32>
      %and3A_529 = arith.andi %or3A_528, %or3A_510 : vector<16xi32>
      %shift_left3A_530 = arith.constant 1 : i32
      %shift_left3A_531 = vector.broadcast %shift_left3A_530 : i32 to vector<16xi32>
      %shift_left3A_532 = arith.shli %and3A_511, %shift_left3A_531 : vector<16xi32>
      %or3A_533 = arith.ori %or3A_528, %or3A_510 : vector<16xi32>
      %xor3A_534 = arith.constant -1 : i32
      %xor3A_535 = vector.broadcast %xor3A_534 : i32 to vector<16xi32>
      %xor3A_536 = arith.xori %or3A_533, %xor3A_535 : vector<16xi32>
      %or3A_537 = arith.ori %shift_left3A_532, %xor3A_536 : vector<16xi32>
      %add3A_538 = arith.constant 1 : i32
      %add3A_539 = vector.broadcast %add3A_538 : i32 to vector<16xi32>
      %add3A_540 = arith.addi %scan3A_500, %add3A_539 : vector<16xi32>
      %gather3A_541 = tpu.vector_load_idx %arg4[%scan3A_501] : memref<2560xi32, #tpu.memory_space<vmem>>[vector<16xi32>], vector<16xi32>,
      %shift_left3A_542 = arith.constant 4 : i32
      %shift_left3A_543 = vector.broadcast %shift_left3A_542 : i32 to vector<16xi32>
      %shift_left3A_544 = arith.shli %gather3A_541, %shift_left3A_543 : vector<16xi32>
      %add3A_545 = arith.addi %add3A_270, %shift_left3A_544 : vector<16xi32>
      %gather3A_546 = tpu.vector_load_idx %arg7[%add3A_545] : memref<8192xi32, #tpu.memory_space<vmem>>[vector<16xi32>], vector<16xi32>,
      %or3A_547 = arith.ori %gather3A_546, %scan3A_493 : vector<16xi32>
      %and3A_548 = arith.andi %or3A_547, %scan3A_489 : vector<16xi32>
      %add3A_549 = arith.addi %scan3A_489, %and3A_548 : vector<16xi32>
      %xor3A_550 = arith.xori %add3A_549, %scan3A_489 : vector<16xi32>
      %or3A_551 = arith.ori %xor3A_550, %or3A_547 : vector<16xi32>
      %and3A_552 = arith.andi %scan3A_489, %or3A_551 : vector<16xi32>
      %or3A_553 = arith.ori %scan3A_489, %or3A_551 : vector<16xi32>
      %xor3A_554 = arith.constant -1 : i32
      %xor3A_555 = vector.broadcast %xor3A_554 : i32 to vector<16xi32>
      %xor3A_556 = arith.xori %or3A_553, %xor3A_555 : vector<16xi32>
      %or3A_557 = arith.ori %scan3A_493, %xor3A_556 : vector<16xi32>
      %shift_right_arithmetic3A_558 = arith.constant 31 : i32
      %shift_right_arithmetic3A_559 = vector.broadcast %shift_right_arithmetic3A_558 : i32 to vector<16xi32>
      %shift_right_arithmetic3A_560 = arith.shrsi %or3A_557, %shift_right_arithmetic3A_559 : vector<16xi32>
      %sub3A_561 = arith.subi %scan3A_497, %shift_right_arithmetic3A_560 : vector<16xi32>
      %shift_right_arithmetic3A_562 = arith.constant 31 : i32
      %shift_right_arithmetic3A_563 = vector.broadcast %shift_right_arithmetic3A_562 : i32 to vector<16xi32>
      %shift_right_arithmetic3A_564 = arith.shrsi %and3A_552, %shift_right_arithmetic3A_563 : vector<16xi32>
      %add3A_565 = arith.addi %sub3A_561, %shift_right_arithmetic3A_564 : vector<16xi32>
      %shift_left3A_566 = arith.constant 1 : i32
      %shift_left3A_567 = vector.broadcast %shift_left3A_566 : i32 to vector<16xi32>
      %shift_left3A_568 = arith.shli %or3A_557, %shift_left3A_567 : vector<16xi32>
      %or3A_569 = arith.constant 4096 : i32
      %or3A_570 = vector.broadcast %or3A_569 : i32 to vector<16xi32>
      %or3A_571 = arith.ori %shift_left3A_568, %or3A_570 : vector<16xi32>
      %and3A_572 = arith.andi %or3A_571, %or3A_551 : vector<16xi32>
      %shift_left3A_573 = arith.constant 1 : i32
      %shift_left3A_574 = vector.broadcast %shift_left3A_573 : i32 to vector<16xi32>
      %shift_left3A_575 = arith.shli %and3A_552, %shift_left3A_574 : vector<16xi32>
      %or3A_576 = arith.ori %or3A_571, %or3A_551 : vector<16xi32>
      %xor3A_577 = arith.constant -1 : i32
      %xor3A_578 = vector.broadcast %xor3A_577 : i32 to vector<16xi32>
      %xor3A_579 = arith.xori %or3A_576, %xor3A_578 : vector<16xi32>
      %or3A_580 = arith.ori %shift_left3A_575, %xor3A_579 : vector<16xi32>
      %add3A_581 = arith.constant 1 : i32
      %add3A_582 = vector.broadcast %add3A_581 : i32 to vector<16xi32>
      %add3A_583 = arith.addi %scan3A_501, %add3A_582 : vector<16xi32>
      %gather3A_584 = tpu.vector_load_idx %arg4[%scan3A_502] : memref<2560xi32, #tpu.memory_space<vmem>>[vector<16xi32>], vector<16xi32>,
      %shift_left3A_585 = arith.constant 4 : i32
      %shift_left3A_586 = vector.broadcast %shift_left3A_585 : i32 to vector<16xi32>
      %shift_left3A_587 = arith.shli %gather3A_584, %shift_left3A_586 : vector<16xi32>
      %add3A_588 = arith.addi %add3A_273, %shift_left3A_587 : vector<16xi32>
      %gather3A_589 = tpu.vector_load_idx %arg7[%add3A_588] : memref<8192xi32, #tpu.memory_space<vmem>>[vector<16xi32>], vector<16xi32>,
      %or3A_590 = arith.ori %gather3A_589, %scan3A_494 : vector<16xi32>
      %and3A_591 = arith.andi %or3A_590, %scan3A_490 : vector<16xi32>
      %add3A_592 = arith.addi %scan3A_490, %and3A_591 : vector<16xi32>
      %xor3A_593 = arith.xori %add3A_592, %scan3A_490 : vector<16xi32>
      %or3A_594 = arith.ori %xor3A_593, %or3A_590 : vector<16xi32>
      %and3A_595 = arith.andi %scan3A_490, %or3A_594 : vector<16xi32>
      %or3A_596 = arith.ori %scan3A_490, %or3A_594 : vector<16xi32>
      %xor3A_597 = arith.constant -1 : i32
      %xor3A_598 = vector.broadcast %xor3A_597 : i32 to vector<16xi32>
      %xor3A_599 = arith.xori %or3A_596, %xor3A_598 : vector<16xi32>
      %or3A_600 = arith.ori %scan3A_494, %xor3A_599 : vector<16xi32>
      %shift_right_arithmetic3A_601 = arith.constant 31 : i32
      %shift_right_arithmetic3A_602 = vector.broadcast %shift_right_arithmetic3A_601 : i32 to vector<16xi32>
      %shift_right_arithmetic3A_603 = arith.shrsi %or3A_600, %shift_right_arithmetic3A_602 : vector<16xi32>
      %sub3A_604 = arith.subi %scan3A_498, %shift_right_arithmetic3A_603 : vector<16xi32>
      %shift_right_arithmetic3A_605 = arith.constant 31 : i32
      %shift_right_arithmetic3A_606 = vector.broadcast %shift_right_arithmetic3A_605 : i32 to vector<16xi32>
      %shift_right_arithmetic3A_607 = arith.shrsi %and3A_595, %shift_right_arithmetic3A_606 : vector<16xi32>
      %add3A_608 = arith.addi %sub3A_604, %shift_right_arithmetic3A_607 : vector<16xi32>
      %shift_left3A_609 = arith.constant 1 : i32
      %shift_left3A_610 = vector.broadcast %shift_left3A_609 : i32 to vector<16xi32>
      %shift_left3A_611 = arith.shli %or3A_600, %shift_left3A_610 : vector<16xi32>
      %or3A_612 = arith.constant 4096 : i32
      %or3A_613 = vector.broadcast %or3A_612 : i32 to vector<16xi32>
      %or3A_614 = arith.ori %shift_left3A_611, %or3A_613 : vector<16xi32>
      %and3A_615 = arith.andi %or3A_614, %or3A_594 : vector<16xi32>
      %shift_left3A_616 = arith.constant 1 : i32
      %shift_left3A_617 = vector.broadcast %shift_left3A_616 : i32 to vector<16xi32>
      %shift_left3A_618 = arith.shli %and3A_595, %shift_left3A_617 : vector<16xi32>
      %or3A_619 = arith.ori %or3A_614, %or3A_594 : vector<16xi32>
      %xor3A_620 = arith.constant -1 : i32
      %xor3A_621 = vector.broadcast %xor3A_620 : i32 to vector<16xi32>
      %xor3A_622 = arith.xori %or3A_619, %xor3A_621 : vector<16xi32>
      %or3A_623 = arith.ori %shift_left3A_618, %xor3A_622 : vector<16xi32>
      %add3A_624 = arith.constant 1 : i32
      %add3A_625 = vector.broadcast %add3A_624 : i32 to vector<16xi32>
      %add3A_626 = arith.addi %scan3A_502, %add3A_625 : vector<16xi32>
      %gather3A_627 = tpu.vector_load_idx %arg4[%scan3A_503] : memref<2560xi32, #tpu.memory_space<vmem>>[vector<16xi32>], vector<16xi32>,
      %shift_left3A_628 = arith.constant 4 : i32
      %shift_left3A_629 = vector.broadcast %shift_left3A_628 : i32 to vector<16xi32>
      %shift_left3A_630 = arith.shli %gather3A_627, %shift_left3A_629 : vector<16xi32>
      %add3A_631 = arith.addi %add3A_276, %shift_left3A_630 : vector<16xi32>
      %gather3A_632 = tpu.vector_load_idx %arg7[%add3A_631] : memref<8192xi32, #tpu.memory_space<vmem>>[vector<16xi32>], vector<16xi32>,
      %or3A_633 = arith.ori %gather3A_632, %scan3A_495 : vector<16xi32>
      %and3A_634 = arith.andi %or3A_633, %scan3A_491 : vector<16xi32>
      %add3A_635 = arith.addi %scan3A_491, %and3A_634 : vector<16xi32>
      %xor3A_636 = arith.xori %add3A_635, %scan3A_491 : vector<16xi32>
      %or3A_637 = arith.ori %xor3A_636, %or3A_633 : vector<16xi32>
      %and3A_638 = arith.andi %scan3A_491, %or3A_637 : vector<16xi32>
      %or3A_639 = arith.ori %scan3A_491, %or3A_637 : vector<16xi32>
      %xor3A_640 = arith.constant -1 : i32
      %xor3A_641 = vector.broadcast %xor3A_640 : i32 to vector<16xi32>
      %xor3A_642 = arith.xori %or3A_639, %xor3A_641 : vector<16xi32>
      %or3A_643 = arith.ori %scan3A_495, %xor3A_642 : vector<16xi32>
      %shift_right_arithmetic3A_644 = arith.constant 31 : i32
      %shift_right_arithmetic3A_645 = vector.broadcast %shift_right_arithmetic3A_644 : i32 to vector<16xi32>
      %shift_right_arithmetic3A_646 = arith.shrsi %or3A_643, %shift_right_arithmetic3A_645 : vector<16xi32>
      %sub3A_647 = arith.subi %scan3A_499, %shift_right_arithmetic3A_646 : vector<16xi32>
      %shift_right_arithmetic3A_648 = arith.constant 31 : i32
      %shift_right_arithmetic3A_649 = vector.broadcast %shift_right_arithmetic3A_648 : i32 to vector<16xi32>
      %shift_right_arithmetic3A_650 = arith.shrsi %and3A_638, %shift_right_arithmetic3A_649 : vector<16xi32>
      %add3A_651 = arith.addi %sub3A_647, %shift_right_arithmetic3A_650 : vector<16xi32>
      %shift_left3A_652 = arith.constant 1 : i32
      %shift_left3A_653 = vector.broadcast %shift_left3A_652 : i32 to vector<16xi32>
      %shift_left3A_654 = arith.shli %or3A_643, %shift_left3A_653 : vector<16xi32>
      %or3A_655 = arith.constant 4096 : i32
      %or3A_656 = vector.broadcast %or3A_655 : i32 to vector<16xi32>
      %or3A_657 = arith.ori %shift_left3A_654, %or3A_656 : vector<16xi32>
      %and3A_658 = arith.andi %or3A_657, %or3A_637 : vector<16xi32>
      %shift_left3A_659 = arith.constant 1 : i32
      %shift_left3A_660 = vector.broadcast %shift_left3A_659 : i32 to vector<16xi32>
      %shift_left3A_661 = arith.shli %and3A_638, %shift_left3A_660 : vector<16xi32>
      %or3A_662 = arith.ori %or3A_657, %or3A_637 : vector<16xi32>
      %xor3A_663 = arith.constant -1 : i32
      %xor3A_664 = vector.broadcast %xor3A_663 : i32 to vector<16xi32>
      %xor3A_665 = arith.xori %or3A_662, %xor3A_664 : vector<16xi32>
      %or3A_666 = arith.ori %shift_left3A_661, %xor3A_665 : vector<16xi32>
      %add3A_667 = arith.constant 1 : i32
      %add3A_668 = vector.broadcast %add3A_667 : i32 to vector<16xi32>
      %add3A_669 = arith.addi %scan3A_503, %add3A_668 : vector<16xi32>
      %scan3A_670 = arith.constant 1 : i32
      %scan3A_671 = arith.addi %scan3A_487, %scan3A_670 : i32
      %gather3A_672 = tpu.vector_load_idx %arg4[%add3A_540] : memref<2560xi32, #tpu.memory_space<vmem>>[vector<16xi32>], vector<16xi32>,
      %shift_left3A_673 = arith.constant 4 : i32
      %shift_left3A_674 = vector.broadcast %shift_left3A_673 : i32 to vector<16xi32>
      %shift_left3A_675 = arith.shli %gather3A_672, %shift_left3A_674 : vector<16xi32>
      %add3A_676 = arith.addi %add3A_267, %shift_left3A_675 : vector<16xi32>
      %gather3A_677 = tpu.vector_load_idx %arg7[%add3A_676] : memref<8192xi32, #tpu.memory_space<vmem>>[vector<16xi32>], vector<16xi32>,
      %or3A_678 = arith.ori %gather3A_677, %and3A_529 : vector<16xi32>
      %and3A_679 = arith.andi %or3A_678, %or3A_537 : vector<16xi32>
      %add3A_680 = arith.addi %or3A_537, %and3A_679 : vector<16xi32>
      %xor3A_681 = arith.xori %add3A_680, %or3A_537 : vector<16xi32>
      %or3A_682 = arith.ori %xor3A_681, %or3A_678 : vector<16xi32>
      %and3A_683 = arith.andi %or3A_537, %or3A_682 : vector<16xi32>
      %or3A_684 = arith.ori %or3A_537, %or3A_682 : vector<16xi32>
      %xor3A_685 = arith.constant -1 : i32
      %xor3A_686 = vector.broadcast %xor3A_685 : i32 to vector<16xi32>
      %xor3A_687 = arith.xori %or3A_684, %xor3A_686 : vector<16xi32>
      %or3A_688 = arith.ori %and3A_529, %xor3A_687 : vector<16xi32>
      %shift_right_arithmetic3A_689 = arith.constant 31 : i32
      %shift_right_arithmetic3A_690 = vector.broadcast %shift_right_arithmetic3A_689 : i32 to vector<16xi32>
      %shift_right_arithmetic3A_691 = arith.shrsi %or3A_688, %shift_right_arithmetic3A_690 : vector<16xi32>
      %sub3A_692 = arith.subi %add3A_522, %shift_right_arithmetic3A_691 : vector<16xi32>
      %shift_right_arithmetic3A_693 = arith.constant 31 : i32
      %shift_right_arithmetic3A_694 = vector.broadcast %shift_right_arithmetic3A_693 : i32 to vector<16xi32>
      %shift_right_arithmetic3A_695 = arith.shrsi %and3A_683, %shift_right_arithmetic3A_694 : vector<16xi32>
      %add3A_696 = arith.addi %sub3A_692, %shift_right_arithmetic3A_695 : vector<16xi32>
      %shift_left3A_697 = arith.constant 1 : i32
      %shift_left3A_698 = vector.broadcast %shift_left3A_697 : i32 to vector<16xi32>
      %shift_left3A_699 = arith.shli %or3A_688, %shift_left3A_698 : vector<16xi32>
      %or3A_700 = arith.constant 4096 : i32
      %or3A_701 = vector.broadcast %or3A_700 : i32 to vector<16xi32>
      %or3A_702 = arith.ori %shift_left3A_699, %or3A_701 : vector<16xi32>
      %and3A_703 = arith.andi %or3A_702, %or3A_682 : vector<16xi32>
      %shift_left3A_704 = arith.constant 1 : i32
      %shift_left3A_705 = vector.broadcast %shift_left3A_704 : i32 to vector<16xi32>
      %shift_left3A_706 = arith.shli %and3A_683, %shift_left3A_705 : vector<16xi32>
      %or3A_707 = arith.ori %or3A_702, %or3A_682 : vector<16xi32>
      %xor3A_708 = arith.constant -1 : i32
      %xor3A_709 = vector.broadcast %xor3A_708 : i32 to vector<16xi32>
      %xor3A_710 = arith.xori %or3A_707, %xor3A_709 : vector<16xi32>
      %or3A_711 = arith.ori %shift_left3A_706, %xor3A_710 : vector<16xi32>
      %add3A_712 = arith.constant 1 : i32
      %add3A_713 = vector.broadcast %add3A_712 : i32 to vector<16xi32>
      %add3A_714 = arith.addi %add3A_540, %add3A_713 : vector<16xi32>
      %gather3A_715 = tpu.vector_load_idx %arg4[%add3A_583] : memref<2560xi32, #tpu.memory_space<vmem>>[vector<16xi32>], vector<16xi32>,
      %shift_left3A_716 = arith.constant 4 : i32
      %shift_left3A_717 = vector.broadcast %shift_left3A_716 : i32 to vector<16xi32>
      %shift_left3A_718 = arith.shli %gather3A_715, %shift_left3A_717 : vector<16xi32>
      %add3A_719 = arith.addi %add3A_270, %shift_left3A_718 : vector<16xi32>
      %gather3A_720 = tpu.vector_load_idx %arg7[%add3A_719] : memref<8192xi32, #tpu.memory_space<vmem>>[vector<16xi32>], vector<16xi32>,
      %or3A_721 = arith.ori %gather3A_720, %and3A_572 : vector<16xi32>
      %and3A_722 = arith.andi %or3A_721, %or3A_580 : vector<16xi32>
      %add3A_723 = arith.addi %or3A_580, %and3A_722 : vector<16xi32>
      %xor3A_724 = arith.xori %add3A_723, %or3A_580 : vector<16xi32>
      %or3A_725 = arith.ori %xor3A_724, %or3A_721 : vector<16xi32>
      %and3A_726 = arith.andi %or3A_580, %or3A_725 : vector<16xi32>
      %or3A_727 = arith.ori %or3A_580, %or3A_725 : vector<16xi32>
      %xor3A_728 = arith.constant -1 : i32
      %xor3A_729 = vector.broadcast %xor3A_728 : i32 to vector<16xi32>
      %xor3A_730 = arith.xori %or3A_727, %xor3A_729 : vector<16xi32>
      %or3A_731 = arith.ori %and3A_572, %xor3A_730 : vector<16xi32>
      %shift_right_arithmetic3A_732 = arith.constant 31 : i32
      %shift_right_arithmetic3A_733 = vector.broadcast %shift_right_arithmetic3A_732 : i32 to vector<16xi32>
      %shift_right_arithmetic3A_734 = arith.shrsi %or3A_731, %shift_right_arithmetic3A_733 : vector<16xi32>
      %sub3A_735 = arith.subi %add3A_565, %shift_right_arithmetic3A_734 : vector<16xi32>
      %shift_right_arithmetic3A_736 = arith.constant 31 : i32
      %shift_right_arithmetic3A_737 = vector.broadcast %shift_right_arithmetic3A_736 : i32 to vector<16xi32>
      %shift_right_arithmetic3A_738 = arith.shrsi %and3A_726, %shift_right_arithmetic3A_737 : vector<16xi32>
      %add3A_739 = arith.addi %sub3A_735, %shift_right_arithmetic3A_738 : vector<16xi32>
      %shift_left3A_740 = arith.constant 1 : i32
      %shift_left3A_741 = vector.broadcast %shift_left3A_740 : i32 to vector<16xi32>
      %shift_left3A_742 = arith.shli %or3A_731, %shift_left3A_741 : vector<16xi32>
      %or3A_743 = arith.constant 4096 : i32
      %or3A_744 = vector.broadcast %or3A_743 : i32 to vector<16xi32>
      %or3A_745 = arith.ori %shift_left3A_742, %or3A_744 : vector<16xi32>
      %and3A_746 = arith.andi %or3A_745, %or3A_725 : vector<16xi32>
      %shift_left3A_747 = arith.constant 1 : i32
      %shift_left3A_748 = vector.broadcast %shift_left3A_747 : i32 to vector<16xi32>
      %shift_left3A_749 = arith.shli %and3A_726, %shift_left3A_748 : vector<16xi32>
      %or3A_750 = arith.ori %or3A_745, %or3A_725 : vector<16xi32>
      %xor3A_751 = arith.constant -1 : i32
      %xor3A_752 = vector.broadcast %xor3A_751 : i32 to vector<16xi32>
      %xor3A_753 = arith.xori %or3A_750, %xor3A_752 : vector<16xi32>
      %or3A_754 = arith.ori %shift_left3A_749, %xor3A_753 : vector<16xi32>
      %add3A_755 = arith.constant 1 : i32
      %add3A_756 = vector.broadcast %add3A_755 : i32 to vector<16xi32>
      %add3A_757 = arith.addi %add3A_583, %add3A_756 : vector<16xi32>
      %gather3A_758 = tpu.vector_load_idx %arg4[%add3A_626] : memref<2560xi32, #tpu.memory_space<vmem>>[vector<16xi32>], vector<16xi32>,
      %shift_left3A_759 = arith.constant 4 : i32
      %shift_left3A_760 = vector.broadcast %shift_left3A_759 : i32 to vector<16xi32>
      %shift_left3A_761 = arith.shli %gather3A_758, %shift_left3A_760 : vector<16xi32>
      %add3A_762 = arith.addi %add3A_273, %shift_left3A_761 : vector<16xi32>
      %gather3A_763 = tpu.vector_load_idx %arg7[%add3A_762] : memref<8192xi32, #tpu.memory_space<vmem>>[vector<16xi32>], vector<16xi32>,
      %or3A_764 = arith.ori %gather3A_763, %and3A_615 : vector<16xi32>
      %and3A_765 = arith.andi %or3A_764, %or3A_623 : vector<16xi32>
      %add3A_766 = arith.addi %or3A_623, %and3A_765 : vector<16xi32>
      %xor3A_767 = arith.xori %add3A_766, %or3A_623 : vector<16xi32>
      %or3A_768 = arith.ori %xor3A_767, %or3A_764 : vector<16xi32>
      %and3A_769 = arith.andi %or3A_623, %or3A_768 : vector<16xi32>
      %or3A_770 = arith.ori %or3A_623, %or3A_768 : vector<16xi32>
      %xor3A_771 = arith.constant -1 : i32
      %xor3A_772 = vector.broadcast %xor3A_771 : i32 to vector<16xi32>
      %xor3A_773 = arith.xori %or3A_770, %xor3A_772 : vector<16xi32>
      %or3A_774 = arith.ori %and3A_615, %xor3A_773 : vector<16xi32>
      %shift_right_arithmetic3A_775 = arith.constant 31 : i32
      %shift_right_arithmetic3A_776 = vector.broadcast %shift_right_arithmetic3A_775 : i32 to vector<16xi32>
      %shift_right_arithmetic3A_777 = arith.shrsi %or3A_774, %shift_right_arithmetic3A_776 : vector<16xi32>
      %sub3A_778 = arith.subi %add3A_608, %shift_right_arithmetic3A_777 : vector<16xi32>
      %shift_right_arithmetic3A_779 = arith.constant 31 : i32
      %shift_right_arithmetic3A_780 = vector.broadcast %shift_right_arithmetic3A_779 : i32 to vector<16xi32>
      %shift_right_arithmetic3A_781 = arith.shrsi %and3A_769, %shift_right_arithmetic3A_780 : vector<16xi32>
      %add3A_782 = arith.addi %sub3A_778, %shift_right_arithmetic3A_781 : vector<16xi32>
      %shift_left3A_783 = arith.constant 1 : i32
      %shift_left3A_784 = vector.broadcast %shift_left3A_783 : i32 to vector<16xi32>
      %shift_left3A_785 = arith.shli %or3A_774, %shift_left3A_784 : vector<16xi32>
      %or3A_786 = arith.constant 4096 : i32
      %or3A_787 = vector.broadcast %or3A_786 : i32 to vector<16xi32>
      %or3A_788 = arith.ori %shift_left3A_785, %or3A_787 : vector<16xi32>
      %and3A_789 = arith.andi %or3A_788, %or3A_768 : vector<16xi32>
      %shift_left3A_790 = arith.constant 1 : i32
      %shift_left3A_791 = vector.broadcast %shift_left3A_790 : i32 to vector<16xi32>
      %shift_left3A_792 = arith.shli %and3A_769, %shift_left3A_791 : vector<16xi32>
      %or3A_793 = arith.ori %or3A_788, %or3A_768 : vector<16xi32>
      %xor3A_794 = arith.constant -1 : i32
      %xor3A_795 = vector.broadcast %xor3A_794 : i32 to vector<16xi32>
      %xor3A_796 = arith.xori %or3A_793, %xor3A_795 : vector<16xi32>
      %or3A_797 = arith.ori %shift_left3A_792, %xor3A_796 : vector<16xi32>
      %add3A_798 = arith.constant 1 : i32
      %add3A_799 = vector.broadcast %add3A_798 : i32 to vector<16xi32>
      %add3A_800 = arith.addi %add3A_626, %add3A_799 : vector<16xi32>
      %gather3A_801 = tpu.vector_load_idx %arg4[%add3A_669] : memref<2560xi32, #tpu.memory_space<vmem>>[vector<16xi32>], vector<16xi32>,
      %shift_left3A_802 = arith.constant 4 : i32
      %shift_left3A_803 = vector.broadcast %shift_left3A_802 : i32 to vector<16xi32>
      %shift_left3A_804 = arith.shli %gather3A_801, %shift_left3A_803 : vector<16xi32>
      %add3A_805 = arith.addi %add3A_276, %shift_left3A_804 : vector<16xi32>
      %gather3A_806 = tpu.vector_load_idx %arg7[%add3A_805] : memref<8192xi32, #tpu.memory_space<vmem>>[vector<16xi32>], vector<16xi32>,
      %or3A_807 = arith.ori %gather3A_806, %and3A_658 : vector<16xi32>
      %and3A_808 = arith.andi %or3A_807, %or3A_666 : vector<16xi32>
      %add3A_809 = arith.addi %or3A_666, %and3A_808 : vector<16xi32>
      %xor3A_810 = arith.xori %add3A_809, %or3A_666 : vector<16xi32>
      %or3A_811 = arith.ori %xor3A_810, %or3A_807 : vector<16xi32>
      %and3A_812 = arith.andi %or3A_666, %or3A_811 : vector<16xi32>
      %or3A_813 = arith.ori %or3A_666, %or3A_811 : vector<16xi32>
      %xor3A_814 = arith.constant -1 : i32
      %xor3A_815 = vector.broadcast %xor3A_814 : i32 to vector<16xi32>
      %xor3A_816 = arith.xori %or3A_813, %xor3A_815 : vector<16xi32>
      %or3A_817 = arith.ori %and3A_658, %xor3A_816 : vector<16xi32>
      %shift_right_arithmetic3A_818 = arith.constant 31 : i32
      %shift_right_arithmetic3A_819 = vector.broadcast %shift_right_arithmetic3A_818 : i32 to vector<16xi32>
      %shift_right_arithmetic3A_820 = arith.shrsi %or3A_817, %shift_right_arithmetic3A_819 : vector<16xi32>
      %sub3A_821 = arith.subi %add3A_651, %shift_right_arithmetic3A_820 : vector<16xi32>
      %shift_right_arithmetic3A_822 = arith.constant 31 : i32
      %shift_right_arithmetic3A_823 = vector.broadcast %shift_right_arithmetic3A_822 : i32 to vector<16xi32>
      %shift_right_arithmetic3A_824 = arith.shrsi %and3A_812, %shift_right_arithmetic3A_823 : vector<16xi32>
      %add3A_825 = arith.addi %sub3A_821, %shift_right_arithmetic3A_824 : vector<16xi32>
      %shift_left3A_826 = arith.constant 1 : i32
      %shift_left3A_827 = vector.broadcast %shift_left3A_826 : i32 to vector<16xi32>
      %shift_left3A_828 = arith.shli %or3A_817, %shift_left3A_827 : vector<16xi32>
      %or3A_829 = arith.constant 4096 : i32
      %or3A_830 = vector.broadcast %or3A_829 : i32 to vector<16xi32>
      %or3A_831 = arith.ori %shift_left3A_828, %or3A_830 : vector<16xi32>
      %and3A_832 = arith.andi %or3A_831, %or3A_811 : vector<16xi32>
      %shift_left3A_833 = arith.constant 1 : i32
      %shift_left3A_834 = vector.broadcast %shift_left3A_833 : i32 to vector<16xi32>
      %shift_left3A_835 = arith.shli %and3A_812, %shift_left3A_834 : vector<16xi32>
      %or3A_836 = arith.ori %or3A_831, %or3A_811 : vector<16xi32>
      %xor3A_837 = arith.constant -1 : i32
      %xor3A_838 = vector.broadcast %xor3A_837 : i32 to vector<16xi32>
      %xor3A_839 = arith.xori %or3A_836, %xor3A_838 : vector<16xi32>
      %or3A_840 = arith.ori %shift_left3A_835, %xor3A_839 : vector<16xi32>
      %add3A_841 = arith.constant 1 : i32
      %add3A_842 = vector.broadcast %add3A_841 : i32 to vector<16xi32>
      %add3A_843 = arith.addi %add3A_669, %add3A_842 : vector<16xi32>
      %scan3A_844 = arith.constant 2 : i32
      %scan3A_845 = arith.addi %scan3A_487, %scan3A_844 : i32
      %gather3A_846 = tpu.vector_load_idx %arg4[%add3A_714] : memref<2560xi32, #tpu.memory_space<vmem>>[vector<16xi32>], vector<16xi32>,
      %shift_left3A_847 = arith.constant 4 : i32
      %shift_left3A_848 = vector.broadcast %shift_left3A_847 : i32 to vector<16xi32>
      %shift_left3A_849 = arith.shli %gather3A_846, %shift_left3A_848 : vector<16xi32>
      %add3A_850 = arith.addi %add3A_267, %shift_left3A_849 : vector<16xi32>
      %gather3A_851 = tpu.vector_load_idx %arg7[%add3A_850] : memref<8192xi32, #tpu.memory_space<vmem>>[vector<16xi32>], vector<16xi32>,
      %or3A_852 = arith.ori %gather3A_851, %and3A_703 : vector<16xi32>
      %and3A_853 = arith.andi %or3A_852, %or3A_711 : vector<16xi32>
      %add3A_854 = arith.addi %or3A_711, %and3A_853 : vector<16xi32>
      %xor3A_855 = arith.xori %add3A_854, %or3A_711 : vector<16xi32>
      %or3A_856 = arith.ori %xor3A_855, %or3A_852 : vector<16xi32>
      %and3A_857 = arith.andi %or3A_711, %or3A_856 : vector<16xi32>
      %or3A_858 = arith.ori %or3A_711, %or3A_856 : vector<16xi32>
      %xor3A_859 = arith.constant -1 : i32
      %xor3A_860 = vector.broadcast %xor3A_859 : i32 to vector<16xi32>
      %xor3A_861 = arith.xori %or3A_858, %xor3A_860 : vector<16xi32>
      %or3A_862 = arith.ori %and3A_703, %xor3A_861 : vector<16xi32>
      %shift_right_arithmetic3A_863 = arith.constant 31 : i32
      %shift_right_arithmetic3A_864 = vector.broadcast %shift_right_arithmetic3A_863 : i32 to vector<16xi32>
      %shift_right_arithmetic3A_865 = arith.shrsi %or3A_862, %shift_right_arithmetic3A_864 : vector<16xi32>
      %sub3A_866 = arith.subi %add3A_696, %shift_right_arithmetic3A_865 : vector<16xi32>
      %shift_right_arithmetic3A_867 = arith.constant 31 : i32
      %shift_right_arithmetic3A_868 = vector.broadcast %shift_right_arithmetic3A_867 : i32 to vector<16xi32>
      %shift_right_arithmetic3A_869 = arith.shrsi %and3A_857, %shift_right_arithmetic3A_868 : vector<16xi32>
      %add3A_870 = arith.addi %sub3A_866, %shift_right_arithmetic3A_869 : vector<16xi32>
      %shift_left3A_871 = arith.constant 1 : i32
      %shift_left3A_872 = vector.broadcast %shift_left3A_871 : i32 to vector<16xi32>
      %shift_left3A_873 = arith.shli %or3A_862, %shift_left3A_872 : vector<16xi32>
      %or3A_874 = arith.constant 4096 : i32
      %or3A_875 = vector.broadcast %or3A_874 : i32 to vector<16xi32>
      %or3A_876 = arith.ori %shift_left3A_873, %or3A_875 : vector<16xi32>
      %and3A_877 = arith.andi %or3A_876, %or3A_856 : vector<16xi32>
      %shift_left3A_878 = arith.constant 1 : i32
      %shift_left3A_879 = vector.broadcast %shift_left3A_878 : i32 to vector<16xi32>
      %shift_left3A_880 = arith.shli %and3A_857, %shift_left3A_879 : vector<16xi32>
      %or3A_881 = arith.ori %or3A_876, %or3A_856 : vector<16xi32>
      %xor3A_882 = arith.constant -1 : i32
      %xor3A_883 = vector.broadcast %xor3A_882 : i32 to vector<16xi32>
      %xor3A_884 = arith.xori %or3A_881, %xor3A_883 : vector<16xi32>
      %or3A_885 = arith.ori %shift_left3A_880, %xor3A_884 : vector<16xi32>
      %add3A_886 = arith.constant 1 : i32
      %add3A_887 = vector.broadcast %add3A_886 : i32 to vector<16xi32>
      %add3A_888 = arith.addi %add3A_714, %add3A_887 : vector<16xi32>
      %gather3A_889 = tpu.vector_load_idx %arg4[%add3A_757] : memref<2560xi32, #tpu.memory_space<vmem>>[vector<16xi32>], vector<16xi32>,
      %shift_left3A_890 = arith.constant 4 : i32
      %shift_left3A_891 = vector.broadcast %shift_left3A_890 : i32 to vector<16xi32>
      %shift_left3A_892 = arith.shli %gather3A_889, %shift_left3A_891 : vector<16xi32>
      %add3A_893 = arith.addi %add3A_270, %shift_left3A_892 : vector<16xi32>
      %gather3A_894 = tpu.vector_load_idx %arg7[%add3A_893] : memref<8192xi32, #tpu.memory_space<vmem>>[vector<16xi32>], vector<16xi32>,
      %or3A_895 = arith.ori %gather3A_894, %and3A_746 : vector<16xi32>
      %and3A_896 = arith.andi %or3A_895, %or3A_754 : vector<16xi32>
      %add3A_897 = arith.addi %or3A_754, %and3A_896 : vector<16xi32>
      %xor3A_898 = arith.xori %add3A_897, %or3A_754 : vector<16xi32>
      %or3A_899 = arith.ori %xor3A_898, %or3A_895 : vector<16xi32>
      %and3A_900 = arith.andi %or3A_754, %or3A_899 : vector<16xi32>
      %or3A_901 = arith.ori %or3A_754, %or3A_899 : vector<16xi32>
      %xor3A_902 = arith.constant -1 : i32
      %xor3A_903 = vector.broadcast %xor3A_902 : i32 to vector<16xi32>
      %xor3A_904 = arith.xori %or3A_901, %xor3A_903 : vector<16xi32>
      %or3A_905 = arith.ori %and3A_746, %xor3A_904 : vector<16xi32>
      %shift_right_arithmetic3A_906 = arith.constant 31 : i32
      %shift_right_arithmetic3A_907 = vector.broadcast %shift_right_arithmetic3A_906 : i32 to vector<16xi32>
      %shift_right_arithmetic3A_908 = arith.shrsi %or3A_905, %shift_right_arithmetic3A_907 : vector<16xi32>
      %sub3A_909 = arith.subi %add3A_739, %shift_right_arithmetic3A_908 : vector<16xi32>
      %shift_right_arithmetic3A_910 = arith.constant 31 : i32
      %shift_right_arithmetic3A_911 = vector.broadcast %shift_right_arithmetic3A_910 : i32 to vector<16xi32>
      %shift_right_arithmetic3A_912 = arith.shrsi %and3A_900, %shift_right_arithmetic3A_911 : vector<16xi32>
      %add3A_913 = arith.addi %sub3A_909, %shift_right_arithmetic3A_912 : vector<16xi32>
      %shift_left3A_914 = arith.constant 1 : i32
      %shift_left3A_915 = vector.broadcast %shift_left3A_914 : i32 to vector<16xi32>
      %shift_left3A_916 = arith.shli %or3A_905, %shift_left3A_915 : vector<16xi32>
      %or3A_917 = arith.constant 4096 : i32
      %or3A_918 = vector.broadcast %or3A_917 : i32 to vector<16xi32>
      %or3A_919 = arith.ori %shift_left3A_916, %or3A_918 : vector<16xi32>
      %and3A_920 = arith.andi %or3A_919, %or3A_899 : vector<16xi32>
      %shift_left3A_921 = arith.constant 1 : i32
      %shift_left3A_922 = vector.broadcast %shift_left3A_921 : i32 to vector<16xi32>
      %shift_left3A_923 = arith.shli %and3A_900, %shift_left3A_922 : vector<16xi32>
      %or3A_924 = arith.ori %or3A_919, %or3A_899 : vector<16xi32>
      %xor3A_925 = arith.constant -1 : i32
      %xor3A_926 = vector.broadcast %xor3A_925 : i32 to vector<16xi32>
      %xor3A_927 = arith.xori %or3A_924, %xor3A_926 : vector<16xi32>
      %or3A_928 = arith.ori %shift_left3A_923, %xor3A_927 : vector<16xi32>
      %add3A_929 = arith.constant 1 : i32
      %add3A_930 = vector.broadcast %add3A_929 : i32 to vector<16xi32>
      %add3A_931 = arith.addi %add3A_757, %add3A_930 : vector<16xi32>
      %gather3A_932 = tpu.vector_load_idx %arg4[%add3A_800] : memref<2560xi32, #tpu.memory_space<vmem>>[vector<16xi32>], vector<16xi32>,
      %shift_left3A_933 = arith.constant 4 : i32
      %shift_left3A_934 = vector.broadcast %shift_left3A_933 : i32 to vector<16xi32>
      %shift_left3A_935 = arith.shli %gather3A_932, %shift_left3A_934 : vector<16xi32>
      %add3A_936 = arith.addi %add3A_273, %shift_left3A_935 : vector<16xi32>
      %gather3A_937 = tpu.vector_load_idx %arg7[%add3A_936] : memref<8192xi32, #tpu.memory_space<vmem>>[vector<16xi32>], vector<16xi32>,
      %or3A_938 = arith.ori %gather3A_937, %and3A_789 : vector<16xi32>
      %and3A_939 = arith.andi %or3A_938, %or3A_797 : vector<16xi32>
      %add3A_940 = arith.addi %or3A_797, %and3A_939 : vector<16xi32>
      %xor3A_941 = arith.xori %add3A_940, %or3A_797 : vector<16xi32>
      %or3A_942 = arith.ori %xor3A_941, %or3A_938 : vector<16xi32>
      %and3A_943 = arith.andi %or3A_797, %or3A_942 : vector<16xi32>
      %or3A_944 = arith.ori %or3A_797, %or3A_942 : vector<16xi32>
      %xor3A_945 = arith.constant -1 : i32
      %xor3A_946 = vector.broadcast %xor3A_945 : i32 to vector<16xi32>
      %xor3A_947 = arith.xori %or3A_944, %xor3A_946 : vector<16xi32>
      %or3A_948 = arith.ori %and3A_789, %xor3A_947 : vector<16xi32>
      %shift_right_arithmetic3A_949 = arith.constant 31 : i32
      %shift_right_arithmetic3A_950 = vector.broadcast %shift_right_arithmetic3A_949 : i32 to vector<16xi32>
      %shift_right_arithmetic3A_951 = arith.shrsi %or3A_948, %shift_right_arithmetic3A_950 : vector<16xi32>
      %sub3A_952 = arith.subi %add3A_782, %shift_right_arithmetic3A_951 : vector<16xi32>
      %shift_right_arithmetic3A_953 = arith.constant 31 : i32
      %shift_right_arithmetic3A_954 = vector.broadcast %shift_right_arithmetic3A_953 : i32 to vector<16xi32>
      %shift_right_arithmetic3A_955 = arith.shrsi %and3A_943, %shift_right_arithmetic3A_954 : vector<16xi32>
      %add3A_956 = arith.addi %sub3A_952, %shift_right_arithmetic3A_955 : vector<16xi32>
      %shift_left3A_957 = arith.constant 1 : i32
      %shift_left3A_958 = vector.broadcast %shift_left3A_957 : i32 to vector<16xi32>
      %shift_left3A_959 = arith.shli %or3A_948, %shift_left3A_958 : vector<16xi32>
      %or3A_960 = arith.constant 4096 : i32
      %or3A_961 = vector.broadcast %or3A_960 : i32 to vector<16xi32>
      %or3A_962 = arith.ori %shift_left3A_959, %or3A_961 : vector<16xi32>
      %and3A_963 = arith.andi %or3A_962, %or3A_942 : vector<16xi32>
      %shift_left3A_964 = arith.constant 1 : i32
      %shift_left3A_965 = vector.broadcast %shift_left3A_964 : i32 to vector<16xi32>
      %shift_left3A_966 = arith.shli %and3A_943, %shift_left3A_965 : vector<16xi32>
      %or3A_967 = arith.ori %or3A_962, %or3A_942 : vector<16xi32>
      %xor3A_968 = arith.constant -1 : i32
      %xor3A_969 = vector.broadcast %xor3A_968 : i32 to vector<16xi32>
      %xor3A_970 = arith.xori %or3A_967, %xor3A_969 : vector<16xi32>
      %or3A_971 = arith.ori %shift_left3A_966, %xor3A_970 : vector<16xi32>
      %add3A_972 = arith.constant 1 : i32
      %add3A_973 = vector.broadcast %add3A_972 : i32 to vector<16xi32>
      %add3A_974 = arith.addi %add3A_800, %add3A_973 : vector<16xi32>
      %gather3A_975 = tpu.vector_load_idx %arg4[%add3A_843] : memref<2560xi32, #tpu.memory_space<vmem>>[vector<16xi32>], vector<16xi32>,
      %shift_left3A_976 = arith.constant 4 : i32
      %shift_left3A_977 = vector.broadcast %shift_left3A_976 : i32 to vector<16xi32>
      %shift_left3A_978 = arith.shli %gather3A_975, %shift_left3A_977 : vector<16xi32>
      %add3A_979 = arith.addi %add3A_276, %shift_left3A_978 : vector<16xi32>
      %gather3A_980 = tpu.vector_load_idx %arg7[%add3A_979] : memref<8192xi32, #tpu.memory_space<vmem>>[vector<16xi32>], vector<16xi32>,
      %or3A_981 = arith.ori %gather3A_980, %and3A_832 : vector<16xi32>
      %and3A_982 = arith.andi %or3A_981, %or3A_840 : vector<16xi32>
      %add3A_983 = arith.addi %or3A_840, %and3A_982 : vector<16xi32>
      %xor3A_984 = arith.xori %add3A_983, %or3A_840 : vector<16xi32>
      %or3A_985 = arith.ori %xor3A_984, %or3A_981 : vector<16xi32>
      %and3A_986 = arith.andi %or3A_840, %or3A_985 : vector<16xi32>
      %or3A_987 = arith.ori %or3A_840, %or3A_985 : vector<16xi32>
      %xor3A_988 = arith.constant -1 : i32
      %xor3A_989 = vector.broadcast %xor3A_988 : i32 to vector<16xi32>
      %xor3A_990 = arith.xori %or3A_987, %xor3A_989 : vector<16xi32>
      %or3A_991 = arith.ori %and3A_832, %xor3A_990 : vector<16xi32>
      %shift_right_arithmetic3A_992 = arith.constant 31 : i32
      %shift_right_arithmetic3A_993 = vector.broadcast %shift_right_arithmetic3A_992 : i32 to vector<16xi32>
      %shift_right_arithmetic3A_994 = arith.shrsi %or3A_991, %shift_right_arithmetic3A_993 : vector<16xi32>
      %sub3A_995 = arith.subi %add3A_825, %shift_right_arithmetic3A_994 : vector<16xi32>
      %shift_right_arithmetic3A_996 = arith.constant 31 : i32
      %shift_right_arithmetic3A_997 = vector.broadcast %shift_right_arithmetic3A_996 : i32 to vector<16xi32>
      %shift_right_arithmetic3A_998 = arith.shrsi %and3A_986, %shift_right_arithmetic3A_997 : vector<16xi32>
      %add3A_999 = arith.addi %sub3A_995, %shift_right_arithmetic3A_998 : vector<16xi32>
      %shift_left3A_1000 = arith.constant 1 : i32
      %shift_left3A_1001 = vector.broadcast %shift_left3A_1000 : i32 to vector<16xi32>
      %shift_left3A_1002 = arith.shli %or3A_991, %shift_left3A_1001 : vector<16xi32>
      %or3A_1003 = arith.constant 4096 : i32
      %or3A_1004 = vector.broadcast %or3A_1003 : i32 to vector<16xi32>
      %or3A_1005 = arith.ori %shift_left3A_1002, %or3A_1004 : vector<16xi32>
      %and3A_1006 = arith.andi %or3A_1005, %or3A_985 : vector<16xi32>
      %shift_left3A_1007 = arith.constant 1 : i32
      %shift_left3A_1008 = vector.broadcast %shift_left3A_1007 : i32 to vector<16xi32>
      %shift_left3A_1009 = arith.shli %and3A_986, %shift_left3A_1008 : vector<16xi32>
      %or3A_1010 = arith.ori %or3A_1005, %or3A_985 : vector<16xi32>
      %xor3A_1011 = arith.constant -1 : i32
      %xor3A_1012 = vector.broadcast %xor3A_1011 : i32 to vector<16xi32>
      %xor3A_1013 = arith.xori %or3A_1010, %xor3A_1012 : vector<16xi32>
      %or3A_1014 = arith.ori %shift_left3A_1009, %xor3A_1013 : vector<16xi32>
      %add3A_1015 = arith.constant 1 : i32
      %add3A_1016 = vector.broadcast %add3A_1015 : i32 to vector<16xi32>
      %add3A_1017 = arith.addi %add3A_843, %add3A_1016 : vector<16xi32>
      %scan3A_1018 = arith.constant 3 : i32
      %scan3A_1019 = arith.addi %scan3A_487, %scan3A_1018 : i32
      %gather3A_1020 = tpu.vector_load_idx %arg4[%add3A_888] : memref<2560xi32, #tpu.memory_space<vmem>>[vector<16xi32>], vector<16xi32>,
      %shift_left3A_1021 = arith.constant 4 : i32
      %shift_left3A_1022 = vector.broadcast %shift_left3A_1021 : i32 to vector<16xi32>
      %shift_left3A_1023 = arith.shli %gather3A_1020, %shift_left3A_1022 : vector<16xi32>
      %add3A_1024 = arith.addi %add3A_267, %shift_left3A_1023 : vector<16xi32>
      %gather3A_1025 = tpu.vector_load_idx %arg7[%add3A_1024] : memref<8192xi32, #tpu.memory_space<vmem>>[vector<16xi32>], vector<16xi32>,
      %or3A_1026 = arith.ori %gather3A_1025, %and3A_877 : vector<16xi32>
      %and3A_1027 = arith.andi %or3A_1026, %or3A_885 : vector<16xi32>
      %add3A_1028 = arith.addi %or3A_885, %and3A_1027 : vector<16xi32>
      %xor3A_1029 = arith.xori %add3A_1028, %or3A_885 : vector<16xi32>
      %or3A_1030 = arith.ori %xor3A_1029, %or3A_1026 : vector<16xi32>
      %and3A_1031 = arith.andi %or3A_885, %or3A_1030 : vector<16xi32>
      %or3A_1032 = arith.ori %or3A_885, %or3A_1030 : vector<16xi32>
      %xor3A_1033 = arith.constant -1 : i32
      %xor3A_1034 = vector.broadcast %xor3A_1033 : i32 to vector<16xi32>
      %xor3A_1035 = arith.xori %or3A_1032, %xor3A_1034 : vector<16xi32>
      %or3A_1036 = arith.ori %and3A_877, %xor3A_1035 : vector<16xi32>
      %shift_right_arithmetic3A_1037 = arith.constant 31 : i32
      %shift_right_arithmetic3A_1038 = vector.broadcast %shift_right_arithmetic3A_1037 : i32 to vector<16xi32>
      %shift_right_arithmetic3A_1039 = arith.shrsi %or3A_1036, %shift_right_arithmetic3A_1038 : vector<16xi32>
      %sub3A_1040 = arith.subi %add3A_870, %shift_right_arithmetic3A_1039 : vector<16xi32>
      %shift_right_arithmetic3A_1041 = arith.constant 31 : i32
      %shift_right_arithmetic3A_1042 = vector.broadcast %shift_right_arithmetic3A_1041 : i32 to vector<16xi32>
      %shift_right_arithmetic3A_1043 = arith.shrsi %and3A_1031, %shift_right_arithmetic3A_1042 : vector<16xi32>
      %add3A_1044 = arith.addi %sub3A_1040, %shift_right_arithmetic3A_1043 : vector<16xi32>
      %shift_left3A_1045 = arith.constant 1 : i32
      %shift_left3A_1046 = vector.broadcast %shift_left3A_1045 : i32 to vector<16xi32>
      %shift_left3A_1047 = arith.shli %or3A_1036, %shift_left3A_1046 : vector<16xi32>
      %or3A_1048 = arith.constant 4096 : i32
      %or3A_1049 = vector.broadcast %or3A_1048 : i32 to vector<16xi32>
      %or3A_1050 = arith.ori %shift_left3A_1047, %or3A_1049 : vector<16xi32>
      %and3A_1051 = arith.andi %or3A_1050, %or3A_1030 : vector<16xi32>
      %shift_left3A_1052 = arith.constant 1 : i32
      %shift_left3A_1053 = vector.broadcast %shift_left3A_1052 : i32 to vector<16xi32>
      %shift_left3A_1054 = arith.shli %and3A_1031, %shift_left3A_1053 : vector<16xi32>
      %or3A_1055 = arith.ori %or3A_1050, %or3A_1030 : vector<16xi32>
      %xor3A_1056 = arith.constant -1 : i32
      %xor3A_1057 = vector.broadcast %xor3A_1056 : i32 to vector<16xi32>
      %xor3A_1058 = arith.xori %or3A_1055, %xor3A_1057 : vector<16xi32>
      %or3A_1059 = arith.ori %shift_left3A_1054, %xor3A_1058 : vector<16xi32>
      %add3A_1060 = arith.constant 1 : i32
      %add3A_1061 = vector.broadcast %add3A_1060 : i32 to vector<16xi32>
      %add3A_1062 = arith.addi %add3A_888, %add3A_1061 : vector<16xi32>
      %gather3A_1063 = tpu.vector_load_idx %arg4[%add3A_931] : memref<2560xi32, #tpu.memory_space<vmem>>[vector<16xi32>], vector<16xi32>,
      %shift_left3A_1064 = arith.constant 4 : i32
      %shift_left3A_1065 = vector.broadcast %shift_left3A_1064 : i32 to vector<16xi32>
      %shift_left3A_1066 = arith.shli %gather3A_1063, %shift_left3A_1065 : vector<16xi32>
      %add3A_1067 = arith.addi %add3A_270, %shift_left3A_1066 : vector<16xi32>
      %gather3A_1068 = tpu.vector_load_idx %arg7[%add3A_1067] : memref<8192xi32, #tpu.memory_space<vmem>>[vector<16xi32>], vector<16xi32>,
      %or3A_1069 = arith.ori %gather3A_1068, %and3A_920 : vector<16xi32>
      %and3A_1070 = arith.andi %or3A_1069, %or3A_928 : vector<16xi32>
      %add3A_1071 = arith.addi %or3A_928, %and3A_1070 : vector<16xi32>
      %xor3A_1072 = arith.xori %add3A_1071, %or3A_928 : vector<16xi32>
      %or3A_1073 = arith.ori %xor3A_1072, %or3A_1069 : vector<16xi32>
      %and3A_1074 = arith.andi %or3A_928, %or3A_1073 : vector<16xi32>
      %or3A_1075 = arith.ori %or3A_928, %or3A_1073 : vector<16xi32>
      %xor3A_1076 = arith.constant -1 : i32
      %xor3A_1077 = vector.broadcast %xor3A_1076 : i32 to vector<16xi32>
      %xor3A_1078 = arith.xori %or3A_1075, %xor3A_1077 : vector<16xi32>
      %or3A_1079 = arith.ori %and3A_920, %xor3A_1078 : vector<16xi32>
      %shift_right_arithmetic3A_1080 = arith.constant 31 : i32
      %shift_right_arithmetic3A_1081 = vector.broadcast %shift_right_arithmetic3A_1080 : i32 to vector<16xi32>
      %shift_right_arithmetic3A_1082 = arith.shrsi %or3A_1079, %shift_right_arithmetic3A_1081 : vector<16xi32>
      %sub3A_1083 = arith.subi %add3A_913, %shift_right_arithmetic3A_1082 : vector<16xi32>
      %shift_right_arithmetic3A_1084 = arith.constant 31 : i32
      %shift_right_arithmetic3A_1085 = vector.broadcast %shift_right_arithmetic3A_1084 : i32 to vector<16xi32>
      %shift_right_arithmetic3A_1086 = arith.shrsi %and3A_1074, %shift_right_arithmetic3A_1085 : vector<16xi32>
      %add3A_1087 = arith.addi %sub3A_1083, %shift_right_arithmetic3A_1086 : vector<16xi32>
      %shift_left3A_1088 = arith.constant 1 : i32
      %shift_left3A_1089 = vector.broadcast %shift_left3A_1088 : i32 to vector<16xi32>
      %shift_left3A_1090 = arith.shli %or3A_1079, %shift_left3A_1089 : vector<16xi32>
      %or3A_1091 = arith.constant 4096 : i32
      %or3A_1092 = vector.broadcast %or3A_1091 : i32 to vector<16xi32>
      %or3A_1093 = arith.ori %shift_left3A_1090, %or3A_1092 : vector<16xi32>
      %and3A_1094 = arith.andi %or3A_1093, %or3A_1073 : vector<16xi32>
      %shift_left3A_1095 = arith.constant 1 : i32
      %shift_left3A_1096 = vector.broadcast %shift_left3A_1095 : i32 to vector<16xi32>
      %shift_left3A_1097 = arith.shli %and3A_1074, %shift_left3A_1096 : vector<16xi32>
      %or3A_1098 = arith.ori %or3A_1093, %or3A_1073 : vector<16xi32>
      %xor3A_1099 = arith.constant -1 : i32
      %xor3A_1100 = vector.broadcast %xor3A_1099 : i32 to vector<16xi32>
      %xor3A_1101 = arith.xori %or3A_1098, %xor3A_1100 : vector<16xi32>
      %or3A_1102 = arith.ori %shift_left3A_1097, %xor3A_1101 : vector<16xi32>
      %add3A_1103 = arith.constant 1 : i32
      %add3A_1104 = vector.broadcast %add3A_1103 : i32 to vector<16xi32>
      %add3A_1105 = arith.addi %add3A_931, %add3A_1104 : vector<16xi32>
      %gather3A_1106 = tpu.vector_load_idx %arg4[%add3A_974] : memref<2560xi32, #tpu.memory_space<vmem>>[vector<16xi32>], vector<16xi32>,
      %shift_left3A_1107 = arith.constant 4 : i32
      %shift_left3A_1108 = vector.broadcast %shift_left3A_1107 : i32 to vector<16xi32>
      %shift_left3A_1109 = arith.shli %gather3A_1106, %shift_left3A_1108 : vector<16xi32>
      %add3A_1110 = arith.addi %add3A_273, %shift_left3A_1109 : vector<16xi32>
      %gather3A_1111 = tpu.vector_load_idx %arg7[%add3A_1110] : memref<8192xi32, #tpu.memory_space<vmem>>[vector<16xi32>], vector<16xi32>,
      %or3A_1112 = arith.ori %gather3A_1111, %and3A_963 : vector<16xi32>
      %and3A_1113 = arith.andi %or3A_1112, %or3A_971 : vector<16xi32>
      %add3A_1114 = arith.addi %or3A_971, %and3A_1113 : vector<16xi32>
      %xor3A_1115 = arith.xori %add3A_1114, %or3A_971 : vector<16xi32>
      %or3A_1116 = arith.ori %xor3A_1115, %or3A_1112 : vector<16xi32>
      %and3A_1117 = arith.andi %or3A_971, %or3A_1116 : vector<16xi32>
      %or3A_1118 = arith.ori %or3A_971, %or3A_1116 : vector<16xi32>
      %xor3A_1119 = arith.constant -1 : i32
      %xor3A_1120 = vector.broadcast %xor3A_1119 : i32 to vector<16xi32>
      %xor3A_1121 = arith.xori %or3A_1118, %xor3A_1120 : vector<16xi32>
      %or3A_1122 = arith.ori %and3A_963, %xor3A_1121 : vector<16xi32>
      %shift_right_arithmetic3A_1123 = arith.constant 31 : i32
      %shift_right_arithmetic3A_1124 = vector.broadcast %shift_right_arithmetic3A_1123 : i32 to vector<16xi32>
      %shift_right_arithmetic3A_1125 = arith.shrsi %or3A_1122, %shift_right_arithmetic3A_1124 : vector<16xi32>
      %sub3A_1126 = arith.subi %add3A_956, %shift_right_arithmetic3A_1125 : vector<16xi32>
      %shift_right_arithmetic3A_1127 = arith.constant 31 : i32
      %shift_right_arithmetic3A_1128 = vector.broadcast %shift_right_arithmetic3A_1127 : i32 to vector<16xi32>
      %shift_right_arithmetic3A_1129 = arith.shrsi %and3A_1117, %shift_right_arithmetic3A_1128 : vector<16xi32>
      %add3A_1130 = arith.addi %sub3A_1126, %shift_right_arithmetic3A_1129 : vector<16xi32>
      %shift_left3A_1131 = arith.constant 1 : i32
      %shift_left3A_1132 = vector.broadcast %shift_left3A_1131 : i32 to vector<16xi32>
      %shift_left3A_1133 = arith.shli %or3A_1122, %shift_left3A_1132 : vector<16xi32>
      %or3A_1134 = arith.constant 4096 : i32
      %or3A_1135 = vector.broadcast %or3A_1134 : i32 to vector<16xi32>
      %or3A_1136 = arith.ori %shift_left3A_1133, %or3A_1135 : vector<16xi32>
      %and3A_1137 = arith.andi %or3A_1136, %or3A_1116 : vector<16xi32>
      %shift_left3A_1138 = arith.constant 1 : i32
      %shift_left3A_1139 = vector.broadcast %shift_left3A_1138 : i32 to vector<16xi32>
      %shift_left3A_1140 = arith.shli %and3A_1117, %shift_left3A_1139 : vector<16xi32>
      %or3A_1141 = arith.ori %or3A_1136, %or3A_1116 : vector<16xi32>
      %xor3A_1142 = arith.constant -1 : i32
      %xor3A_1143 = vector.broadcast %xor3A_1142 : i32 to vector<16xi32>
      %xor3A_1144 = arith.xori %or3A_1141, %xor3A_1143 : vector<16xi32>
      %or3A_1145 = arith.ori %shift_left3A_1140, %xor3A_1144 : vector<16xi32>
      %add3A_1146 = arith.constant 1 : i32
      %add3A_1147 = vector.broadcast %add3A_1146 : i32 to vector<16xi32>
      %add3A_1148 = arith.addi %add3A_974, %add3A_1147 : vector<16xi32>
      %gather3A_1149 = tpu.vector_load_idx %arg4[%add3A_1017] : memref<2560xi32, #tpu.memory_space<vmem>>[vector<16xi32>], vector<16xi32>,
      %shift_left3A_1150 = arith.constant 4 : i32
      %shift_left3A_1151 = vector.broadcast %shift_left3A_1150 : i32 to vector<16xi32>
      %shift_left3A_1152 = arith.shli %gather3A_1149, %shift_left3A_1151 : vector<16xi32>
      %add3A_1153 = arith.addi %add3A_276, %shift_left3A_1152 : vector<16xi32>
      %gather3A_1154 = tpu.vector_load_idx %arg7[%add3A_1153] : memref<8192xi32, #tpu.memory_space<vmem>>[vector<16xi32>], vector<16xi32>,
      %or3A_1155 = arith.ori %gather3A_1154, %and3A_1006 : vector<16xi32>
      %and3A_1156 = arith.andi %or3A_1155, %or3A_1014 : vector<16xi32>
      %add3A_1157 = arith.addi %or3A_1014, %and3A_1156 : vector<16xi32>
      %xor3A_1158 = arith.xori %add3A_1157, %or3A_1014 : vector<16xi32>
      %or3A_1159 = arith.ori %xor3A_1158, %or3A_1155 : vector<16xi32>
      %and3A_1160 = arith.andi %or3A_1014, %or3A_1159 : vector<16xi32>
      %or3A_1161 = arith.ori %or3A_1014, %or3A_1159 : vector<16xi32>
      %xor3A_1162 = arith.constant -1 : i32
      %xor3A_1163 = vector.broadcast %xor3A_1162 : i32 to vector<16xi32>
      %xor3A_1164 = arith.xori %or3A_1161, %xor3A_1163 : vector<16xi32>
      %or3A_1165 = arith.ori %and3A_1006, %xor3A_1164 : vector<16xi32>
      %shift_right_arithmetic3A_1166 = arith.constant 31 : i32
      %shift_right_arithmetic3A_1167 = vector.broadcast %shift_right_arithmetic3A_1166 : i32 to vector<16xi32>
      %shift_right_arithmetic3A_1168 = arith.shrsi %or3A_1165, %shift_right_arithmetic3A_1167 : vector<16xi32>
      %sub3A_1169 = arith.subi %add3A_999, %shift_right_arithmetic3A_1168 : vector<16xi32>
      %shift_right_arithmetic3A_1170 = arith.constant 31 : i32
      %shift_right_arithmetic3A_1171 = vector.broadcast %shift_right_arithmetic3A_1170 : i32 to vector<16xi32>
      %shift_right_arithmetic3A_1172 = arith.shrsi %and3A_1160, %shift_right_arithmetic3A_1171 : vector<16xi32>
      %add3A_1173 = arith.addi %sub3A_1169, %shift_right_arithmetic3A_1172 : vector<16xi32>
      %shift_left3A_1174 = arith.constant 1 : i32
      %shift_left3A_1175 = vector.broadcast %shift_left3A_1174 : i32 to vector<16xi32>
      %shift_left3A_1176 = arith.shli %or3A_1165, %shift_left3A_1175 : vector<16xi32>
      %or3A_1177 = arith.constant 4096 : i32
      %or3A_1178 = vector.broadcast %or3A_1177 : i32 to vector<16xi32>
      %or3A_1179 = arith.ori %shift_left3A_1176, %or3A_1178 : vector<16xi32>
      %and3A_1180 = arith.andi %or3A_1179, %or3A_1159 : vector<16xi32>
      %shift_left3A_1181 = arith.constant 1 : i32
      %shift_left3A_1182 = vector.broadcast %shift_left3A_1181 : i32 to vector<16xi32>
      %shift_left3A_1183 = arith.shli %and3A_1160, %shift_left3A_1182 : vector<16xi32>
      %or3A_1184 = arith.ori %or3A_1179, %or3A_1159 : vector<16xi32>
      %xor3A_1185 = arith.constant -1 : i32
      %xor3A_1186 = vector.broadcast %xor3A_1185 : i32 to vector<16xi32>
      %xor3A_1187 = arith.xori %or3A_1184, %xor3A_1186 : vector<16xi32>
      %or3A_1188 = arith.ori %shift_left3A_1183, %xor3A_1187 : vector<16xi32>
      %add3A_1189 = arith.constant 1 : i32
      %add3A_1190 = vector.broadcast %add3A_1189 : i32 to vector<16xi32>
      %add3A_1191 = arith.addi %add3A_1017, %add3A_1190 : vector<16xi32>
      scf.yield %or3A_1059, %or3A_1102, %or3A_1145, %or3A_1188, %and3A_1051, %and3A_1094, %and3A_1137, %and3A_1180, %add3A_1044, %add3A_1087, %add3A_1130, %add3A_1173, %add3A_1062, %add3A_1105, %add3A_1148, %add3A_1191 : vector<16xi32>, vector<16xi32>, vector<16xi32>, vector<16xi32>, vector<16xi32>, vector<16xi32>, vector<16xi32>, vector<16xi32>, vector<16xi32>, vector<16xi32>, vector<16xi32>, vector<16xi32>, vector<16xi32>, vector<16xi32>, vector<16xi32>, vector<16xi32>
    }
    %scan3A_336 = arith.constant 20 : i32
    %min3A_337 = arith.constant 31 : i32
    %min3A_338 = vector.broadcast %min3A_337 : i32 to vector<16xi32>
    %min3A_339 = arith.minsi %scan3A_335#8, %min3A_338 : vector<16xi32>
    %mul3A_340 = arith.constant 4 : i32
    %mul3A_341 = vector.broadcast %mul3A_340 : i32 to vector<16xi32>
    %mul3A_342 = arith.muli %min3A_339, %mul3A_341 : vector<16xi32>
    %add3A_343 = arith.constant 64 : i32
    %add3A_344 = vector.broadcast %add3A_343 : i32 to vector<16xi32>
    %add3A_345 = arith.addi %add3A_344, %iota3A : vector<16xi32>
    %add3A_346 = arith.constant 0 : i32
    %add3A_347 = vector.broadcast %add3A_346 : i32 to vector<16xi32>
    %add3A_348 = arith.addi %mul3A_342, %add3A_347 : vector<16xi32>
    %gather3A_349 = tpu.vector_load_idx %arg6[%add3A_348] : memref<128xi32, #tpu.memory_space<vmem>>[vector<16xi32>], vector<16xi32>,
    %broadcast_in_dim3A_350 = arith.constant 0 : i32
    %broadcast_in_dim3A_351 = vector.broadcast %broadcast_in_dim3A_350 : i32 to vector<16xi32>
    %bitcast3A_352 = vector.bitcast %gather3A_349 : vector<16xi32> to vector<16xf32>
    tpu.vector_store_idx %arg8[%add3A_345, %broadcast_in_dim3A_351], %bitcast3A_352 : memref<128x4xf32, #tpu.memory_space<vmem>>[vector<16xi32>, vector<16xi32>], vector<16xf32>,
    %add3A_353 = arith.constant 1 : i32
    %add3A_354 = vector.broadcast %add3A_353 : i32 to vector<16xi32>
    %add3A_355 = arith.addi %mul3A_342, %add3A_354 : vector<16xi32>
    %gather3A_356 = tpu.vector_load_idx %arg6[%add3A_355] : memref<128xi32, #tpu.memory_space<vmem>>[vector<16xi32>], vector<16xi32>,
    %broadcast_in_dim3A_357 = arith.constant 1 : i32
    %broadcast_in_dim3A_358 = vector.broadcast %broadcast_in_dim3A_357 : i32 to vector<16xi32>
    %bitcast3A_359 = vector.bitcast %gather3A_356 : vector<16xi32> to vector<16xf32>
    tpu.vector_store_idx %arg8[%add3A_345, %broadcast_in_dim3A_358], %bitcast3A_359 : memref<128x4xf32, #tpu.memory_space<vmem>>[vector<16xi32>, vector<16xi32>], vector<16xf32>,
    %add3A_360 = arith.constant 2 : i32
    %add3A_361 = vector.broadcast %add3A_360 : i32 to vector<16xi32>
    %add3A_362 = arith.addi %mul3A_342, %add3A_361 : vector<16xi32>
    %gather3A_363 = tpu.vector_load_idx %arg6[%add3A_362] : memref<128xi32, #tpu.memory_space<vmem>>[vector<16xi32>], vector<16xi32>,
    %broadcast_in_dim3A_364 = arith.constant 2 : i32
    %broadcast_in_dim3A_365 = vector.broadcast %broadcast_in_dim3A_364 : i32 to vector<16xi32>
    %bitcast3A_366 = vector.bitcast %gather3A_363 : vector<16xi32> to vector<16xf32>
    tpu.vector_store_idx %arg8[%add3A_345, %broadcast_in_dim3A_365], %bitcast3A_366 : memref<128x4xf32, #tpu.memory_space<vmem>>[vector<16xi32>, vector<16xi32>], vector<16xf32>,
    %add3A_367 = arith.constant 3 : i32
    %add3A_368 = vector.broadcast %add3A_367 : i32 to vector<16xi32>
    %add3A_369 = arith.addi %mul3A_342, %add3A_368 : vector<16xi32>
    %gather3A_370 = tpu.vector_load_idx %arg6[%add3A_369] : memref<128xi32, #tpu.memory_space<vmem>>[vector<16xi32>], vector<16xi32>,
    %broadcast_in_dim3A_371 = arith.constant 3 : i32
    %broadcast_in_dim3A_372 = vector.broadcast %broadcast_in_dim3A_371 : i32 to vector<16xi32>
    %bitcast3A_373 = vector.bitcast %gather3A_370 : vector<16xi32> to vector<16xf32>
    tpu.vector_store_idx %arg8[%add3A_345, %broadcast_in_dim3A_372], %bitcast3A_373 : memref<128x4xf32, #tpu.memory_space<vmem>>[vector<16xi32>, vector<16xi32>], vector<16xf32>,
    %min3A_374 = arith.constant 31 : i32
    %min3A_375 = vector.broadcast %min3A_374 : i32 to vector<16xi32>
    %min3A_376 = arith.minsi %scan3A_335#9, %min3A_375 : vector<16xi32>
    %mul3A_377 = arith.constant 4 : i32
    %mul3A_378 = vector.broadcast %mul3A_377 : i32 to vector<16xi32>
    %mul3A_379 = arith.muli %min3A_376, %mul3A_378 : vector<16xi32>
    %add3A_380 = arith.constant 80 : i32
    %add3A_381 = vector.broadcast %add3A_380 : i32 to vector<16xi32>
    %add3A_382 = arith.addi %add3A_381, %iota3A : vector<16xi32>
    %add3A_383 = arith.constant 0 : i32
    %add3A_384 = vector.broadcast %add3A_383 : i32 to vector<16xi32>
    %add3A_385 = arith.addi %mul3A_379, %add3A_384 : vector<16xi32>
    %gather3A_386 = tpu.vector_load_idx %arg6[%add3A_385] : memref<128xi32, #tpu.memory_space<vmem>>[vector<16xi32>], vector<16xi32>,
    %broadcast_in_dim3A_387 = arith.constant 0 : i32
    %broadcast_in_dim3A_388 = vector.broadcast %broadcast_in_dim3A_387 : i32 to vector<16xi32>
    %bitcast3A_389 = vector.bitcast %gather3A_386 : vector<16xi32> to vector<16xf32>
    tpu.vector_store_idx %arg8[%add3A_382, %broadcast_in_dim3A_388], %bitcast3A_389 : memref<128x4xf32, #tpu.memory_space<vmem>>[vector<16xi32>, vector<16xi32>], vector<16xf32>,
    %add3A_390 = arith.constant 1 : i32
    %add3A_391 = vector.broadcast %add3A_390 : i32 to vector<16xi32>
    %add3A_392 = arith.addi %mul3A_379, %add3A_391 : vector<16xi32>
    %gather3A_393 = tpu.vector_load_idx %arg6[%add3A_392] : memref<128xi32, #tpu.memory_space<vmem>>[vector<16xi32>], vector<16xi32>,
    %broadcast_in_dim3A_394 = arith.constant 1 : i32
    %broadcast_in_dim3A_395 = vector.broadcast %broadcast_in_dim3A_394 : i32 to vector<16xi32>
    %bitcast3A_396 = vector.bitcast %gather3A_393 : vector<16xi32> to vector<16xf32>
    tpu.vector_store_idx %arg8[%add3A_382, %broadcast_in_dim3A_395], %bitcast3A_396 : memref<128x4xf32, #tpu.memory_space<vmem>>[vector<16xi32>, vector<16xi32>], vector<16xf32>,
    %add3A_397 = arith.constant 2 : i32
    %add3A_398 = vector.broadcast %add3A_397 : i32 to vector<16xi32>
    %add3A_399 = arith.addi %mul3A_379, %add3A_398 : vector<16xi32>
    %gather3A_400 = tpu.vector_load_idx %arg6[%add3A_399] : memref<128xi32, #tpu.memory_space<vmem>>[vector<16xi32>], vector<16xi32>,
    %broadcast_in_dim3A_401 = arith.constant 2 : i32
    %broadcast_in_dim3A_402 = vector.broadcast %broadcast_in_dim3A_401 : i32 to vector<16xi32>
    %bitcast3A_403 = vector.bitcast %gather3A_400 : vector<16xi32> to vector<16xf32>
    tpu.vector_store_idx %arg8[%add3A_382, %broadcast_in_dim3A_402], %bitcast3A_403 : memref<128x4xf32, #tpu.memory_space<vmem>>[vector<16xi32>, vector<16xi32>], vector<16xf32>,
    %add3A_404 = arith.constant 3 : i32
    %add3A_405 = vector.broadcast %add3A_404 : i32 to vector<16xi32>
    %add3A_406 = arith.addi %mul3A_379, %add3A_405 : vector<16xi32>
    %gather3A_407 = tpu.vector_load_idx %arg6[%add3A_406] : memref<128xi32, #tpu.memory_space<vmem>>[vector<16xi32>], vector<16xi32>,
    %broadcast_in_dim3A_408 = arith.constant 3 : i32
    %broadcast_in_dim3A_409 = vector.broadcast %broadcast_in_dim3A_408 : i32 to vector<16xi32>
    %bitcast3A_410 = vector.bitcast %gather3A_407 : vector<16xi32> to vector<16xf32>
    tpu.vector_store_idx %arg8[%add3A_382, %broadcast_in_dim3A_409], %bitcast3A_410 : memref<128x4xf32, #tpu.memory_space<vmem>>[vector<16xi32>, vector<16xi32>], vector<16xf32>,
    %min3A_411 = arith.constant 31 : i32
    %min3A_412 = vector.broadcast %min3A_411 : i32 to vector<16xi32>
    %min3A_413 = arith.minsi %scan3A_335#10, %min3A_412 : vector<16xi32>
    %mul3A_414 = arith.constant 4 : i32
    %mul3A_415 = vector.broadcast %mul3A_414 : i32 to vector<16xi32>
    %mul3A_416 = arith.muli %min3A_413, %mul3A_415 : vector<16xi32>
    %add3A_417 = arith.constant 96 : i32
    %add3A_418 = vector.broadcast %add3A_417 : i32 to vector<16xi32>
    %add3A_419 = arith.addi %add3A_418, %iota3A : vector<16xi32>
    %add3A_420 = arith.constant 0 : i32
    %add3A_421 = vector.broadcast %add3A_420 : i32 to vector<16xi32>
    %add3A_422 = arith.addi %mul3A_416, %add3A_421 : vector<16xi32>
    %gather3A_423 = tpu.vector_load_idx %arg6[%add3A_422] : memref<128xi32, #tpu.memory_space<vmem>>[vector<16xi32>], vector<16xi32>,
    %broadcast_in_dim3A_424 = arith.constant 0 : i32
    %broadcast_in_dim3A_425 = vector.broadcast %broadcast_in_dim3A_424 : i32 to vector<16xi32>
    %bitcast3A_426 = vector.bitcast %gather3A_423 : vector<16xi32> to vector<16xf32>
    tpu.vector_store_idx %arg8[%add3A_419, %broadcast_in_dim3A_425], %bitcast3A_426 : memref<128x4xf32, #tpu.memory_space<vmem>>[vector<16xi32>, vector<16xi32>], vector<16xf32>,
    %add3A_427 = arith.constant 1 : i32
    %add3A_428 = vector.broadcast %add3A_427 : i32 to vector<16xi32>
    %add3A_429 = arith.addi %mul3A_416, %add3A_428 : vector<16xi32>
    %gather3A_430 = tpu.vector_load_idx %arg6[%add3A_429] : memref<128xi32, #tpu.memory_space<vmem>>[vector<16xi32>], vector<16xi32>,
    %broadcast_in_dim3A_431 = arith.constant 1 : i32
    %broadcast_in_dim3A_432 = vector.broadcast %broadcast_in_dim3A_431 : i32 to vector<16xi32>
    %bitcast3A_433 = vector.bitcast %gather3A_430 : vector<16xi32> to vector<16xf32>
    tpu.vector_store_idx %arg8[%add3A_419, %broadcast_in_dim3A_432], %bitcast3A_433 : memref<128x4xf32, #tpu.memory_space<vmem>>[vector<16xi32>, vector<16xi32>], vector<16xf32>,
    %add3A_434 = arith.constant 2 : i32
    %add3A_435 = vector.broadcast %add3A_434 : i32 to vector<16xi32>
    %add3A_436 = arith.addi %mul3A_416, %add3A_435 : vector<16xi32>
    %gather3A_437 = tpu.vector_load_idx %arg6[%add3A_436] : memref<128xi32, #tpu.memory_space<vmem>>[vector<16xi32>], vector<16xi32>,
    %broadcast_in_dim3A_438 = arith.constant 2 : i32
    %broadcast_in_dim3A_439 = vector.broadcast %broadcast_in_dim3A_438 : i32 to vector<16xi32>
    %bitcast3A_440 = vector.bitcast %gather3A_437 : vector<16xi32> to vector<16xf32>
    tpu.vector_store_idx %arg8[%add3A_419, %broadcast_in_dim3A_439], %bitcast3A_440 : memref<128x4xf32, #tpu.memory_space<vmem>>[vector<16xi32>, vector<16xi32>], vector<16xf32>,
    %add3A_441 = arith.constant 3 : i32
    %add3A_442 = vector.broadcast %add3A_441 : i32 to vector<16xi32>
    %add3A_443 = arith.addi %mul3A_416, %add3A_442 : vector<16xi32>
    %gather3A_444 = tpu.vector_load_idx %arg6[%add3A_443] : memref<128xi32, #tpu.memory_space<vmem>>[vector<16xi32>], vector<16xi32>,
    %broadcast_in_dim3A_445 = arith.constant 3 : i32
    %broadcast_in_dim3A_446 = vector.broadcast %broadcast_in_dim3A_445 : i32 to vector<16xi32>
    %bitcast3A_447 = vector.bitcast %gather3A_444 : vector<16xi32> to vector<16xf32>
    tpu.vector_store_idx %arg8[%add3A_419, %broadcast_in_dim3A_446], %bitcast3A_447 : memref<128x4xf32, #tpu.memory_space<vmem>>[vector<16xi32>, vector<16xi32>], vector<16xf32>,
    %min3A_448 = arith.constant 31 : i32
    %min3A_449 = vector.broadcast %min3A_448 : i32 to vector<16xi32>
    %min3A_450 = arith.minsi %scan3A_335#11, %min3A_449 : vector<16xi32>
    %mul3A_451 = arith.constant 4 : i32
    %mul3A_452 = vector.broadcast %mul3A_451 : i32 to vector<16xi32>
    %mul3A_453 = arith.muli %min3A_450, %mul3A_452 : vector<16xi32>
    %add3A_454 = arith.constant 112 : i32
    %add3A_455 = vector.broadcast %add3A_454 : i32 to vector<16xi32>
    %add3A_456 = arith.addi %add3A_455, %iota3A : vector<16xi32>
    %add3A_457 = arith.constant 0 : i32
    %add3A_458 = vector.broadcast %add3A_457 : i32 to vector<16xi32>
    %add3A_459 = arith.addi %mul3A_453, %add3A_458 : vector<16xi32>
    %gather3A_460 = tpu.vector_load_idx %arg6[%add3A_459] : memref<128xi32, #tpu.memory_space<vmem>>[vector<16xi32>], vector<16xi32>,
    %broadcast_in_dim3A_461 = arith.constant 0 : i32
    %broadcast_in_dim3A_462 = vector.broadcast %broadcast_in_dim3A_461 : i32 to vector<16xi32>
    %bitcast3A_463 = vector.bitcast %gather3A_460 : vector<16xi32> to vector<16xf32>
    tpu.vector_store_idx %arg8[%add3A_456, %broadcast_in_dim3A_462], %bitcast3A_463 : memref<128x4xf32, #tpu.memory_space<vmem>>[vector<16xi32>, vector<16xi32>], vector<16xf32>,
    %add3A_464 = arith.constant 1 : i32
    %add3A_465 = vector.broadcast %add3A_464 : i32 to vector<16xi32>
    %add3A_466 = arith.addi %mul3A_453, %add3A_465 : vector<16xi32>
    %gather3A_467 = tpu.vector_load_idx %arg6[%add3A_466] : memref<128xi32, #tpu.memory_space<vmem>>[vector<16xi32>], vector<16xi32>,
    %broadcast_in_dim3A_468 = arith.constant 1 : i32
    %broadcast_in_dim3A_469 = vector.broadcast %broadcast_in_dim3A_468 : i32 to vector<16xi32>
    %bitcast3A_470 = vector.bitcast %gather3A_467 : vector<16xi32> to vector<16xf32>
    tpu.vector_store_idx %arg8[%add3A_456, %broadcast_in_dim3A_469], %bitcast3A_470 : memref<128x4xf32, #tpu.memory_space<vmem>>[vector<16xi32>, vector<16xi32>], vector<16xf32>,
    %add3A_471 = arith.constant 2 : i32
    %add3A_472 = vector.broadcast %add3A_471 : i32 to vector<16xi32>
    %add3A_473 = arith.addi %mul3A_453, %add3A_472 : vector<16xi32>
    %gather3A_474 = tpu.vector_load_idx %arg6[%add3A_473] : memref<128xi32, #tpu.memory_space<vmem>>[vector<16xi32>], vector<16xi32>,
    %broadcast_in_dim3A_475 = arith.constant 2 : i32
    %broadcast_in_dim3A_476 = vector.broadcast %broadcast_in_dim3A_475 : i32 to vector<16xi32>
    %bitcast3A_477 = vector.bitcast %gather3A_474 : vector<16xi32> to vector<16xf32>
    tpu.vector_store_idx %arg8[%add3A_456, %broadcast_in_dim3A_476], %bitcast3A_477 : memref<128x4xf32, #tpu.memory_space<vmem>>[vector<16xi32>, vector<16xi32>], vector<16xf32>,
    %add3A_478 = arith.constant 3 : i32
    %add3A_479 = vector.broadcast %add3A_478 : i32 to vector<16xi32>
    %add3A_480 = arith.addi %mul3A_453, %add3A_479 : vector<16xi32>
    %gather3A_481 = tpu.vector_load_idx %arg6[%add3A_480] : memref<128xi32, #tpu.memory_space<vmem>>[vector<16xi32>], vector<16xi32>,
    %broadcast_in_dim3A_482 = arith.constant 3 : i32
    %broadcast_in_dim3A_483 = vector.broadcast %broadcast_in_dim3A_482 : i32 to vector<16xi32>
    %bitcast3A_484 = vector.bitcast %gather3A_481 : vector<16xi32> to vector<16xf32>
    tpu.vector_store_idx %arg8[%add3A_456, %broadcast_in_dim3A_483], %bitcast3A_484 : memref<128x4xf32, #tpu.memory_space<vmem>>[vector<16xi32>, vector<16xi32>], vector<16xf32>,
    %mul3A_485 = arith.constant 128 : i32
    %mul3A_486 = arith.muli %add3A, %mul3A_485 : i32
    "tpu.region"() ({
      %run_scoped3A = tpu.sem_alloc : memref<!tpu.dma_semaphore, #tpu.memory_space<semaphore_mem>>
      %dma_start3A_487 = arith.constant 0 : i32
      %dma_start3A_488 = tpu.memref_slice %arg3[%mul3A_486, %dma_start3A_487] : memref<4096x4xf32, #tpu.memory_space<hbm>> -> memref<128x4xf32, #tpu.memory_space<hbm>>
      %dma_start3A_489 = arith.constant 0 : i32
      %dma_start3A_490 = tpu.memref_slice %arg3[%mul3A_486, %dma_start3A_489] : memref<4096x4xf32, #tpu.memory_space<hbm>> -> memref<128x4xf32, #tpu.memory_space<hbm>>
      tpu.enqueue_dma source(%arg8 : memref<128x4xf32, #tpu.memory_space<vmem>>) target(%dma_start3A_490 : memref<128x4xf32, #tpu.memory_space<hbm>>) target_semaphore(%run_scoped3A : memref<!tpu.dma_semaphore, #tpu.memory_space<semaphore_mem>>)
      %dma_wait3A_491 = arith.constant 0 : i32
      %dma_wait3A_492 = tpu.memref_slice %arg3[%mul3A_486, %dma_wait3A_491] : memref<4096x4xf32, #tpu.memory_space<hbm>> -> memref<128x4xf32, #tpu.memory_space<hbm>>
      %dma_wait3A_493 = arith.constant 0 : i32
      %dma_wait3A_494 = tpu.memref_slice %arg3[%mul3A_486, %dma_wait3A_493] : memref<4096x4xf32, #tpu.memory_space<hbm>> -> memref<128x4xf32, #tpu.memory_space<hbm>>
      tpu.wait_dma2 semaphore(%run_scoped3A : memref<!tpu.dma_semaphore, #tpu.memory_space<semaphore_mem>>) src(%arg8 : memref<128x4xf32, #tpu.memory_space<vmem>>) dst(%dma_wait3A_494 : memref<128x4xf32, #tpu.memory_space<hbm>>)
      tpu.yield
    }) : () -> ()
    return
  }
}

</mosaic_0001>

<sc_bundles>
// kernel: kernel.3.cloned.1.call-start
scs
__scs_entry_jumppad:
0x0: {  	(pc) =	sbr.rel $0x88, $3  }
0x1: {  	(tag) =	ssettag $0x0;
	lr =	simm.s32 $0x1  }
0x2: {  	[smem:$0x3F9E] =	sst lr;
	_ =	strace $0xD0000000  }
0x3: {  	_ = 	snop  }
0x4: {  	_ = 	snop  }
0x5: {  	_ = 	snop  }
0x6: {  	_ = 	snop  }
0x7: {  	_ = 	snop  }
__scs_overlays_trampoline_lowered:
0x8: {  	[smem:$0x3FAD] =	sst s0  }
0x9: {  	[smem:$0x3FAE] =	sst s1  }
0xa: {  	[smem:$0x3FAF] =	sst s2  }
0xb: {  	[smem:$0x3FB0] =	sst s3  }
0xc: {  	[smem:$0x3FB1] =	sst s4  }
0xd: {  	[smem:$0x3FB2] =	sst s5  }
0xe: {  	[smem:$0x3FB3] =	sst s6  }
0xf: {  	[smem:$0x3FB4] =	sst s7  }
0x10: {  	[smem:$0x3FB5] =	sst s8  }
0x11: {  	[smem:$0x3FB6] =	sst s9;
	s0 =	simm.s32 @!p0 $0x0  }
0x12: {  	s1 =	sld [smem:$0x3F9C];
	s0 =	simm.s32 @p0 $0x1  }
0x13: {  	[smem:$0x3FB7] =	sst s0;
	s0 =	simm.s32 @!p1 $0x0  }
0x14: {  	s2 =	sld [smem:$0x3F9B];
	s0 =	simm.s32 @p1 $0x1  }
0x15: {  	[smem:$0x3FB8] =	sst s0;
	s0 =	simm.s32 @!p2 $0x0  }
0x16: {  	s3 =	sld [smem:$0x3FDB];
	s0 =	simm.s32 @p2 $0x1  }
0x17: {  	s4 =	simm.s32 $0x1BF5;
	[smem:$0x3FBA] =	sst s0  }
0x18: {  	s0 =	sld [smem:$0x3F9D];
	_ =	swait.ge [sflag:s4], $0x0  }
0x19: {  	s7 =	sld [smem:$0x3F9E]  }
0x1a: {  	s8 =	sadd.s32 $0xFFFFE003, lr  }
0x1b: {  	s9 =	sadd.s32 $0xFFFFFEF7, lr;
	s5 =	simm.s32 $0xFFFFFFFF;
	p2 =	slt.u32 s8, $0xFFFFF086  }
0x1c: {  	p1 =	slt.u32 s9, $0xF7A;
	s5 =	simm.s32 @!p2 $0x0  }
0x1d: {  	s5 =	simm.s32 @p1 $0x1;
	p0 =	seq.s32 s7, s2  }
0x1e: {  	s7 =	smul.u32 @!p0 $0xF7A, s2;
	p2 =	seq.s32 @!p0 s5, $0x0  }
0x1f: {  	s9 =	smul.u32 $0xF7A, s1;
	s8 =	simm.s32 @!p0 $0x1BF5;
	p2 =	por !p2, p0  }
0x20: {  	[sflag:s8] =	ssyncset.s32 @!p0 $0xFFFFF086;
	s6 =	sadd.s32 @!p0 s3, s7;
	s7 =	simm.s32 @!p0 $0x108  }
0x21: {  	s3 =	sadd.s32 s3, s9;
	s6 =	sadd.s32 @!p0 $0x88, s6;
	s7 =	simm.s32 @p2 $0x1082  }
0x22: {  	[simem:s7], [sflag:s8] =	dma.local @!p0 [hbm:s6], $0xF7A  }
0x23: {  	s9 =	sor.u32 $0xD0000000, s2;
	s6 =	simm.s32 $0x108;
	_ =	swait.ge @!p0 [sflag:s8], $0x0  }
0x24: {  	s3 =	sadd.s32 $0x88, s3;
	s6 =	simm.s32 @!p1 $0x1082;
	[sflag:s4] =	ssyncset.s32 $0xFFFFF086  }
0x25: {  	[simem:s6], [sflag:s4] =	dma.local [hbm:s3], $0xF7A  }
0x26: {  	[smem:$0x3F9E] =	sst s1;
	(tag) =	ssettag s2;
	_ =	strace s9  }
0x27: {  	s1 =	sld [smem:$0x3FAE]  }
0x28: {  	s2 =	sld [smem:$0x3FAF]  }
0x29: {  	s4 =	sld [smem:$0x3FB1]  }
0x2a: {  	p0 =	seq.s32 s5, $0x0;
	s5 =	sld [smem:$0x3FB2]  }
0x2b: {  	s6 =	sld [smem:$0x3FB3]  }
0x2c: {  	s7 =	sld [smem:$0x3FB4]  }
0x2d: {  	s3 =	simm.s32 $0x108;
	s8 =	sld [smem:$0x3FB5]  }
0x2e: {  	s3 =	simm.s32 @!p0 $0x1082;
	s9 =	sld [smem:$0x3FB6]  }
0x2f: {  	lr =	sadd.s32 s0, s3;
	s0 =	sld [smem:$0x3FAD]  }
0x30: {  	s3 =	sld [smem:$0x3FB0]  }
0x31: {  	[smem:$0x3FB9] =	sst s10  }
0x32: {  	s10 =	sld [smem:$0x3FB7];
	_ =	sdelay $0x3  }
0x33: {  	p0 =	seq.s32 s10, $0x1;
	s10 =	sld [smem:$0x3FB9];
	_ =	sdelay $0x3  }
0x34: {  	[smem:$0x3FB9] =	sst s10  }
0x35: {  	s10 =	sld [smem:$0x3FB8];
	_ =	sdelay $0x3  }
0x36: {  	p1 =	seq.s32 s10, $0x1;
	s10 =	sld [smem:$0x3FB9];
	_ =	sdelay $0x3  }
0x37: {  	[smem:$0x3FB9] =	sst s10  }
0x38: {  	s10 =	sld [smem:$0x3FBA]  }
0x39: {  	_ = 	snop;
	(pc) =	sbr.ind lr, $3  }
0x3a: {  	_ = 	snop  }
0x3b: {  	_ = 	snop  }
0x3c: {  	p2 =	seq.s32 s10, $0x1;
	s10 =	sld [smem:$0x3FB9]  }
0x3d: {  	_ =	shalt  }
0x3e: {  	_ =	shalt  }
0x3f: {  	_ =	shalt  }
0x40: {  	_ =	shalt  }
0x41: {  	_ =	shalt  }
0x42: {  	_ =	shalt  }
0x43: {  	_ =	shalt  }
0x44: {  	_ =	shalt  }
0x45: {  	_ =	shalt  }
0x46: {  	_ =	shalt  }
0x47: {  	_ =	shalt  }
0x48: {  	_ =	shalt  }
0x49: {  	_ =	shalt  }
0x4a: {  	_ =	shalt  }
0x4b: {  	_ =	shalt  }
0x4c: {  	_ =	shalt  }
0x4d: {  	_ =	shalt  }
0x4e: {  	_ =	shalt  }
0x4f: {  	_ =	shalt  }
0x50: {  	_ =	shalt  }
0x51: {  	_ =	shalt  }
0x52: {  	_ =	shalt  }
0x53: {  	_ =	shalt  }
0x54: {  	_ =	shalt  }
0x55: {  	_ =	shalt  }
0x56: {  	_ =	shalt  }
0x57: {  	_ =	shalt  }
0x58: {  	_ =	shalt  }
0x59: {  	_ =	shalt  }
0x5a: {  	_ =	shalt  }
0x5b: {  	_ =	shalt  }
0x5c: {  	_ =	shalt  }
0x5d: {  	_ =	shalt  }
0x5e: {  	_ =	shalt  }
0x5f: {  	_ =	shalt  }
0x60: {  	_ =	shalt  }
0x61: {  	_ =	shalt  }
0x62: {  	_ =	shalt  }
0x63: {  	_ =	shalt  }
0x64: {  	_ =	shalt  }
0x65: {  	_ =	shalt  }
0x66: {  	_ =	shalt  }
0x67: {  	_ =	shalt  }
0x68: {  	_ =	shalt  }
0x69: {  	_ =	shalt  }
0x6a: {  	_ =	shalt  }
0x6b: {  	_ =	shalt  }
0x6c: {  	_ =	shalt  }
0x6d: {  	_ =	shalt  }
0x6e: {  	_ =	shalt  }
0x6f: {  	_ =	shalt  }
0x70: {  	_ =	shalt  }
0x71: {  	_ =	shalt  }
0x72: {  	_ =	shalt  }
0x73: {  	_ =	shalt  }
0x74: {  	_ =	shalt  }
0x75: {  	_ =	shalt  }
0x76: {  	_ =	shalt  }
0x77: {  	_ =	shalt  }
0x78: {  	_ =	shalt  }
0x79: {  	_ =	shalt  }
0x7a: {  	_ =	shalt  }
0x7b: {  	_ =	shalt  }
0x7c: {  	_ =	shalt  }
0x7d: {  	_ =	shalt  }
0x7e: {  	_ =	shalt  }
0x7f: {  	_ =	shalt  }
0x80: {  	_ =	shalt  }
0x81: {  	_ =	shalt  }
0x82: {  	_ =	shalt  }
0x83: {  	_ =	shalt  }
0x84: {  	_ =	shalt  }
0x85: {  	_ =	shalt  }
0x86: {  	_ =	shalt  }
0x87: {  	_ =	shalt  }
.Lfunc_end0:
.L_simem_size_0:
called_computation_lowered:
.L_overlay_start_0:
0x88: {  	s2 =	sld [smem:$0x3FD9]  }
0x89: {  	s3 =	sld [smem:$0x3FFE];
	_ =	sdelay $0x1  }
0x8a: {  	s1 =	srdreg.scid  }
0x8b: {  	s0 =	sand.u32 $0x1, s1  }
0x8c: {  	s16 =	sshll.u32 s0, $0xA;
	s2 =	sadd.s32 s3, s2  }
0x8d: {  	s2 =	sadd.s32 s2, s16  }
0x8e: {  	[smem:$0x3FC5] =	sst s2  }
0x8f: {  	_ = 	snop  }
0x90: {  	(tm) =	ssettm $0x1  }
0x91: {  	s17 =	sld [smem:$0x3FFB];
	_ =	sdelay $0x3  }
0x92: {  	_ =	strace s17  }
0x93: {  	s2 =	sld [smem:$0x3FFC];
	_ =	sdelay $0x3  }
0x94: {  	_ =	strace s2  }
0x95: {  	s2 =	sld [smem:$0x3FFD];
	_ =	sdelay $0x3  }
0x96: {  	_ =	strace s2  }
0x97: {  	_ =	strace $0x8FFFFFFF  }
0x98: {  	s18 =	sld [smem:$0x3FDB];
	_ =	sdelay $0x1  }
0x99: {  	s19 =	simm.s32 $_scs_section_size  }
0x9a: {  	s4 =	simm.s32 $_size__tile_overlayer_lowered;
	s5 =	simm.s32 $_tile_overlayer_lowered  }
0x9b: {  	s22 =	simm.s32 $0x1BFF;
	s21 =	sshll.u32 s5, $0x1;
	s2 =	sadd.s32 s19, s18  }
0x9c: {  	s6 =	simm.s32 $0x0;
	s20 =	sshll.u32 s4, $0x1;
	s4 =	sadd.s32 s21, s2  }
0x9d: {  	[timem:s6], [sflag:s22] =	dma.local [hbm:s4], s20  }
0x9e: {  	_ =	swait.ge [sflag:s22], s20  }
0x9f: {  	s3 =	ssub.s32 $0x0, s20;
	[sflag:s22] =	ssyncset.done $0x0  }
0xa0: {  	[sflag:s22] =	ssyncadd.s32 s3;
	_ =	sdelay $0x1  }
0xa1: {  	s23 =	simm.s32 $0x1B8B  }
0xa2: {  	_ =	swait.ge [sflag:s23], $0x1  }
0xa3: {  	[sflag:s23] =	ssyncset.done $0x0  }
0xa4: {  	s25 =	simm.s32 $0x1B8E;
	s24 =	sld [smem:$0x3FFE];
	[sflag:s23] =	ssyncadd.s32 $0xFFFFFFFF  }
0xa5: {  	s26 =	simm.s32 $execute0_lowered;
	[smem:$0x3FD2] =	sst s25  }
0xa6: {  	s4 =	sshll.u32 s26, $0x1;
	_ =	strace $0x80000046;
	[dreg:$0x1] =	wrdreg $0xFFFFFFFF  }
0xa7: {  	s28 =	simm.s32 $_size_execute0_lowered;
	s2 =	sadd.s32 s2, s4;
	[dreg:$0x0] =	wrdreg $0x0  }
0xa8: {  	s4 =	sshll.u32 s28, $0x1;
	[dreg:$0x2] =	wrdreg s2  }
0xa9: {  	[dreg:$0x3] =	wrdreg s4  }
0xaa: {  	[dreg:$0x4] =	wrdreg $0xC0  }
0xab: {  	_ =	task [dreg:s6], $0x5FFFF  }
0xac: {  	[dreg:$0x1] =	wrdreg $0xFFFFFFFF  }
0xad: {  	[dreg:$0x0] =	wrdreg $0x60  }
0xae: {  	[dreg:$0x2] =	wrdreg s24  }
0xaf: {  	[dreg:$0x3] =	wrdreg $0x9  }
0xb0: {  	_ =	task.clear_ibuf [dreg:s6], $0x4FFFF;
	_ =	strace $0x90000046  }
0xb1: {  	s29 =	simm.s32 $0x9;
	_ =	strace $0x80000048  }
0xb2: {  	_ =	swait.ge [sflag:s29], $0x1  }
0xb3: {  	[sflag:s29] =	ssyncadd.s32 $0xFFFFFFFF  }
0xb4: {  	_ =	strace $0x90000048  }
0xb5: {  	_ =	sfence  }
0xb6: {  	s30 =	sld [smem:$0x0];
	_ =	sdelay $0x2  }
0xb7: {  	s31 =	sshll.u32 s1, $0xD;
	s1 =	sshrl.u32 s1, $0x2  }
0xb8: {  	s3 =	sand.u32 $0x4000, s31;
	s1 =	sadd.s32 s1, s30  }
0xb9: {  	s0 =	sor.u32 s3, s0;
	s1 =	sshll.u32 s1, $0x11  }
0xba: {  	s0 =	sor.u32 s1, s0  }
0xbb: {  	s0 =	sadd.s32 $0x8F2B, s0  }
0xbc: {  	[sflag:s0] =	ssyncadd.remote.s32 $0x1  }
0xbd: {  	_ =	sfence.sel $0xFFFF  }
0xbe: {  	[dreg:$0x0] =	wrdreg $0xFFFFFFFF;
	(pc) =	sbr.abs _section_cstart, $3  }
0xbf: {  	[dreg:$0x1] =	wrdreg $0xFFFFFFFF  }
0xc0: {  	_ =	task.clear_ibuf [dreg:s6], $0x2FFFF;
	_ =	strace $0x9FFFFFFF  }
0xc1: {  	(tm) =	ssettm $0x7FFFFFFF  }
tec
execute0_lowered:
.L_overlay_start_1:
0x0: {  	(tag) =	ssettag $0x1  }
0x1: {  	s1 =	srdreg.scid  }
0x2: {  	s0 =	stileid.u32;
	s5 =	rddreg [dreg:$0x0]  }
0x3: {  	s2 =	simm.s32 $0x0;
	s9 =	simm.s32 $0x1400;
	s10 =	simm.s32 $0x1  }
0x4: {  	s11 =	simm.s32 $0x2;
	s12 =	simm.s32 $0x3;
	s13 =	simm.s32 $0x1000  }
0x5: {  	s14 =	simm.s32 $0x1480;
	s3 =	sand.u32 $0x1, s1;
	s4 =	sshll.u32 s0, $0x1  }
0x6: {  	s15 =	simm.s32 $0x3480;
	s16 =	simm.s32 $0x4;
	s4 =	sor.u32 s3, s4  }
0x7: {  	s17 =	simm.s32 $0x0;
	[smem:$0x7FF] =	sst s2;
	s6 =	smul.u32 $0xA00, s4  }
0x8: {  	s1 =	rddreg [dreg:$0x1];
	_ =	strace $0x80000047;
	s3 =	ssub.s32 $0x2, s3  }
0x9: {  	v0 =	vlaneseq.u32;
	s4 =	sshll.u32 s4, $0xB;
	s7 =	sshrl.u32 s3, $0x1;
	s6 =	sshrl.u32 s6, $0x3  }
0xa: {  	v2 =	vimm.s32 $0x0;
	v1 =	vmul.u32 $0x14, v0;
	s8 =	sadd.s32 s4, s5;
	s7 =	ssub.s32 s3, s7;
	s6 =	sadd.s32 s6, s5  }
0xb: {  	v6 =	vor.u32 $0x800, v0;
	v7 =	vor.u32 $0x1000, v0;
	v8 =	vor.u32 $0x1800, v0;
	s7 =	smax.u32 s7, $0x1;
	s5 =	sadd.s32 $0x5600, s5;
	s3 =	sadd.s32 $0x600, s6  }
0xc: {  	v3 =	vadd.s32 $0x140, v1;
	v4 =	vadd.s32 $0x280, v1;
	v5 =	vadd.s32 $0x3C0, v1;
	s4 =	sadd.s32 $0x2E00, s6;
	s6 =	sadd.s32 $0x5800, s8;
	s8 =	simm.s32 $0xA00  }
.LBB2_1:
0xd: {  	[tilespmem:s2], [sflag:$0x1] =	stream.linear.gather [hbm4b:s3+s2], $0xA00, $0x38;
	[tilespmem:$0x7480] =	vst v63  }
0xe: {  	_ = 	snop  }
0xf: {  	[tilespmem:s8], [sflag:$0x2] =	stream.linear.gather [hbm4b:s4+s2], $0xA00, $0x38;
	[tilespmem:$0x7480] =	vst v63  }
0x10: {  	s18 =	simm.s32 $0x0;
	s19 =	simm.s32 $0x400  }
0x11: {  	[tilespmem:s9], [sflag:$0x3] =	stream.linear.gather [hbm4b:s5+s2], $0x80, $0x38;
	[tilespmem:$0x7480] =	vst v63  }
.LBB2_2:
0x12: {  	p0 =	sne.s32 s19, $0x7C00;
	[tilespmem:s18+$0x1570] =	vst v2  }
0x13: {  	[tilespmem:s18+$0x1480] =	vst v2  }
0x14: {  	[tilespmem:s18+$0x1490] =	vst v2  }
0x15: {  	[tilespmem:s18+$0x14A0] =	vst v2  }
0x16: {  	[tilespmem:s18+$0x14B0] =	vst v2  }
0x17: {  	[tilespmem:s18+$0x14C0] =	vst v2  }
0x18: {  	[tilespmem:s18+$0x14D0] =	vst v2  }
0x19: {  	[tilespmem:s18+$0x14E0] =	vst v2  }
0x1a: {  	[tilespmem:s18+$0x14F0] =	vst v2  }
0x1b: {  	[tilespmem:s18+$0x1500] =	vst v2  }
0x1c: {  	[tilespmem:s18+$0x1510] =	vst v2  }
.Ltmp0:
0x1d: {  	[tilespmem:s18+$0x1520] =	vst v2;
	(pc) =	sbr.rel @p0 .LBB2_2-.Ltmp0, $4  }
0x1e: {  	[tilespmem:s18+$0x1530] =	vst v2  }
0x1f: {  	[tilespmem:s18+$0x1540] =	vst v2  }
0x20: {  	[tilespmem:s18+$0x1550] =	vst v2  }
0x21: {  	[tilespmem:s18+$0x1560] =	vst v2;
	s18 =	sshra.s32 s19, $0x2;
	s19 =	sadd.s32 $0x400, s19  }
0x22: {  	[tilespmem:s18+$0x1570] =	vst v2  }
0x23: {  	[tilespmem:s18+$0x1480] =	vst v2  }
0x24: {  	[tilespmem:s18+$0x1490] =	vst v2  }
0x25: {  	[tilespmem:s18+$0x14A0] =	vst v2  }
0x26: {  	[tilespmem:s18+$0x14B0] =	vst v2  }
0x27: {  	[tilespmem:s18+$0x14C0] =	vst v2  }
0x28: {  	[tilespmem:s18+$0x14D0] =	vst v2  }
0x29: {  	[tilespmem:s18+$0x14E0] =	vst v2  }
0x2a: {  	[tilespmem:s18+$0x14F0] =	vst v2  }
0x2b: {  	[tilespmem:s18+$0x1500] =	vst v2  }
0x2c: {  	[tilespmem:s18+$0x1510] =	vst v2  }
0x2d: {  	[tilespmem:s18+$0x1520] =	vst v2  }
0x2e: {  	[tilespmem:s18+$0x1530] =	vst v2  }
0x2f: {  	[tilespmem:s18+$0x1540] =	vst v2  }
0x30: {  	[tilespmem:s18+$0x1550] =	vst v2  }
0x31: {  	[tilespmem:s18+$0x1560] =	vst v2  }
0x32: {  	_ =	swait.ge [sflag:s10], $0xA00  }
0x33: {  	[sflag:s10] =	ssyncset.done $0x0  }
0x34: {  	[sflag:s10] =	ssyncadd.s32 $0xFFFFF600  }
0x35: {  	_ =	swait.ge [sflag:s11], $0xA00  }
0x36: {  	[sflag:s11] =	ssyncset.done $0x0  }
0x37: {  	[sflag:s11] =	ssyncadd.s32 $0xFFFFF600  }
0x38: {  	_ =	swait.ge [sflag:s12], $0x80  }
0x39: {  	v12 =	vmov v1;
	[sflag:s12] =	ssyncset.done $0x0  }
0x3a: {  	s18 =	simm.s32 $0x0;
	v9 =	vmov v5;
	v10 =	vmov v4;
	v11 =	vmov v3;
	[sflag:s12] =	ssyncadd.s32 $0xFFFFFF80  }
.LBB2_4:
0x3b: {  	_ =	sdelay $0x2  }
0x3c: {  	v13 =	vld.idx.msk [tilespmem:v12+s8+$0x0], $0xffff;
	_ =	sdelay $0x4  }
0x3d: {  	v13 =	vshll.u32 v13, $0x4  }
0x3e: {  	v13 =	vor.u32 v0, v13;
	_ =	sdelay $0x2  }
0x3f: {  	s19 =	sshll.u32 s13, s18  }
0x40: {  	v14 =	vmov s19  }
0x41: {  	[tilespmem:v13+s14+$0x0] =	vst.idx.add.s32.msk $0xffff, v14  }
0x42: {  	v13 =	vld.idx.msk [tilespmem:v11+s8+$0x0], $0xffff;
	_ =	sdelay $0x4  }
0x43: {  	v13 =	vshll.u32 v13, $0x4  }
0x44: {  	v13 =	vadd.s32 v6, v13;
	_ =	sdelay $0x4  }
0x45: {  	[tilespmem:v13+s14+$0x0] =	vst.idx.add.s32.msk $0xffff, v14  }
0x46: {  	v13 =	vld.idx.msk [tilespmem:v10+s8+$0x0], $0xffff;
	_ =	sdelay $0x4  }
0x47: {  	v13 =	vshll.u32 v13, $0x4  }
0x48: {  	v13 =	vadd.s32 v7, v13;
	_ =	sdelay $0x4  }
0x49: {  	[tilespmem:v13+s14+$0x0] =	vst.idx.add.s32.msk $0xffff, v14  }
0x4a: {  	v13 =	vld.idx.msk [tilespmem:v9+s8+$0x0], $0xffff;
	_ =	sdelay $0x4  }
0x4b: {  	v13 =	vshll.u32 v13, $0x4  }
0x4c: {  	p0 =	sne.s32 s18, $0x13;
	v13 =	vadd.s32 v8, v13  }
.Ltmp1:
0x4d: {  	_ = 	snop;
	(pc) =	sbr.rel @p0 .LBB2_4-.Ltmp1, $3  }
0x4e: {  	_ =	sdelay $0x1  }
0x4f: {  	v12 =	vadd.s32 $0x1, v12  }
0x50: {  	s18 =	sadd.s32 $0x1, s18;
	v11 =	vadd.s32 $0x1, v11;
	v10 =	vadd.s32 $0x1, v10;
	v9 =	vadd.s32 $0x1, v9;
	[tilespmem:v13+s14+$0x0] =	vst.idx.add.s32.msk $0xffff, v14  }
0x51: {  	_ =	sdelay $0x3  }
0x52: {  	v9 =	vld.idx.msk [tilespmem:v1+s2+$0x0], $0xffff;
	_ =	sdelay $0x4  }
0x53: {  	v10 =	vor.u32 $0x3, v5;
	v9 =	vshll.u32 v9, $0x4  }
0x54: {  	v9 =	vor.u32 v0, v9  }
0x55: {  	v11 =	vor.u32 $0x1, v1  }
0x56: {  	v12 =	vor.u32 $0x2, v5;
	v13 =	vld.idx.msk [tilespmem:v5+s2+$0x0], $0xffff  }
0x57: {  	v14 =	vor.u32 $0x1, v5;
	v19 =	vld.idx.msk [tilespmem:v4+s2+$0x0], $0xffff  }
0x58: {  	v10 =	vld.idx.msk [tilespmem:v10+s2+$0x0], $0xffff  }
0x59: {  	v17 =	vor.u32 $0x3, v4;
	v15 =	vld.idx.msk [tilespmem:v9+s14+$0x0], $0xffff  }
0x5a: {  	v18 =	vor.u32 $0x2, v1;
	v11 =	vld.idx.msk [tilespmem:v11+s2+$0x0], $0xffff  }
0x5b: {  	v23 =	vimm.s32 $0xFFFFF000;
	v25 =	vor.u32 $0x2, v4;
	v16 =	vld.idx.msk [tilespmem:v12+s2+$0x0], $0xffff  }
0x5c: {  	v24 =	vimm.s32 $0x0;
	v26 =	vor.u32 $0x2, v3;
	v28 =	vor.u32 $0x1, v3;
	v14 =	vld.idx.msk [tilespmem:v14+s2+$0x0], $0xffff  }
0x5d: {  	v30 =	vor.u32 $0x3, v1;
	v12 =	vimm.s32 $0x14;
	v19 =	vshll.u32 v19, $0x4  }
0x5e: {  	v13 =	vshll.u32 v13, $0x4;
	v17 =	vld.idx.msk [tilespmem:v17+s2+$0x0], $0xffff;
	v19 =	vadd.s32 v7, v19;
	v15 =	vor.u32 v24, v15  }
0x5f: {  	v18 =	vld.idx.msk [tilespmem:v18+s2+$0x0], $0xffff;
	v11 =	vshll.u32 v11, $0x4;
	v10 =	vshll.u32 v10, $0x4;
	v20 =	vand.u32 v23, v15  }
0x60: {  	v25 =	vld.idx.msk [tilespmem:v25+s2+$0x0], $0xffff;
	v21 =	vshll.u32 v16, $0x4;
	v11 =	vor.u32 v0, v11;
	v16 =	vadd.s32 v23, v20  }
0x61: {  	v26 =	vld.idx.msk [tilespmem:v26+s2+$0x0], $0xffff;
	v20 =	vadd.s32 v8, v13;
	v13 =	vshll.u32 v14, $0x4;
	v22 =	vxor.u32 v23, v16  }
0x62: {  	v14 =	vld.idx.msk [tilespmem:v3+s2+$0x0], $0xffff;
	v16 =	vadd.s32 v8, v10;
	v27 =	vadd.s32 v8, v13;
	v10 =	vor.u32 v15, v22  }
0x63: {  	v13 =	vor.u32 $0x3, v3;
	v22 =	vadd.s32 v8, v21;
	v21 =	vor.u32 v23, v10  }
0x64: {  	v17 =	vshll.u32 v17, $0x4;
	v15 =	vor.u32 $0x1, v4;
	v21 =	vxor.u32 $0xFFFFFFFF, v21  }
0x65: {  	v18 =	vshll.u32 v18, $0x4;
	v25 =	vshll.u32 v25, $0x4;
	v11 =	vld.idx.msk [tilespmem:v11+s14+$0x0], $0xffff;
	v21 =	vor.u32 v21, v24  }
0x66: {  	v26 =	vshll.u32 v26, $0x4;
	v19 =	vld.idx.msk [tilespmem:v19+s14+$0x0], $0xffff;
	v29 =	vshrl.u32 v21, $0x1F;
	v21 =	vshll.u32 v21, $0x1  }
0x67: {  	v9 =	vadd.s32 $0x4, v5;
	v14 =	vshll.u32 v14, $0x4;
	v61 =	vld.idx.msk [tilespmem:v20+s14+$0x0], $0xffff;
	v21 =	vor.u32 $0x1000, v21  }
0x68: {  	v31 =	vand.u32 v23, v10;
	v14 =	vadd.s32 v6, v14;
	v13 =	vld.idx.msk [tilespmem:v13+s2+$0x0], $0xffff;
	v32 =	vor.u32 v10, v21  }
0x69: {  	v15 =	vld.idx.msk [tilespmem:v15+s2+$0x0], $0xffff;
	v10 =	vand.u32 v10, v21;
	v21 =	vshll.u32 v31, $0x1;
	v32 =	vxor.u32 $0xFFFFFFFF, v32  }
0x6a: {  	v18 =	vor.u32 v0, v18;
	v11 =	vor.u32 v11, v10;
	v21 =	vor.u32 v32, v21  }
0x6b: {  	v38 =	vor.u32 v24, v19;
	v31 =	vshra.s32 v31, $0x1F;
	v32 =	vand.u32 v21, v11  }
0x6c: {  	v28 =	vld.idx.msk [tilespmem:v28+s2+$0x0], $0xffff;
	v47 =	vand.u32 v23, v38;
	v31 =	vadd.s32 v12, v31;
	v32 =	vadd.s32 v21, v32  }
0x6d: {  	v33 =	vld.idx.msk [tilespmem:v30+s2+$0x0], $0xffff;
	v29 =	vadd.s32 v29, v31;
	v63 =	vor.u32 v24, v61;
	v30 =	vxor.u32 v21, v32  }
0x6e: {  	v14 =	vld.idx.msk [tilespmem:v14+s14+$0x0], $0xffff;
	v13 =	vshll.u32 v13, $0x4;
	v15 =	vshll.u32 v15, $0x4;
	v11 =	vor.u32 v11, v30  }
0x6f: {  	v30 =	vadd.s32 v7, v25;
	v25 =	vadd.s32 v7, v17;
	v17 =	vor.u32 v21, v11  }
0x70: {  	v49 =	vand.u32 v23, v63;
	v34 =	vadd.s32 v7, v15;
	v15 =	vxor.u32 $0xFFFFFFFF, v17  }
0x71: {  	v18 =	vld.idx.msk [tilespmem:v18+s14+$0x0], $0xffff;
	v31 =	vadd.s32 v6, v13;
	v21 =	vand.u32 v21, v11;
	v10 =	vor.u32 v15, v10  }
0x72: {  	v17 =	vshll.u32 v28, $0x4;
	v13 =	vshrl.u32 v10, $0x1F;
	v10 =	vshll.u32 v10, $0x1  }
0x73: {  	v14 =	vor.u32 v24, v14;
	v28 =	vshll.u32 v21, $0x1;
	v10 =	vor.u32 $0x1000, v10  }
0x74: {  	v15 =	vadd.s32 v6, v17;
	v17 =	vshll.u32 v33, $0x4;
	v54 =	vor.u32 v11, v10  }
0x75: {  	v55 =	vand.u32 v23, v14;
	v35 =	vand.u32 v11, v10;
	v10 =	vxor.u32 $0xFFFFFFFF, v54  }
0x76: {  	v11 =	vadd.s32 v23, v55;
	v28 =	vor.u32 v10, v28;
	v10 =	vor.u32 v18, v35  }
0x77: {  	v11 =	vxor.u32 v23, v11;
	v18 =	vshra.s32 v21, $0x1F;
	v21 =	vand.u32 v28, v10  }
0x78: {  	v17 =	vor.u32 v0, v17;
	v56 =	vor.u32 v14, v11;
	v11 =	vadd.s32 v28, v21  }
0x79: {  	v14 =	vadd.s32 v18, v29;
	v18 =	vor.u32 v23, v56;
	v21 =	vxor.u32 v28, v11  }
0x7a: {  	v11 =	vadd.s32 v13, v14;
	v13 =	vxor.u32 $0xFFFFFFFF, v18;
	v18 =	vor.u32 v10, v21  }
0x7b: {  	v15 =	vld.idx.msk [tilespmem:v15+s14+$0x0], $0xffff;
	v21 =	vadd.s32 v6, v26;
	v13 =	vor.u32 v13, v24;
	v10 =	vadd.s32 $0x4, v1  }
0x7c: {  	v14 =	vor.u32 v28, v18;
	v26 =	vshrl.u32 v13, $0x1F;
	v13 =	vshll.u32 v13, $0x1  }
0x7d: {  	v14 =	vxor.u32 $0xFFFFFFFF, v14;
	v29 =	vor.u32 $0x1000, v13;
	v13 =	vand.u32 v28, v18  }
0x7e: {  	v17 =	vld.idx.msk [tilespmem:v17+s14+$0x0], $0xffff;
	v28 =	vand.u32 v23, v56;
	v14 =	vor.u32 v14, v35;
	v57 =	vor.u32 v56, v29  }
0x7f: {  	v29 =	vand.u32 v56, v29;
	v58 =	vshll.u32 v28, $0x1;
	v33 =	vxor.u32 $0xFFFFFFFF, v57  }
0x80: {  	v35 =	vshll.u32 v14, $0x1;
	v15 =	vor.u32 v15, v29;
	v32 =	vor.u32 v33, v58  }
0x81: {  	v36 =	vshll.u32 v13, $0x1;
	v59 =	vor.u32 $0x1000, v35;
	v60 =	vand.u32 v32, v15  }
0x82: {  	v37 =	vor.u32 v18, v59;
	v33 =	vand.u32 v18, v59;
	v35 =	vadd.s32 v32, v60  }
0x83: {  	v18 =	vxor.u32 $0xFFFFFFFF, v37;
	v62 =	vor.u32 v17, v33;
	v17 =	vshra.s32 v28, $0x1F  }
0x84: {  	v37 =	vadd.s32 v23, v47;
	v20 =	vxor.u32 v32, v35;
	v18 =	vor.u32 v18, v36  }
0x85: {  	v17 =	vadd.s32 v12, v17;
	v37 =	vxor.u32 v23, v37;
	v15 =	vor.u32 v15, v20  }
0x86: {  	v20 =	vand.u32 v18, v62;
	v17 =	vadd.s32 v26, v17;
	v37 =	vor.u32 v38, v37  }
0x87: {  	v38 =	vadd.s32 v23, v49;
	v28 =	vor.u32 v32, v15;
	v20 =	vadd.s32 v18, v20  }
0x88: {  	v48 =	vor.u32 v23, v37;
	v51 =	vxor.u32 v23, v38;
	v28 =	vxor.u32 $0xFFFFFFFF, v28  }
0x89: {  	v36 =	vxor.u32 v18, v20;
	v38 =	vor.u32 v63, v51;
	v20 =	vor.u32 v28, v29  }
0x8a: {  	v29 =	vor.u32 v62, v36;
	v36 =	vxor.u32 $0xFFFFFFFF, v48;
	v35 =	vor.u32 v23, v38  }
0x8b: {  	v19 =	vshll.u32 v20, $0x1;
	v26 =	vor.u32 v18, v29;
	v18 =	vand.u32 v18, v29  }
0x8c: {  	v41 =	vld.idx.msk [tilespmem:v34+s14+$0x0], $0xffff;
	v34 =	vor.u32 v36, v24;
	v36 =	vand.u32 v23, v37;
	v35 =	vxor.u32 $0xFFFFFFFF, v35  }
0x8d: {  	v21 =	vld.idx.msk [tilespmem:v21+s14+$0x0], $0xffff;
	v28 =	vor.u32 $0x1000, v19;
	v19 =	vxor.u32 $0xFFFFFFFF, v26;
	v26 =	vand.u32 v32, v15  }
0x8e: {  	v52 =	vshll.u32 v34, $0x1;
	v43 =	vshll.u32 v36, $0x1;
	v35 =	vor.u32 v35, v24  }
0x8f: {  	v44 =	vor.u32 v15, v28;
	v19 =	vor.u32 v19, v33;
	v45 =	vand.u32 v15, v28  }
0x90: {  	v15 =	vshll.u32 v26, $0x1;
	v33 =	vor.u32 $0x1000, v52;
	v54 =	vshll.u32 v35, $0x1  }
0x91: {  	v28 =	vxor.u32 $0xFFFFFFFF, v44;
	v44 =	vor.u32 v37, v33;
	v33 =	vand.u32 v37, v33  }
0x92: {  	v27 =	vld.idx.msk [tilespmem:v27+s14+$0x0], $0xffff;
	v37 =	vor.u32 $0x1000, v54;
	v46 =	vor.u32 v28, v15;
	v15 =	vor.u32 v21, v45  }
0x93: {  	v21 =	vshll.u32 v19, $0x1;
	v53 =	vxor.u32 $0xFFFFFFFF, v44;
	v41 =	vor.u32 v41, v33  }
0x94: {  	v44 =	vand.u32 v23, v38;
	v23 =	vor.u32 v38, v37;
	v37 =	vand.u32 v38, v37  }
0x95: {  	v28 =	vand.u32 v46, v15;
	v32 =	vor.u32 $0x1000, v21;
	v21 =	vshll.u32 v18, $0x1  }
0x96: {  	v24 =	vor.u32 v53, v43;
	v55 =	vshll.u32 v44, $0x1;
	v23 =	vxor.u32 $0xFFFFFFFF, v23  }
0x97: {  	v27 =	vor.u32 v27, v37;
	v28 =	vadd.s32 v46, v28;
	v39 =	vor.u32 v29, v32  }
0x98: {  	v43 =	vand.u32 v24, v41;
	v23 =	vor.u32 v23, v55;
	v28 =	vxor.u32 v46, v28  }
0x99: {  	v39 =	vxor.u32 $0xFFFFFFFF, v39;
	v43 =	vadd.s32 v24, v43;
	v57 =	vand.u32 v23, v27  }
0x9a: {  	v40 =	vor.u32 v15, v28;
	v15 =	vor.u32 v39, v21;
	v56 =	vxor.u32 v24, v43  }
0x9b: {  	v28 =	vand.u32 v46, v40;
	v21 =	vor.u32 v46, v40;
	v38 =	vor.u32 v41, v56  }
0x9c: {  	v41 =	vadd.s32 v23, v57;
	v50 =	vshll.u32 v28, $0x1;
	v21 =	vxor.u32 $0xFFFFFFFF, v21  }
0x9d: {  	v41 =	vxor.u32 v23, v41;
	v39 =	vand.u32 v24, v38;
	v21 =	vor.u32 v21, v45  }
0x9e: {  	v31 =	vld.idx.msk [tilespmem:v31+s14+$0x0], $0xffff;
	v45 =	vor.u32 v24, v38;
	v27 =	vor.u32 v27, v41;
	v62 =	vshll.u32 v39, $0x1  }
0x9f: {  	v42 =	vshll.u32 v21, $0x1;
	v58 =	vxor.u32 $0xFFFFFFFF, v45;
	v41 =	vor.u32 v23, v27  }
0xa0: {  	v42 =	vor.u32 $0x1000, v42;
	v61 =	vxor.u32 $0xFFFFFFFF, v41;
	v41 =	vand.u32 v23, v27  }
0xa1: {  	v30 =	vld.idx.msk [tilespmem:v30+s14+$0x0], $0xffff;
	v43 =	vand.u32 v40, v42;
	v40 =	vor.u32 v40, v42;
	v42 =	vor.u32 v58, v33  }
0xa2: {  	v37 =	vor.u32 v61, v37;
	v49 =	vshll.u32 v41, $0x1;
	v60 =	vshll.u32 v42, $0x1  }
0xa3: {  	v22 =	vld.idx.msk [tilespmem:v22+s14+$0x0], $0xffff;
	v31 =	vor.u32 v31, v43;
	v59 =	vxor.u32 $0xFFFFFFFF, v40;
	v24 =	vor.u32 $0x1000, v60  }
0xa4: {  	v40 =	vshll.u32 v37, $0x1;
	v33 =	vor.u32 v59, v50;
	v63 =	vor.u32 v38, v24  }
0xa5: {  	v40 =	vor.u32 $0x1000, v40;
	v24 =	vand.u32 v38, v24;
	v47 =	vxor.u32 $0xFFFFFFFF, v63  }
0xa6: {  	v23 =	vor.u32 v27, v40;
	v30 =	vor.u32 v30, v24;
	v38 =	vor.u32 v47, v62  }
0xa7: {  	v27 =	vand.u32 v27, v40;
	v23 =	vxor.u32 $0xFFFFFFFF, v23;
	v48 =	vand.u32 v38, v30  }
0xa8: {  	v22 =	vor.u32 v22, v27;
	v23 =	vor.u32 v23, v49;
	v50 =	vadd.s32 v38, v48  }
0xa9: {  	v46 =	vand.u32 v33, v31;
	v51 =	vand.u32 v23, v22;
	v40 =	vxor.u32 v38, v50  }
0xaa: {  	v53 =	vadd.s32 v33, v46;
	v52 =	vadd.s32 v23, v51;
	v30 =	vor.u32 v30, v40  }
0xab: {  	v45 =	vxor.u32 v33, v53;
	v40 =	vxor.u32 v23, v52;
	v54 =	vor.u32 v38, v30  }
0xac: {  	v22 =	vor.u32 v22, v40;
	v40 =	vor.u32 v31, v45;
	v38 =	vand.u32 v38, v30  }
0xad: {  	v46 =	vxor.u32 $0xFFFFFFFF, v54;
	v31 =	vand.u32 v33, v40;
	v33 =	vor.u32 v33, v40  }
0xae: {  	v25 =	vld.idx.msk [tilespmem:v25+s14+$0x0], $0xffff;
	v45 =	vor.u32 v46, v24;
	v24 =	vor.u32 v23, v22;
	v33 =	vxor.u32 $0xFFFFFFFF, v33  }
0xaf: {  	v46 =	vshll.u32 v45, $0x1;
	v24 =	vxor.u32 $0xFFFFFFFF, v24;
	v33 =	vor.u32 v33, v43  }
0xb0: {  	v46 =	vor.u32 $0x1000, v46;
	v47 =	vor.u32 v24, v27;
	v27 =	vshll.u32 v38, $0x1  }
0xb1: {  	v16 =	vld.idx.msk [tilespmem:v16+s14+$0x0], $0xffff;
	v60 =	vshll.u32 v33, $0x1;
	v24 =	vand.u32 v30, v46;
	v48 =	vshll.u32 v47, $0x1  }
0xb2: {  	v30 =	vor.u32 v30, v46;
	v61 =	vor.u32 $0x1000, v60;
	v60 =	vshra.s32 v36, $0x1F  }
0xb3: {  	v55 =	vor.u32 $0x1000, v48;
	v25 =	vor.u32 v25, v24;
	v30 =	vxor.u32 $0xFFFFFFFF, v30  }
0xb4: {  	v48 =	vand.u32 v23, v22;
	v23 =	vor.u32 v22, v55;
	v22 =	vand.u32 v22, v55  }
0xb5: {  	v56 =	vshll.u32 v48, $0x1;
	v27 =	vor.u32 v30, v27;
	v23 =	vxor.u32 $0xFFFFFFFF, v23  }
0xb6: {  	v16 =	vor.u32 v16, v22;
	v57 =	vand.u32 v27, v25;
	v23 =	vor.u32 v23, v56  }
0xb7: {  	v50 =	vor.u32 v40, v61;
	v46 =	vadd.s32 v27, v57;
	v49 =	vand.u32 v23, v16  }
0xb8: {  	v30 =	vshll.u32 v31, $0x1;
	v58 =	vxor.u32 v27, v46;
	v49 =	vadd.s32 v23, v49  }
0xb9: {  	v50 =	vxor.u32 $0xFFFFFFFF, v50;
	v25 =	vor.u32 v25, v58;
	v59 =	vxor.u32 v23, v49  }
0xba: {  	v56 =	vshra.s32 v48, $0x1F;
	v62 =	vor.u32 v27, v25;
	v16 =	vor.u32 v16, v59  }
0xbb: {  	v51 =	vand.u32 v27, v25;
	v27 =	vor.u32 v50, v30;
	v63 =	vor.u32 v23, v16  }
0xbc: {  	v30 =	vand.u32 v40, v61;
	v46 =	vxor.u32 $0xFFFFFFFF, v62;
	v49 =	vxor.u32 $0xFFFFFFFF, v63  }
0xbd: {  	v50 =	vshra.s32 v44, $0x1F;
	v46 =	vor.u32 v46, v24;
	v49 =	vor.u32 v49, v22  }
0xbe: {  	v61 =	vshrl.u32 v42, $0x1F;
	v22 =	vshll.u32 v46, $0x1;
	v24 =	vshll.u32 v49, $0x1  }
0xbf: {  	v54 =	vand.u32 v23, v16;
	v52 =	vor.u32 $0x1000, v22;
	v53 =	vor.u32 $0x1000, v24  }
0xc0: {  	v55 =	vshll.u32 v54, $0x1;
	v24 =	vor.u32 v25, v52;
	v23 =	vor.u32 v16, v53  }
0xc1: {  	v22 =	vshll.u32 v51, $0x1;
	v24 =	vxor.u32 $0xFFFFFFFF, v24;
	v23 =	vxor.u32 $0xFFFFFFFF, v23  }
0xc2: {  	v59 =	vshrl.u32 v34, $0x1F;
	v24 =	vor.u32 v24, v22;
	v22 =	vor.u32 v23, v55  }
0xc3: {  	v23 =	vand.u32 v16, v53;
	v16 =	vshrl.u32 v35, $0x1F;
	v53 =	vadd.s32 v12, v50  }
0xc4: {  	v25 =	vand.u32 v25, v52;
	v52 =	vshra.s32 v41, $0x1F;
	v16 =	vadd.s32 v16, v53  }
0xc5: {  	v35 =	vand.u32 v29, v32;
	v29 =	vshrl.u32 v37, $0x1F;
	v16 =	vadd.s32 v52, v16  }
0xc6: {  	v62 =	vshra.s32 v38, $0x1F;
	v58 =	vshra.s32 v54, $0x1F;
	v16 =	vadd.s32 v29, v16  }
0xc7: {  	v55 =	vshrl.u32 v47, $0x1F;
	v12 =	vadd.s32 v12, v60;
	v16 =	vadd.s32 v56, v16  }
0xc8: {  	v12 =	vadd.s32 v59, v12;
	v29 =	vshra.s32 v39, $0x1F;
	v16 =	vadd.s32 v55, v16  }
0xc9: {  	v57 =	vshrl.u32 v49, $0x1F;
	v12 =	vadd.s32 v29, v12;
	v16 =	vadd.s32 v58, v16  }
0xca: {  	v29 =	vadd.s32 v61, v12;
	v12 =	vadd.s32 v57, v16;
	v16 =	vshra.s32 v51, $0x1F  }
0xcb: {  	v63 =	vshrl.u32 v45, $0x1F;
	v36 =	vshrl.u32 v46, $0x1F;
	v32 =	vadd.s32 v62, v29  }
0xcc: {  	v29 =	vshrl.u32 v20, $0x1F;
	v20 =	vshra.s32 v26, $0x1F;
	v32 =	vadd.s32 v63, v32  }
0xcd: {  	s19 =	simm.s32 $0x0;
	s18 =	simm.s32 $0x14;
	v26 =	vshra.s32 v28, $0x1F;
	v28 =	vadd.s32 v20, v17;
	v17 =	vmovc v3;
	v20 =	vadd.s32 v16, v32;
	v16 =	vmovc v4  }
.LBB2_6:
0xce: {  	v32 =	vld.idx.msk [tilespmem:v10+s2+$0x0], $0xffff;
	v21 =	vshrl.u32 v21, $0x1F;
	v28 =	vadd.s32 v29, v28;
	v20 =	vadd.s32 v36, v20  }
0xcf: {  	v29 =	vshrl.u32 v33, $0x1F;
	v31 =	vshra.s32 v31, $0x1F;
	v26 =	vadd.s32 v26, v28  }
0xd0: {  	v14 =	vshrl.u32 v14, $0x1F;
	v13 =	vshra.s32 v13, $0x1F;
	v21 =	vadd.s32 v21, v26  }
0xd1: {  	v11 =	vadd.s32 v13, v11;
	v26 =	vshra.s32 v18, $0x1F;
	v13 =	vadd.s32 v31, v21  }
0xd2: {  	v19 =	vshrl.u32 v19, $0x1F;
	v11 =	vadd.s32 v14, v11;
	v18 =	vadd.s32 v29, v13  }
0xd3: {  	v11 =	vadd.s32 v26, v11;
	v13 =	vor.u32 $0x3, v9  }
0xd4: {  	v21 =	vor.u32 $0x1, v10;
	v11 =	vadd.s32 v19, v11;
	v14 =	vshll.u32 v32, $0x4  }
0xd5: {  	v14 =	vor.u32 v0, v14  }
0xd6: {  	v19 =	vor.u32 $0x2, v9  }
0xd7: {  	v28 =	vor.u32 $0x1, v9;
	v26 =	vld.idx.msk [tilespmem:v9+s2+$0x0], $0xffff  }
0xd8: {  	v13 =	vld.idx.msk [tilespmem:v13+s2+$0x0], $0xffff  }
0xd9: {  	v21 =	vld.idx.msk [tilespmem:v21+s2+$0x0], $0xffff  }
0xda: {  	v14 =	vld.idx.msk [tilespmem:v14+s14+$0x0], $0xffff  }
0xdb: {  	v16 =	vadd.s32 $0x4, v16;
	v19 =	vld.idx.msk [tilespmem:v19+s2+$0x0], $0xffff  }
0xdc: {  	v29 =	vor.u32 $0x3, v16;
	v28 =	vld.idx.msk [tilespmem:v28+s2+$0x0], $0xffff  }
0xdd: {  	v17 =	vadd.s32 $0x4, v17;
	_ =	sdelay $0x1  }
0xde: {  	v31 =	vor.u32 $0x2, v10;
	v9 =	vadd.s32 $0x4, v9;
	v26 =	vshll.u32 v26, $0x4  }
0xdf: {  	v13 =	vshll.u32 v13, $0x4;
	v21 =	vshll.u32 v21, $0x4;
	v14 =	vor.u32 v35, v14;
	v32 =	vld.idx.msk [tilespmem:v16+s2+$0x0], $0xffff  }
0xe0: {  	v21 =	vor.u32 v0, v21;
	v33 =	vand.u32 v15, v14;
	v34 =	vshll.u32 v19, $0x4;
	v29 =	vld.idx.msk [tilespmem:v29+s2+$0x0], $0xffff  }
0xe1: {  	v19 =	vadd.s32 v8, v26;
	v33 =	vadd.s32 v15, v33;
	v28 =	vshll.u32 v28, $0x4;
	v37 =	vld.idx.msk [tilespmem:v17+s2+$0x0], $0xffff  }
0xe2: {  	v38 =	vor.u32 $0x2, v16;
	v26 =	vadd.s32 v8, v13;
	v33 =	vxor.u32 v15, v33  }
0xe3: {  	v13 =	vor.u32 v14, v33;
	v14 =	vor.u32 $0x1, v16;
	v33 =	vld.idx.msk [tilespmem:v31+s2+$0x0], $0xffff;
	v31 =	vadd.s32 v8, v34  }
0xe4: {  	v36 =	vadd.s32 v8, v28;
	v28 =	vor.u32 $0x3, v17;
	v34 =	vor.u32 v15, v13  }
0xe5: {  	v39 =	vor.u32 $0x2, v17;
	v34 =	vxor.u32 $0xFFFFFFFF, v34;
	v32 =	vshll.u32 v32, $0x4;
	v21 =	vld.idx.msk [tilespmem:v21+s14+$0x0], $0xffff  }
0xe6: {  	v34 =	vor.u32 v34, v35;
	v35 =	vor.u32 $0x1, v17;
	v29 =	vshll.u32 v29, $0x4  }
0xe7: {  	v40 =	vshrl.u32 v34, $0x1F;
	v34 =	vshll.u32 v34, $0x1;
	v37 =	vshll.u32 v37, $0x4;
	v38 =	vld.idx.msk [tilespmem:v38+s2+$0x0], $0xffff  }
0xe8: {  	v41 =	vor.u32 $0x3, v10;
	v34 =	vor.u32 $0x1000, v34;
	v37 =	vadd.s32 v6, v37;
	v14 =	vld.idx.msk [tilespmem:v14+s2+$0x0], $0xffff  }
0xe9: {  	v15 =	vand.u32 v15, v13;
	v42 =	vor.u32 v13, v34;
	v33 =	vshll.u32 v33, $0x4;
	v28 =	vld.idx.msk [tilespmem:v28+s2+$0x0], $0xffff  }
0xea: {  	v13 =	vand.u32 v13, v34;
	v34 =	vshll.u32 v15, $0x1;
	v42 =	vxor.u32 $0xFFFFFFFF, v42;
	v39 =	vld.idx.msk [tilespmem:v39+s2+$0x0], $0xffff  }
0xeb: {  	v15 =	vshra.s32 v15, $0x1F;
	v34 =	vor.u32 v42, v34;
	v21 =	vor.u32 v21, v13;
	v35 =	vld.idx.msk [tilespmem:v35+s2+$0x0], $0xffff  }
0xec: {  	v43 =	vor.u32 v0, v33;
	v11 =	vadd.s32 v11, v15;
	v42 =	vand.u32 v34, v21  }
0xed: {  	v11 =	vadd.s32 v40, v11;
	v15 =	vadd.s32 v34, v42;
	v33 =	vshll.u32 v38, $0x4;
	v42 =	vld.idx.msk [tilespmem:v41+s2+$0x0], $0xffff  }
0xee: {  	v32 =	vadd.s32 v7, v32;
	v15 =	vxor.u32 v34, v15;
	v14 =	vshll.u32 v14, $0x4  }
0xef: {  	v38 =	vadd.s32 v7, v33;
	v33 =	vadd.s32 v7, v29;
	v15 =	vor.u32 v21, v15;
	v37 =	vld.idx.msk [tilespmem:v37+s14+$0x0], $0xffff  }
0xf0: {  	v21 =	vadd.s32 v7, v14;
	v14 =	vshll.u32 v28, $0x4;
	v29 =	vor.u32 v34, v15  }
0xf1: {  	v39 =	vshll.u32 v39, $0x4;
	v28 =	vxor.u32 $0xFFFFFFFF, v29;
	v29 =	vshll.u32 v35, $0x4;
	v35 =	vld.idx.msk [tilespmem:v43+s14+$0x0], $0xffff  }
0xf2: {  	v41 =	vadd.s32 v6, v14;
	v13 =	vor.u32 v28, v13;
	v28 =	vadd.s32 v6, v29  }
0xf3: {  	v14 =	vshrl.u32 v13, $0x1F;
	v13 =	vshll.u32 v13, $0x1;
	v29 =	vshll.u32 v42, $0x4  }
0xf4: {  	v34 =	vand.u32 v34, v15;
	v13 =	vor.u32 $0x1000, v13;
	v29 =	vor.u32 v0, v29  }
0xf5: {  	v40 =	vshll.u32 v34, $0x1;
	v37 =	vor.u32 v30, v37;
	v42 =	vor.u32 v15, v13  }
0xf6: {  	v15 =	vand.u32 v15, v13;
	v43 =	vand.u32 v27, v37;
	v13 =	vxor.u32 $0xFFFFFFFF, v42  }
0xf7: {  	v42 =	vadd.s32 v27, v43;
	v13 =	vor.u32 v13, v40;
	v35 =	vor.u32 v35, v15  }
0xf8: {  	v34 =	vshra.s32 v34, $0x1F;
	v40 =	vxor.u32 v27, v42;
	v42 =	vand.u32 v13, v35  }
0xf9: {  	v11 =	vadd.s32 v34, v11;
	v37 =	vor.u32 v37, v40;
	v40 =	vadd.s32 v13, v42  }
0xfa: {  	v11 =	vadd.s32 v14, v11;
	v34 =	vor.u32 v27, v37;
	v40 =	vxor.u32 v13, v40  }
0xfb: {  	v14 =	vxor.u32 $0xFFFFFFFF, v34;
	v34 =	vor.u32 v35, v40;
	v35 =	vadd.s32 v6, v39;
	v28 =	vld.idx.msk [tilespmem:v28+s14+$0x0], $0xffff  }
0xfc: {  	v10 =	vadd.s32 $0x4, v10;
	v14 =	vor.u32 v14, v30;
	v30 =	vor.u32 v13, v34  }
0xfd: {  	v39 =	vshrl.u32 v14, $0x1F;
	v14 =	vshll.u32 v14, $0x1;
	v30 =	vxor.u32 $0xFFFFFFFF, v30  }
0xfe: {  	v13 =	vand.u32 v13, v34;
	v40 =	vor.u32 $0x1000, v14;
	v14 =	vor.u32 v30, v15;
	v15 =	vld.idx.msk [tilespmem:v29+s14+$0x0], $0xffff  }
0xff: {  	v27 =	vand.u32 v27, v37;
	v29 =	vor.u32 v37, v40;
	v30 =	vshll.u32 v14, $0x1  }
0x100: {  	s19 =	sadd.s32 $0x4, s19;
	v37 =	vand.u32 v37, v40;
	v40 =	vshll.u32 v27, $0x1;
	v29 =	vxor.u32 $0xFFFFFFFF, v29  }
0x101: {  	p0 =	slt.u32 s19, $0x10;
	v40 =	vor.u32 v29, v40;
	v28 =	vor.u32 v28, v37;
	v29 =	vor.u32 $0x1000, v30  }
0x102: {  	v42 =	vshll.u32 v13, $0x1;
	v43 =	vor.u32 v34, v29;
	v30 =	vld.idx.msk [tilespmem:v32+s14+$0x0], $0xffff;
	v32 =	vand.u32 v40, v28  }
0x103: {  	v34 =	vand.u32 v34, v29;
	v29 =	vxor.u32 $0xFFFFFFFF, v43;
	v19 =	vld.idx.msk [tilespmem:v19+s14+$0x0], $0xffff;
	v32 =	vadd.s32 v40, v32  }
0x104: {  	v42 =	vor.u32 v29, v42;
	v15 =	vor.u32 v15, v34;
	v32 =	vxor.u32 v40, v32  }
0x105: {  	v27 =	vshra.s32 v27, $0x1F;
	v43 =	vor.u32 v28, v32;
	v28 =	vand.u32 v42, v15  }
0x106: {  	v18 =	vadd.s32 v18, v27;
	v29 =	vor.u32 v40, v43;
	v28 =	vadd.s32 v42, v28  }
0x107: {  	v27 =	vxor.u32 $0xFFFFFFFF, v29;
	v44 =	vld.idx.msk [tilespmem:v35+s14+$0x0], $0xffff;
	v32 =	vxor.u32 v42, v28;
	v28 =	vadd.s32 v39, v18  }
0x108: {  	v30 =	vor.u32 v25, v30;
	v29 =	vor.u32 v27, v37;
	v35 =	vor.u32 v15, v32  }
0x109: {  	v27 =	vor.u32 v23, v19;
	v15 =	vshll.u32 v29, $0x1;
	v19 =	vor.u32 v42, v35  }
0x10a: {  	v18 =	vand.u32 v42, v35;
	v15 =	vor.u32 $0x1000, v15;
	v19 =	vxor.u32 $0xFFFFFFFF, v19  }
0x10b: {  	v32 =	vand.u32 v40, v43;
	v37 =	vor.u32 v43, v15;
	v19 =	vor.u32 v19, v34  }
0x10c: {  	v40 =	vand.u32 v43, v15;
	v15 =	vshll.u32 v32, $0x1;
	v34 =	vxor.u32 $0xFFFFFFFF, v37  }
0x10d: {  	v39 =	vor.u32 v34, v15;
	v15 =	vor.u32 v44, v40;
	v34 =	vshll.u32 v19, $0x1  }
0x10e: {  	v42 =	vand.u32 v39, v15;
	v37 =	vor.u32 $0x1000, v34;
	v34 =	vshll.u32 v18, $0x1  }
0x10f: {  	v43 =	vand.u32 v24, v30;
	v42 =	vadd.s32 v39, v42;
	v44 =	vor.u32 v35, v37  }
0x110: {  	v43 =	vadd.s32 v24, v43;
	v42 =	vxor.u32 v39, v42;
	v44 =	vxor.u32 $0xFFFFFFFF, v44  }
0x111: {  	v43 =	vxor.u32 v24, v43;
	v42 =	vor.u32 v15, v42;
	v15 =	vor.u32 v44, v34  }
0x112: {  	v30 =	vor.u32 v30, v43;
	v34 =	vand.u32 v39, v42;
	v39 =	vor.u32 v39, v42  }
0x113: {  	v43 =	vor.u32 v24, v30;
	v44 =	vand.u32 v22, v27;
	v45 =	vshll.u32 v34, $0x1  }
0x114: {  	v43 =	vxor.u32 $0xFFFFFFFF, v43;
	v44 =	vadd.s32 v22, v44;
	v46 =	vld.idx.msk [tilespmem:v21+s14+$0x0], $0xffff;
	v21 =	vxor.u32 $0xFFFFFFFF, v39  }
0x115: {  	v39 =	vor.u32 v43, v25;
	v25 =	vxor.u32 v22, v44;
	v21 =	vor.u32 v21, v40  }
0x116: {  	v43 =	vshll.u32 v39, $0x1;
	v25 =	vor.u32 v27, v25;
	v27 =	vshll.u32 v21, $0x1  }
0x117: {  	v40 =	vand.u32 v24, v30;
	v24 =	vor.u32 $0x1000, v43;
	v43 =	vor.u32 v22, v25  }
0x118: {  	v44 =	vshll.u32 v40, $0x1;
	v47 =	vor.u32 v30, v24;
	v43 =	vxor.u32 $0xFFFFFFFF, v43;
	v48 =	vld.idx.msk [tilespmem:v36+s14+$0x0], $0xffff  }
0x119: {  	v24 =	vand.u32 v30, v24;
	v30 =	vxor.u32 $0xFFFFFFFF, v47;
	v36 =	vor.u32 v43, v23  }
0x11a: {  	v23 =	vor.u32 v30, v44;
	v30 =	vshll.u32 v36, $0x1;
	v43 =	vor.u32 v46, v24  }
0x11b: {  	v27 =	vor.u32 $0x1000, v27;
	v30 =	vor.u32 $0x1000, v30;
	v44 =	vand.u32 v23, v43;
	v46 =	vld.idx.msk [tilespmem:v41+s14+$0x0], $0xffff  }
0x11c: {  	v41 =	vand.u32 v22, v25;
	v22 =	vor.u32 v25, v30;
	v44 =	vadd.s32 v23, v44  }
0x11d: {  	v25 =	vand.u32 v25, v30;
	v30 =	vshll.u32 v41, $0x1;
	v22 =	vxor.u32 $0xFFFFFFFF, v22  }
0x11e: {  	v22 =	vor.u32 v22, v30;
	v30 =	vxor.u32 v23, v44;
	v44 =	vor.u32 v48, v25  }
0x11f: {  	v47 =	vand.u32 v42, v27;
	v30 =	vor.u32 v43, v30;
	v43 =	vand.u32 v22, v44  }
0x120: {  	v27 =	vor.u32 v42, v27;
	v48 =	vor.u32 v23, v30;
	v43 =	vadd.s32 v22, v43  }
0x121: {  	v42 =	vxor.u32 $0xFFFFFFFF, v48;
	v43 =	vxor.u32 v22, v43;
	v46 =	vor.u32 v46, v47;
	v48 =	vld.idx.msk [tilespmem:v38+s14+$0x0], $0xffff  }
0x122: {  	v27 =	vxor.u32 $0xFFFFFFFF, v27;
	v38 =	vor.u32 v42, v24;
	v24 =	vor.u32 v44, v43  }
0x123: {  	v27 =	vor.u32 v27, v45;
	v43 =	vshll.u32 v38, $0x1;
	v44 =	vor.u32 v22, v24  }
0x124: {  	v42 =	vand.u32 v23, v30;
	v23 =	vor.u32 $0x1000, v43;
	v43 =	vxor.u32 $0xFFFFFFFF, v44;
	v31 =	vld.idx.msk [tilespmem:v31+s14+$0x0], $0xffff  }
0x125: {  	v44 =	vshll.u32 v42, $0x1;
	v45 =	vor.u32 v30, v23;
	v43 =	vor.u32 v43, v25  }
0x126: {  	v23 =	vand.u32 v30, v23;
	v25 =	vxor.u32 $0xFFFFFFFF, v45;
	v30 =	vshll.u32 v43, $0x1  }
0x127: {  	v25 =	vor.u32 v25, v44;
	v30 =	vor.u32 $0x1000, v30;
	v44 =	vor.u32 v48, v23  }
0x128: {  	v45 =	vand.u32 v22, v24;
	v22 =	vor.u32 v24, v30;
	v48 =	vand.u32 v25, v44  }
0x129: {  	v24 =	vand.u32 v24, v30;
	v30 =	vshll.u32 v45, $0x1;
	v22 =	vxor.u32 $0xFFFFFFFF, v22  }
0x12a: {  	v22 =	vor.u32 v22, v30;
	v30 =	vadd.s32 v25, v48;
	v31 =	vor.u32 v31, v24  }
0x12b: {  	v49 =	vand.u32 v27, v46;
	v30 =	vxor.u32 v25, v30;
	v48 =	vand.u32 v22, v31  }
0x12c: {  	v30 =	vor.u32 v44, v30;
	v44 =	vadd.s32 v22, v48;
	v48 =	vadd.s32 v27, v49  }
0x12d: {  	v49 =	vor.u32 v25, v30;
	v44 =	vxor.u32 v22, v44;
	v48 =	vxor.u32 v27, v48;
	v33 =	vld.idx.msk [tilespmem:v33+s14+$0x0], $0xffff  }
0x12e: {  	v49 =	vxor.u32 $0xFFFFFFFF, v49;
	v44 =	vor.u32 v31, v44;
	v46 =	vor.u32 v46, v48  }
0x12f: {  	v48 =	vor.u32 v49, v23;
	v23 =	vor.u32 v22, v44;
	v31 =	vand.u32 v27, v46  }
0x130: {  	v27 =	vor.u32 v27, v46;
	v49 =	vshll.u32 v48, $0x1;
	v23 =	vxor.u32 $0xFFFFFFFF, v23;
	v26 =	vld.idx.msk [tilespmem:v26+s14+$0x0], $0xffff  }
0x131: {  	v50 =	vand.u32 v25, v30;
	v25 =	vor.u32 $0x1000, v49;
	v49 =	vor.u32 v23, v24  }
0x132: {  	v24 =	vshll.u32 v50, $0x1;
	v23 =	vand.u32 v30, v25;
	v51 =	vshll.u32 v49, $0x1  }
0x133: {  	v25 =	vor.u32 v30, v25;
	v30 =	vor.u32 $0x1000, v51;
	v51 =	vor.u32 v33, v23  }
0x134: {  	v52 =	vand.u32 v22, v44;
	v25 =	vxor.u32 $0xFFFFFFFF, v25;
	v22 =	vor.u32 v44, v30  }
0x135: {  	v33 =	vshll.u32 v52, $0x1;
	v30 =	vand.u32 v44, v30;
	v22 =	vxor.u32 $0xFFFFFFFF, v22  }
0x136: {  	v24 =	vor.u32 v25, v24;
	v22 =	vor.u32 v22, v33;
	v25 =	vor.u32 v26, v30  }
0x137: {  	v26 =	vshll.u32 v31, $0x1;
	v33 =	vand.u32 v24, v51;
	v44 =	vand.u32 v22, v25  }
0x138: {  	v27 =	vxor.u32 $0xFFFFFFFF, v27;
	v53 =	vadd.s32 v24, v33;
	v44 =	vadd.s32 v22, v44  }
0x139: {  	v33 =	vor.u32 v27, v47;
	v27 =	vxor.u32 v24, v53;
	v44 =	vxor.u32 v22, v44  }
0x13a: {  	v47 =	vshll.u32 v33, $0x1;
	v51 =	vor.u32 v51, v27;
	v44 =	vor.u32 v25, v44  }
0x13b: {  	v25 =	vor.u32 $0x1000, v47;
	v27 =	vor.u32 v24, v51;
	v47 =	vor.u32 v22, v44  }
0x13c: {  	v53 =	vor.u32 v46, v25;
	v27 =	vxor.u32 $0xFFFFFFFF, v27;
	v47 =	vxor.u32 $0xFFFFFFFF, v47  }
0x13d: {  	v53 =	vxor.u32 $0xFFFFFFFF, v53;
	v54 =	vor.u32 v27, v23;
	v47 =	vor.u32 v47, v30  }
0x13e: {  	v55 =	vand.u32 v24, v51;
	v23 =	vshll.u32 v54, $0x1;
	v24 =	vshll.u32 v47, $0x1  }
0x13f: {  	v30 =	vshll.u32 v55, $0x1;
	v23 =	vor.u32 $0x1000, v23;
	v56 =	vor.u32 $0x1000, v24  }
0x140: {  	v57 =	vand.u32 v22, v44;
	v24 =	vor.u32 v51, v23;
	v22 =	vor.u32 v44, v56  }
0x141: {  	v58 =	vshll.u32 v57, $0x1;
	v24 =	vxor.u32 $0xFFFFFFFF, v24;
	v22 =	vxor.u32 $0xFFFFFFFF, v22  }
0x142: {  	v27 =	vor.u32 v53, v26;
	v24 =	vor.u32 v24, v30;
	v22 =	vor.u32 v22, v58  }
0x143: {  	v30 =	vand.u32 v46, v25;
	v25 =	vand.u32 v51, v23;
	v23 =	vand.u32 v44, v56  }
0x144: {  	v35 =	vand.u32 v35, v37;
	v26 =	vshrl.u32 v36, $0x1F;
	v36 =	vshra.s32 v41, $0x1F  }
0x145: {  	v37 =	vshrl.u32 v43, $0x1F;
	v41 =	vshra.s32 v45, $0x1F;
	v12 =	vadd.s32 v12, v36  }
0x146: {  	v43 =	vshra.s32 v52, $0x1F;
	v36 =	vshrl.u32 v49, $0x1F;
	v12 =	vadd.s32 v26, v12  }
0x147: {  	v26 =	vshrl.u32 v47, $0x1F;
	v12 =	vadd.s32 v41, v12;
	v44 =	vshra.s32 v57, $0x1F  }
0x148: {  	v39 =	vshrl.u32 v39, $0x1F;
	v40 =	vshra.s32 v40, $0x1F;
	v12 =	vadd.s32 v37, v12  }
0x149: {  	v20 =	vadd.s32 v20, v40;
	v37 =	vshra.s32 v42, $0x1F;
	v12 =	vadd.s32 v43, v12  }
0x14a: {  	v20 =	vadd.s32 v39, v20;
	v38 =	vshrl.u32 v38, $0x1F;
	v12 =	vadd.s32 v36, v12  }
.Ltmp2:
0x14b: {  	v39 =	vshra.s32 v50, $0x1F;
	v20 =	vadd.s32 v37, v20;
	v12 =	vadd.s32 v44, v12;
	(pc) =	sbr.rel @p0 .LBB2_6-.Ltmp2, $4  }
0x14c: {  	v37 =	vshrl.u32 v48, $0x1F;
	v20 =	vadd.s32 v38, v20;
	v12 =	vadd.s32 v26, v12  }
0x14d: {  	v36 =	vshrl.u32 v54, $0x1F;
	v38 =	vshra.s32 v55, $0x1F;
	v20 =	vadd.s32 v39, v20  }
0x14e: {  	v29 =	vshrl.u32 v29, $0x1F;
	v32 =	vshra.s32 v32, $0x1F;
	v20 =	vadd.s32 v37, v20  }
0x14f: {  	v28 =	vadd.s32 v32, v28;
	v26 =	vshra.s32 v34, $0x1F;
	v20 =	vadd.s32 v38, v20  }
0x150: {  	v9 =	vshrl.u32 v21, $0x1F  }
0x151: {  	v10 =	vadd.s32 v29, v28;
	v16 =	vshra.s32 v31, $0x1F;
	v13 =	vshra.s32 v13, $0x1F  }
0x152: {  	v14 =	vshrl.u32 v14, $0x1F;
	v10 =	vadd.s32 v26, v10;
	v11 =	vadd.s32 v13, v11  }
0x153: {  	v9 =	vadd.s32 v9, v10;
	v10 =	vshra.s32 v18, $0x1F;
	v11 =	vadd.s32 v14, v11  }
0x154: {  	v15 =	vshrl.u32 v33, $0x1F;
	v13 =	vshrl.u32 v19, $0x1F;
	v14 =	vadd.s32 v10, v11;
	_ =	sdelay $0x1  }
0x155: {  	v9 =	vadd.s32 v16, v9;
	v10 =	vadd.s32 v36, v20;
	v16 =	vmov v1  }
0x156: {  	v11 =	vadd.s32 v15, v9;
	v9 =	vadd.s32 v13, v14;
	v13 =	vmovc v5;
	v15 =	vmovc v3;
	v14 =	vmov v4  }
.LBB2_8:
0x157: {  	_ =	sdelay $0x2  }
0x158: {  	v17 =	vld.idx.msk [tilespmem:v16+s8+$0x0], $0xffff;
	_ =	sdelay $0x4  }
0x159: {  	v17 =	vshll.u32 v17, $0x4  }
0x15a: {  	v17 =	vor.u32 v0, v17;
	_ =	sdelay $0x4  }
0x15b: {  	[tilespmem:v17+s14+$0x0] =	vst.idx.msk $0xffff, v2  }
0x15c: {  	v17 =	vld.idx.msk [tilespmem:v15+s8+$0x0], $0xffff;
	_ =	sdelay $0x4  }
0x15d: {  	v17 =	vshll.u32 v17, $0x4  }
0x15e: {  	v17 =	vadd.s32 v6, v17;
	_ =	sdelay $0x4  }
0x15f: {  	[tilespmem:v17+s14+$0x0] =	vst.idx.msk $0xffff, v2  }
0x160: {  	v17 =	vld.idx.msk [tilespmem:v14+s8+$0x0], $0xffff;
	_ =	sdelay $0x4  }
0x161: {  	v17 =	vshll.u32 v17, $0x4  }
0x162: {  	v17 =	vadd.s32 v7, v17;
	_ =	sdelay $0x4  }
0x163: {  	[tilespmem:v17+s14+$0x0] =	vst.idx.msk $0xffff, v2  }
0x164: {  	v17 =	vld.idx.msk [tilespmem:v13+s8+$0x0], $0xffff;
	_ =	sdelay $0x4  }
0x165: {  	v17 =	vshll.u32 v17, $0x4  }
0x166: {  	p0 =	sne.s32 s18, $0x1;
	v17 =	vadd.s32 v8, v17  }
.Ltmp3:
0x167: {  	_ = 	snop;
	(pc) =	sbr.rel @p0 .LBB2_8-.Ltmp3, $3  }
0x168: {  	_ =	sdelay $0x1  }
0x169: {  	v16 =	vadd.s32 $0x1, v16  }
0x16a: {  	s18 =	sadd.s32 $0xFFFFFFFF, s18;
	v15 =	vadd.s32 $0x1, v15;
	v14 =	vadd.s32 $0x1, v14;
	v13 =	vadd.s32 $0x1, v13;
	[tilespmem:v17+s14+$0x0] =	vst.idx.msk $0xffff, v2  }
0x16b: {  	vm0 =	vlt.s32 v9, $0x1F  }
0x16c: {  	v9 =	vnsel vm0, $0x1F, v9  }
0x16d: {  	v13 =	vshll.u32 v9, $0x2;
	_ =	sdelay $0x3  }
0x16e: {  	v9 =	vmul.u32 $0x80, v0  }
0x16f: {  	v14 =	vld.idx.msk [tilespmem:v13+s9+$0x0], $0xffff  }
0x170: {  	v15 =	vor.u32 $0x1, v13;
	_ =	sdelay $0x3  }
0x171: {  	[tilespmem:v9+s15+$0x0] =	vst.idx.msk $0xffff, v14  }
0x172: {  	v14 =	vld.idx.msk [tilespmem:v15+s9+$0x0], $0xffff;
	v15 =	vor.u32 $0x1, v9  }
0x173: {  	v16 =	vor.u32 $0x2, v13;
	_ =	sdelay $0x3  }
0x174: {  	[tilespmem:v15+s15+$0x0] =	vst.idx.msk $0xffff, v14  }
0x175: {  	v15 =	vor.u32 $0x2, v9;
	v14 =	vld.idx.msk [tilespmem:v16+s9+$0x0], $0xffff  }
0x176: {  	v13 =	vor.u32 $0x3, v13;
	_ =	sdelay $0x3  }
0x177: {  	vm13 =	vlt.s32 v11, $0x1F;
	[tilespmem:v15+s15+$0x0] =	vst.idx.msk $0xffff, v14  }
0x178: {  	v11 =	vnsel vm13, $0x1F, v11;
	v14 =	vor.u32 $0x3, v9;
	v13 =	vld.idx.msk [tilespmem:v13+s9+$0x0], $0xffff  }
0x179: {  	v11 =	vshll.u32 v11, $0x2;
	_ =	sdelay $0x3  }
0x17a: {  	[tilespmem:v14+s15+$0x0] =	vst.idx.msk $0xffff, v13  }
0x17b: {  	v14 =	vor.u32 $0x800, v9;
	v13 =	vld.idx.msk [tilespmem:v11+s9+$0x0], $0xffff  }
0x17c: {  	v15 =	vor.u32 $0x1, v11;
	_ =	sdelay $0x3  }
0x17d: {  	[tilespmem:v14+s15+$0x0] =	vst.idx.msk $0xffff, v13  }
0x17e: {  	v14 =	vor.u32 $0x801, v9;
	v13 =	vld.idx.msk [tilespmem:v15+s9+$0x0], $0xffff  }
0x17f: {  	v15 =	vor.u32 $0x2, v11;
	_ =	sdelay $0x3  }
0x180: {  	[tilespmem:v14+s15+$0x0] =	vst.idx.msk $0xffff, v13  }
0x181: {  	v14 =	vor.u32 $0x802, v9;
	v13 =	vld.idx.msk [tilespmem:v15+s9+$0x0], $0xffff  }
0x182: {  	v11 =	vor.u32 $0x3, v11;
	_ =	sdelay $0x3  }
0x183: {  	vm14 =	vlt.s32 v10, $0x1F;
	[tilespmem:v14+s15+$0x0] =	vst.idx.msk $0xffff, v13  }
0x184: {  	v10 =	vnsel vm14, $0x1F, v10;
	v13 =	vor.u32 $0x803, v9;
	v11 =	vld.idx.msk [tilespmem:v11+s9+$0x0], $0xffff  }
0x185: {  	v10 =	vshll.u32 v10, $0x2;
	_ =	sdelay $0x3  }
0x186: {  	[tilespmem:v13+s15+$0x0] =	vst.idx.msk $0xffff, v11  }
0x187: {  	v13 =	vor.u32 $0x1000, v9;
	v11 =	vld.idx.msk [tilespmem:v10+s9+$0x0], $0xffff  }
0x188: {  	v14 =	vor.u32 $0x1, v10;
	_ =	sdelay $0x3  }
0x189: {  	[tilespmem:v13+s15+$0x0] =	vst.idx.msk $0xffff, v11  }
0x18a: {  	v13 =	vor.u32 $0x1001, v9;
	v11 =	vld.idx.msk [tilespmem:v14+s9+$0x0], $0xffff  }
0x18b: {  	v14 =	vor.u32 $0x2, v10;
	_ =	sdelay $0x3  }
0x18c: {  	[tilespmem:v13+s15+$0x0] =	vst.idx.msk $0xffff, v11  }
0x18d: {  	v13 =	vor.u32 $0x1002, v9;
	v11 =	vld.idx.msk [tilespmem:v14+s9+$0x0], $0xffff  }
0x18e: {  	v10 =	vor.u32 $0x3, v10;
	_ =	sdelay $0x3  }
0x18f: {  	vm15 =	vlt.s32 v12, $0x1F;
	[tilespmem:v13+s15+$0x0] =	vst.idx.msk $0xffff, v11  }
0x190: {  	v12 =	vnsel vm15, $0x1F, v12;
	v11 =	vor.u32 $0x1003, v9;
	v10 =	vld.idx.msk [tilespmem:v10+s9+$0x0], $0xffff  }
0x191: {  	v12 =	vshll.u32 v12, $0x2;
	_ =	sdelay $0x3  }
0x192: {  	[tilespmem:v11+s15+$0x0] =	vst.idx.msk $0xffff, v10  }
0x193: {  	v11 =	vor.u32 $0x1800, v9;
	v10 =	vld.idx.msk [tilespmem:v12+s9+$0x0], $0xffff  }
0x194: {  	v13 =	vor.u32 $0x1, v12;
	_ =	sdelay $0x3  }
0x195: {  	[tilespmem:v11+s15+$0x0] =	vst.idx.msk $0xffff, v10  }
0x196: {  	v11 =	vor.u32 $0x1801, v9;
	v10 =	vld.idx.msk [tilespmem:v13+s9+$0x0], $0xffff  }
0x197: {  	v13 =	vor.u32 $0x2, v12;
	_ =	sdelay $0x3  }
0x198: {  	[tilespmem:v11+s15+$0x0] =	vst.idx.msk $0xffff, v10  }
0x199: {  	v11 =	vor.u32 $0x1802, v9;
	v10 =	vld.idx.msk [tilespmem:v13+s9+$0x0], $0xffff  }
0x19a: {  	v12 =	vor.u32 $0x3, v12;
	_ =	sdelay $0x3  }
0x19b: {  	[tilespmem:v11+s15+$0x0] =	vst.idx.msk $0xffff, v10  }
0x19c: {  	v15 =	vor.u32 $0x1803, v9;
	v14 =	vld.idx.msk [tilespmem:v12+s9+$0x0], $0xffff  }
0x19d: {  	v12 =	vmul.u32 $0x14, v0;
	_ =	sdelay $0x1  }
0x19e: {  	v13 =	vadd.s32 $0x500, v12  }
0x19f: {  	v10 =	vadd.s32 $0x640, v12;
	v11 =	vadd.s32 $0x780, v12;
	v12 =	vadd.s32 $0x8C0, v12;
	v17 =	vmovc v13  }
0x1a0: {  	s18 =	simm.s32 $0x0;
	v16 =	vmov v10;
	[tilespmem:v15+s15+$0x0] =	vst.idx.msk $0xffff, v14;
	v14 =	vmov v12;
	v15 =	vmov v11  }
.LBB2_10:
0x1a1: {  	_ =	sdelay $0x2  }
0x1a2: {  	v18 =	vld.idx.msk [tilespmem:v17+s8+$0x0], $0xffff;
	_ =	sdelay $0x4  }
0x1a3: {  	v18 =	vshll.u32 v18, $0x4  }
0x1a4: {  	v18 =	vor.u32 v0, v18;
	_ =	sdelay $0x2  }
0x1a5: {  	s19 =	sshll.u32 s13, s18  }
0x1a6: {  	v19 =	vmov s19  }
0x1a7: {  	[tilespmem:v18+s14+$0x0] =	vst.idx.add.s32.msk $0xffff, v19  }
0x1a8: {  	v18 =	vld.idx.msk [tilespmem:v16+s8+$0x0], $0xffff;
	_ =	sdelay $0x4  }
0x1a9: {  	v18 =	vshll.u32 v18, $0x4  }
0x1aa: {  	v18 =	vadd.s32 v6, v18;
	_ =	sdelay $0x4  }
0x1ab: {  	[tilespmem:v18+s14+$0x0] =	vst.idx.add.s32.msk $0xffff, v19  }
0x1ac: {  	v18 =	vld.idx.msk [tilespmem:v15+s8+$0x0], $0xffff;
	_ =	sdelay $0x4  }
0x1ad: {  	v18 =	vshll.u32 v18, $0x4  }
0x1ae: {  	v18 =	vadd.s32 v7, v18;
	_ =	sdelay $0x4  }
0x1af: {  	[tilespmem:v18+s14+$0x0] =	vst.idx.add.s32.msk $0xffff, v19  }
0x1b0: {  	v18 =	vld.idx.msk [tilespmem:v14+s8+$0x0], $0xffff;
	_ =	sdelay $0x4  }
0x1b1: {  	v18 =	vshll.u32 v18, $0x4  }
0x1b2: {  	p0 =	sne.s32 s18, $0x13;
	v18 =	vadd.s32 v8, v18  }
.Ltmp4:
0x1b3: {  	_ = 	snop;
	(pc) =	sbr.rel @p0 .LBB2_10-.Ltmp4, $3  }
0x1b4: {  	_ =	sdelay $0x1  }
0x1b5: {  	v17 =	vadd.s32 $0x1, v17  }
0x1b6: {  	s18 =	sadd.s32 $0x1, s18;
	v16 =	vadd.s32 $0x1, v16;
	v15 =	vadd.s32 $0x1, v15;
	v14 =	vadd.s32 $0x1, v14;
	[tilespmem:v18+s14+$0x0] =	vst.idx.add.s32.msk $0xffff, v19  }
0x1b7: {  	_ =	sdelay $0x3  }
0x1b8: {  	v14 =	vld.idx.msk [tilespmem:v13+s2+$0x0], $0xffff;
	_ =	sdelay $0x4  }
0x1b9: {  	v15 =	vor.u32 $0x3, v12;
	v14 =	vshll.u32 v14, $0x4  }
0x1ba: {  	v14 =	vor.u32 v0, v14  }
0x1bb: {  	v16 =	vor.u32 $0x1, v13;
	v18 =	vld.idx.msk [tilespmem:v12+s2+$0x0], $0xffff  }
0x1bc: {  	v19 =	vor.u32 $0x1, v12;
	v26 =	vld.idx.msk [tilespmem:v11+s2+$0x0], $0xffff  }
0x1bd: {  	v17 =	vor.u32 $0x2, v12;
	v29 =	vld.idx.msk [tilespmem:v10+s2+$0x0], $0xffff  }
0x1be: {  	v15 =	vld.idx.msk [tilespmem:v15+s2+$0x0], $0xffff  }
0x1bf: {  	v21 =	vor.u32 $0x3, v11;
	v14 =	vld.idx.msk [tilespmem:v14+s14+$0x0], $0xffff  }
0x1c0: {  	v24 =	vimm.s32 $0xFFFFF000;
	v25 =	vimm.s32 $0x0;
	v22 =	vor.u32 $0x2, v13;
	v16 =	vld.idx.msk [tilespmem:v16+s2+$0x0], $0xffff  }
0x1c1: {  	v12 =	vadd.s32 $0x4, v12;
	v30 =	vor.u32 $0x2, v11;
	v31 =	vor.u32 $0x2, v10;
	v19 =	vld.idx.msk [tilespmem:v19+s2+$0x0], $0xffff  }
0x1c2: {  	v32 =	vor.u32 $0x1, v10;
	v34 =	vor.u32 $0x3, v13;
	v20 =	vld.idx.msk [tilespmem:v17+s2+$0x0], $0xffff;
	v18 =	vshll.u32 v18, $0x4  }
0x1c3: {  	v13 =	vadd.s32 $0x4, v13;
	v17 =	vimm.s32 $0x14;
	v18 =	vadd.s32 v8, v18  }
0x1c4: {  	v26 =	vshll.u32 v26, $0x4;
	v29 =	vshll.u32 v29, $0x4;
	v14 =	vor.u32 v25, v14  }
0x1c5: {  	v27 =	vld.idx.msk [tilespmem:v21+s2+$0x0], $0xffff;
	v16 =	vshll.u32 v16, $0x4;
	v15 =	vshll.u32 v15, $0x4;
	v23 =	vand.u32 v24, v14  }
0x1c6: {  	v30 =	vld.idx.msk [tilespmem:v30+s2+$0x0], $0xffff;
	v19 =	vshll.u32 v19, $0x4;
	v16 =	vor.u32 v0, v16;
	v21 =	vadd.s32 v24, v23  }
0x1c7: {  	v20 =	vshll.u32 v20, $0x4;
	v28 =	vadd.s32 v8, v19;
	v23 =	vxor.u32 v24, v21  }
0x1c8: {  	v18 =	vld.idx.msk [tilespmem:v18+s14+$0x0], $0xffff;
	v21 =	vadd.s32 v8, v15;
	v15 =	vor.u32 $0x1, v11;
	v14 =	vor.u32 v14, v23  }
0x1c9: {  	v19 =	vor.u32 $0x3, v10;
	v23 =	vadd.s32 v8, v20;
	v20 =	vld.idx.msk [tilespmem:v22+s2+$0x0], $0xffff;
	v22 =	vor.u32 v24, v14  }
0x1ca: {  	v29 =	vadd.s32 v6, v29;
	v63 =	vadd.s32 v7, v26;
	v22 =	vxor.u32 $0xFFFFFFFF, v22  }
0x1cb: {  	v27 =	vshll.u32 v27, $0x4;
	v30 =	vshll.u32 v30, $0x4;
	v16 =	vld.idx.msk [tilespmem:v16+s14+$0x0], $0xffff;
	v22 =	vor.u32 v22, v25  }
0x1cc: {  	v37 =	vld.idx.msk [tilespmem:v31+s2+$0x0], $0xffff;
	v35 =	vand.u32 v24, v14;
	v33 =	vshrl.u32 v22, $0x1F;
	v22 =	vshll.u32 v22, $0x1  }
0x1cd: {  	v56 =	vor.u32 v25, v18;
	v31 =	vshra.s32 v35, $0x1F;
	v15 =	vld.idx.msk [tilespmem:v15+s2+$0x0], $0xffff;
	v22 =	vor.u32 $0x1000, v22  }
0x1ce: {  	v19 =	vld.idx.msk [tilespmem:v19+s2+$0x0], $0xffff;
	v31 =	vadd.s32 v17, v31;
	v20 =	vshll.u32 v20, $0x4;
	v36 =	vor.u32 v14, v22  }
0x1cf: {  	v14 =	vand.u32 v14, v22;
	v22 =	vshll.u32 v35, $0x1;
	v36 =	vxor.u32 $0xFFFFFFFF, v36  }
0x1d0: {  	v33 =	vadd.s32 v33, v31;
	v16 =	vor.u32 v16, v14;
	v22 =	vor.u32 v36, v22;
	v36 =	vld.idx.msk [tilespmem:v63+s14+$0x0], $0xffff  }
0x1d1: {  	v32 =	vld.idx.msk [tilespmem:v32+s2+$0x0], $0xffff;
	v31 =	vadd.s32 v7, v30;
	v30 =	vshll.u32 v37, $0x4;
	v62 =	vand.u32 v22, v16  }
0x1d2: {  	v20 =	vor.u32 v0, v20;
	v15 =	vshll.u32 v15, $0x4;
	v35 =	vadd.s32 v22, v62  }
0x1d3: {  	v34 =	vld.idx.msk [tilespmem:v34+s2+$0x0], $0xffff;
	v38 =	vadd.s32 v7, v15;
	v15 =	vshll.u32 v19, $0x4;
	v26 =	vxor.u32 v22, v35  }
0x1d4: {  	v62 =	vand.u32 v24, v56;
	v16 =	vor.u32 v16, v26;
	v26 =	vadd.s32 v7, v27  }
0x1d5: {  	v27 =	vld.idx.msk [tilespmem:v29+s14+$0x0], $0xffff;
	v29 =	vor.u32 v22, v16;
	v22 =	vand.u32 v22, v16;
	v55 =	vor.u32 v25, v36  }
0x1d6: {  	v19 =	vxor.u32 $0xFFFFFFFF, v29;
	v29 =	vshll.u32 v32, $0x4;
	v32 =	vadd.s32 v6, v15  }
0x1d7: {  	v43 =	vshll.u32 v22, $0x1;
	v22 =	vshra.s32 v22, $0x1F;
	v41 =	vand.u32 v24, v55  }
0x1d8: {  	v20 =	vld.idx.msk [tilespmem:v20+s14+$0x0], $0xffff;
	v14 =	vor.u32 v19, v14;
	v19 =	vadd.s32 v6, v29;
	v29 =	vshll.u32 v34, $0x4  }
0x1d9: {  	v22 =	vadd.s32 v22, v33;
	v15 =	vshrl.u32 v14, $0x1F;
	v14 =	vshll.u32 v14, $0x1  }
0x1da: {  	v41 =	vadd.s32 v24, v41;
	v29 =	vor.u32 v0, v29;
	v14 =	vor.u32 $0x1000, v14  }
0x1db: {  	v41 =	vxor.u32 v24, v41;
	v27 =	vor.u32 v25, v27;
	v44 =	vor.u32 v16, v14  }
0x1dc: {  	v45 =	vand.u32 v24, v27;
	v16 =	vand.u32 v16, v14;
	v14 =	vxor.u32 $0xFFFFFFFF, v44  }
0x1dd: {  	v46 =	vadd.s32 v24, v45;
	v20 =	vor.u32 v20, v16;
	v34 =	vor.u32 v14, v43  }
0x1de: {  	v41 =	vor.u32 v55, v41;
	v14 =	vxor.u32 v24, v46;
	v47 =	vand.u32 v34, v20  }
0x1df: {  	v61 =	vor.u32 v24, v41;
	v27 =	vor.u32 v27, v14;
	v14 =	vadd.s32 v34, v47  }
0x1e0: {  	v44 =	vadd.s32 v24, v62;
	v48 =	vor.u32 v24, v27;
	v35 =	vxor.u32 v34, v14  }
0x1e1: {  	v14 =	vadd.s32 v15, v22;
	v15 =	vxor.u32 $0xFFFFFFFF, v48;
	v20 =	vor.u32 v20, v35  }
0x1e2: {  	v19 =	vld.idx.msk [tilespmem:v19+s14+$0x0], $0xffff;
	v22 =	vadd.s32 v6, v30;
	v15 =	vor.u32 v15, v25;
	v30 =	vor.u32 v34, v20  }
0x1e3: {  	v49 =	vshrl.u32 v15, $0x1F;
	v15 =	vshll.u32 v15, $0x1;
	v30 =	vxor.u32 $0xFFFFFFFF, v30  }
0x1e4: {  	v50 =	vor.u32 $0x1000, v15;
	v15 =	vand.u32 v34, v20;
	v16 =	vor.u32 v30, v16  }
0x1e5: {  	v29 =	vld.idx.msk [tilespmem:v29+s14+$0x0], $0xffff;
	v30 =	vand.u32 v24, v27;
	v51 =	vor.u32 v27, v50;
	v35 =	vand.u32 v27, v50  }
0x1e6: {  	v52 =	vshll.u32 v16, $0x1;
	v27 =	vshll.u32 v30, $0x1;
	v34 =	vxor.u32 $0xFFFFFFFF, v51  }
0x1e7: {  	v19 =	vor.u32 v19, v35;
	v34 =	vor.u32 v34, v27;
	v27 =	vor.u32 $0x1000, v52  }
0x1e8: {  	v39 =	vshll.u32 v15, $0x1;
	v53 =	vand.u32 v34, v19;
	v40 =	vor.u32 v20, v27  }
0x1e9: {  	v20 =	vand.u32 v20, v27;
	v37 =	vadd.s32 v34, v53;
	v27 =	vxor.u32 $0xFFFFFFFF, v40  }
0x1ea: {  	v54 =	vor.u32 v29, v20;
	v37 =	vxor.u32 v34, v37;
	v39 =	vor.u32 v27, v39  }
0x1eb: {  	v45 =	vld.idx.msk [tilespmem:v38+s14+$0x0], $0xffff;
	v38 =	vand.u32 v24, v41;
	v37 =	vor.u32 v19, v37;
	v19 =	vand.u32 v39, v54  }
0x1ec: {  	v46 =	vshll.u32 v38, $0x1;
	v29 =	vor.u32 v34, v37;
	v19 =	vadd.s32 v39, v19  }
0x1ed: {  	v38 =	vshra.s32 v38, $0x1F;
	v29 =	vxor.u32 $0xFFFFFFFF, v29;
	v19 =	vxor.u32 v39, v19  }
0x1ee: {  	v50 =	vxor.u32 v24, v44;
	v22 =	vld.idx.msk [tilespmem:v22+s14+$0x0], $0xffff;
	v29 =	vor.u32 v29, v35;
	v35 =	vor.u32 v54, v19  }
0x1ef: {  	v27 =	vshra.s32 v30, $0x1F;
	v18 =	vshll.u32 v29, $0x1;
	v30 =	vor.u32 v39, v35  }
0x1f0: {  	v27 =	vadd.s32 v17, v27;
	v18 =	vor.u32 $0x1000, v18;
	v57 =	vxor.u32 $0xFFFFFFFF, v30  }
0x1f1: {  	v30 =	vand.u32 v34, v37;
	v58 =	vor.u32 v37, v18;
	v20 =	vor.u32 v57, v20  }
0x1f2: {  	v59 =	vand.u32 v37, v18;
	v18 =	vshll.u32 v30, $0x1;
	v34 =	vxor.u32 $0xFFFFFFFF, v58  }
0x1f3: {  	v34 =	vor.u32 v34, v18;
	v18 =	vor.u32 v22, v59;
	v22 =	vshll.u32 v20, $0x1  }
0x1f4: {  	v27 =	vadd.s32 v49, v27;
	v60 =	vand.u32 v34, v18;
	v36 =	vor.u32 $0x1000, v22  }
0x1f5: {  	v19 =	vand.u32 v39, v35;
	v37 =	vadd.s32 v34, v60;
	v42 =	vor.u32 v35, v36  }
0x1f6: {  	v22 =	vshll.u32 v19, $0x1;
	v37 =	vxor.u32 v34, v37;
	v42 =	vxor.u32 $0xFFFFFFFF, v42  }
0x1f7: {  	v36 =	vand.u32 v35, v36;
	v43 =	vor.u32 v18, v37;
	v18 =	vor.u32 v42, v22  }
0x1f8: {  	v33 =	vand.u32 v34, v43;
	v22 =	vor.u32 v34, v43;
	v34 =	vxor.u32 $0xFFFFFFFF, v61  }
0x1f9: {  	v63 =	vshll.u32 v33, $0x1;
	v22 =	vxor.u32 $0xFFFFFFFF, v22;
	v37 =	vor.u32 v34, v25  }
0x1fa: {  	v34 =	vor.u32 v56, v50;
	v22 =	vor.u32 v22, v59;
	v51 =	vshll.u32 v37, $0x1  }
0x1fb: {  	v53 =	vor.u32 v24, v34;
	v37 =	vshrl.u32 v37, $0x1F;
	v39 =	vor.u32 $0x1000, v51  }
0x1fc: {  	v52 =	vshll.u32 v22, $0x1;
	v44 =	vxor.u32 $0xFFFFFFFF, v53;
	v47 =	vor.u32 v41, v39  }
0x1fd: {  	v28 =	vld.idx.msk [tilespmem:v28+s14+$0x0], $0xffff;
	v41 =	vand.u32 v41, v39;
	v39 =	vor.u32 v44, v25;
	v40 =	vor.u32 $0x1000, v52  }
0x1fe: {  	v47 =	vxor.u32 $0xFFFFFFFF, v47;
	v44 =	vshll.u32 v39, $0x1;
	v45 =	vor.u32 v45, v41  }
0x1ff: {  	v32 =	vld.idx.msk [tilespmem:v32+s14+$0x0], $0xffff;
	v25 =	vor.u32 v47, v46;
	v44 =	vor.u32 $0x1000, v44;
	v47 =	vand.u32 v24, v34  }
0x200: {  	v46 =	vand.u32 v25, v45;
	v24 =	vor.u32 v34, v44;
	v34 =	vand.u32 v34, v44  }
0x201: {  	v54 =	vshll.u32 v47, $0x1;
	v46 =	vadd.s32 v25, v46;
	v24 =	vxor.u32 $0xFFFFFFFF, v24  }
0x202: {  	v28 =	vor.u32 v28, v34;
	v24 =	vor.u32 v24, v54;
	v55 =	vxor.u32 v25, v46  }
0x203: {  	v46 =	vand.u32 v43, v40;
	v40 =	vor.u32 v43, v40;
	v44 =	vor.u32 v45, v55  }
0x204: {  	v56 =	vand.u32 v24, v28;
	v32 =	vor.u32 v32, v46;
	v40 =	vxor.u32 $0xFFFFFFFF, v40  }
0x205: {  	v48 =	vor.u32 v25, v44;
	v45 =	vadd.s32 v24, v56;
	v40 =	vor.u32 v40, v63  }
0x206: {  	v42 =	vand.u32 v25, v44;
	v57 =	vxor.u32 $0xFFFFFFFF, v48;
	v45 =	vxor.u32 v24, v45  }
0x207: {  	v31 =	vld.idx.msk [tilespmem:v31+s14+$0x0], $0xffff;
	v59 =	vshll.u32 v42, $0x1;
	v41 =	vor.u32 v57, v41;
	v28 =	vor.u32 v28, v45  }
0x208: {  	v49 =	vand.u32 v40, v32;
	v43 =	vshll.u32 v41, $0x1;
	v45 =	vor.u32 v24, v28  }
0x209: {  	v55 =	vadd.s32 v40, v49;
	v25 =	vor.u32 $0x1000, v43;
	v58 =	vxor.u32 $0xFFFFFFFF, v45  }
0x20a: {  	v23 =	vld.idx.msk [tilespmem:v23+s14+$0x0], $0xffff;
	v45 =	vand.u32 v24, v28;
	v60 =	vor.u32 v44, v25;
	v43 =	vor.u32 v58, v34  }
0x20b: {  	v25 =	vand.u32 v44, v25;
	v61 =	vxor.u32 $0xFFFFFFFF, v60;
	v62 =	vshll.u32 v43, $0x1  }
0x20c: {  	v31 =	vor.u32 v31, v25;
	v34 =	vor.u32 v61, v59;
	v44 =	vor.u32 $0x1000, v62  }
0x20d: {  	v52 =	vshll.u32 v45, $0x1;
	v24 =	vor.u32 v28, v44;
	v63 =	vand.u32 v34, v31  }
0x20e: {  	v28 =	vand.u32 v28, v44;
	v24 =	vxor.u32 $0xFFFFFFFF, v24;
	v53 =	vadd.s32 v34, v63  }
0x20f: {  	v23 =	vor.u32 v23, v28;
	v24 =	vor.u32 v24, v52;
	v44 =	vxor.u32 v34, v53  }
0x210: {  	v48 =	vxor.u32 v40, v55;
	v54 =	vand.u32 v24, v23;
	v44 =	vor.u32 v31, v44  }
0x211: {  	v32 =	vor.u32 v32, v48;
	v31 =	vadd.s32 v24, v54;
	v56 =	vor.u32 v34, v44  }
0x212: {  	v50 =	vand.u32 v34, v44;
	v31 =	vxor.u32 v24, v31;
	v49 =	vxor.u32 $0xFFFFFFFF, v56  }
0x213: {  	v26 =	vld.idx.msk [tilespmem:v26+s14+$0x0], $0xffff;
	v23 =	vor.u32 v23, v31;
	v48 =	vor.u32 v49, v25;
	v31 =	vand.u32 v40, v32  }
0x214: {  	v40 =	vor.u32 v40, v32;
	v25 =	vor.u32 v24, v23;
	v49 =	vshll.u32 v48, $0x1  }
0x215: {  	v40 =	vxor.u32 $0xFFFFFFFF, v40;
	v25 =	vxor.u32 $0xFFFFFFFF, v25;
	v57 =	vor.u32 $0x1000, v49  }
0x216: {  	v21 =	vld.idx.msk [tilespmem:v21+s14+$0x0], $0xffff;
	v49 =	vor.u32 v25, v28;
	v25 =	vand.u32 v44, v57;
	v28 =	vshll.u32 v50, $0x1  }
0x217: {  	v34 =	vor.u32 v44, v57;
	v44 =	vshll.u32 v31, $0x1;
	v51 =	vshll.u32 v49, $0x1  }
0x218: {  	v26 =	vor.u32 v26, v25;
	v34 =	vxor.u32 $0xFFFFFFFF, v34;
	v58 =	vor.u32 $0x1000, v51  }
0x219: {  	v51 =	vand.u32 v24, v23;
	v28 =	vor.u32 v34, v28;
	v24 =	vor.u32 v23, v58  }
0x21a: {  	v23 =	vand.u32 v23, v58;
	v59 =	vshll.u32 v51, $0x1;
	v34 =	vand.u32 v28, v26  }
0x21b: {  	v24 =	vxor.u32 $0xFFFFFFFF, v24;
	v21 =	vor.u32 v21, v23;
	v53 =	vadd.s32 v28, v34  }
0x21c: {  	v34 =	vor.u32 v40, v46;
	v24 =	vor.u32 v24, v59;
	v60 =	vxor.u32 v28, v53  }
0x21d: {  	v62 =	vshll.u32 v34, $0x1;
	v52 =	vand.u32 v24, v21;
	v26 =	vor.u32 v26, v60  }
0x21e: {  	v63 =	vor.u32 $0x1000, v62;
	v62 =	vshrl.u32 v43, $0x1F;
	v52 =	vadd.s32 v24, v52  }
0x21f: {  	v58 =	vor.u32 v28, v26;
	v60 =	vor.u32 v32, v63;
	v54 =	vand.u32 v28, v26  }
0x220: {  	v32 =	vand.u32 v32, v63;
	v63 =	vshra.s32 v45, $0x1F;
	v61 =	vxor.u32 v24, v52  }
0x221: {  	v46 =	vxor.u32 $0xFFFFFFFF, v58;
	v53 =	vxor.u32 $0xFFFFFFFF, v60;
	v21 =	vor.u32 v21, v61  }
0x222: {  	v60 =	vshrl.u32 v41, $0x1F;
	v46 =	vor.u32 v46, v25;
	v59 =	vor.u32 v24, v21  }
0x223: {  	v28 =	vor.u32 v53, v44;
	v61 =	vshra.s32 v47, $0x1F;
	v52 =	vxor.u32 $0xFFFFFFFF, v59  }
0x224: {  	v53 =	vshrl.u32 v49, $0x1F;
	v57 =	vand.u32 v24, v21;
	v52 =	vor.u32 v52, v23  }
0x225: {  	v58 =	vshll.u32 v57, $0x1;
	v23 =	vshll.u32 v46, $0x1;
	v25 =	vshll.u32 v52, $0x1  }
0x226: {  	v59 =	vshra.s32 v42, $0x1F;
	v55 =	vor.u32 $0x1000, v23;
	v56 =	vor.u32 $0x1000, v25  }
0x227: {  	v23 =	vshll.u32 v54, $0x1;
	v25 =	vor.u32 v26, v55;
	v24 =	vor.u32 v21, v56  }
0x228: {  	v26 =	vand.u32 v26, v55;
	v25 =	vxor.u32 $0xFFFFFFFF, v25;
	v24 =	vxor.u32 $0xFFFFFFFF, v24  }
0x229: {  	v55 =	vshra.s32 v51, $0x1F;
	v25 =	vor.u32 v25, v23;
	v23 =	vor.u32 v24, v58  }
0x22a: {  	v24 =	vand.u32 v21, v56;
	v21 =	vshrl.u32 v39, $0x1F;
	v39 =	vadd.s32 v17, v61  }
0x22b: {  	v56 =	vshrl.u32 v52, $0x1F;
	v58 =	vshra.s32 v57, $0x1F;
	v17 =	vadd.s32 v17, v38  }
0x22c: {  	v61 =	vshra.s32 v50, $0x1F;
	v21 =	vadd.s32 v21, v39;
	v17 =	vadd.s32 v37, v17  }
0x22d: {  	v37 =	vshrl.u32 v29, $0x1F;
	v29 =	vshra.s32 v30, $0x1F;
	v21 =	vadd.s32 v63, v21  }
0x22e: {  	v30 =	vshra.s32 v33, $0x1F;
	v17 =	vadd.s32 v59, v17;
	v21 =	vadd.s32 v62, v21  }
0x22f: {  	v63 =	vshra.s32 v54, $0x1F;
	v38 =	vadd.s32 v60, v17;
	v21 =	vadd.s32 v55, v21  }
0x230: {  	v62 =	vshrl.u32 v48, $0x1F;
	v38 =	vadd.s32 v61, v38;
	v21 =	vadd.s32 v53, v21  }
0x231: {  	v29 =	vadd.s32 v29, v27;
	v35 =	vadd.s32 v62, v38;
	v21 =	vadd.s32 v58, v21  }
0x232: {  	s18 =	simm.s32 $0x0;
	v27 =	vadd.s32 v63, v35;
	v17 =	vadd.s32 v56, v21;
	v21 =	vshrl.u32 v46, $0x1F  }
.LBB2_12:
0x233: {  	v33 =	vld.idx.msk [tilespmem:v13+s2+$0x0], $0xffff;
	v22 =	vshrl.u32 v22, $0x1F;
	v29 =	vadd.s32 v37, v29;
	v21 =	vadd.s32 v21, v27  }
0x234: {  	v27 =	vshrl.u32 v34, $0x1F;
	v31 =	vshra.s32 v31, $0x1F;
	v29 =	vadd.s32 v30, v29  }
0x235: {  	v16 =	vshrl.u32 v16, $0x1F;
	v15 =	vshra.s32 v15, $0x1F;
	v22 =	vadd.s32 v22, v29  }
0x236: {  	v14 =	vadd.s32 v15, v14;
	v29 =	vshra.s32 v19, $0x1F;
	v15 =	vadd.s32 v31, v22  }
0x237: {  	v20 =	vshrl.u32 v20, $0x1F;
	v14 =	vadd.s32 v16, v14;
	v19 =	vadd.s32 v27, v15  }
0x238: {  	v14 =	vadd.s32 v29, v14;
	v15 =	vor.u32 $0x3, v12  }
0x239: {  	v22 =	vor.u32 $0x1, v13;
	v14 =	vadd.s32 v20, v14;
	v16 =	vshll.u32 v33, $0x4  }
0x23a: {  	v16 =	vor.u32 v0, v16  }
0x23b: {  	v20 =	vor.u32 $0x2, v12  }
0x23c: {  	v29 =	vor.u32 $0x1, v12;
	v27 =	vld.idx.msk [tilespmem:v12+s2+$0x0], $0xffff  }
0x23d: {  	v15 =	vld.idx.msk [tilespmem:v15+s2+$0x0], $0xffff  }
0x23e: {  	v22 =	vld.idx.msk [tilespmem:v22+s2+$0x0], $0xffff  }
0x23f: {  	v16 =	vld.idx.msk [tilespmem:v16+s14+$0x0], $0xffff  }
0x240: {  	v11 =	vadd.s32 $0x4, v11;
	v20 =	vld.idx.msk [tilespmem:v20+s2+$0x0], $0xffff  }
0x241: {  	v30 =	vor.u32 $0x3, v11;
	v29 =	vld.idx.msk [tilespmem:v29+s2+$0x0], $0xffff  }
0x242: {  	v10 =	vadd.s32 $0x4, v10;
	_ =	sdelay $0x1  }
0x243: {  	v31 =	vor.u32 $0x2, v13;
	v12 =	vadd.s32 $0x4, v12;
	v27 =	vshll.u32 v27, $0x4  }
0x244: {  	v15 =	vshll.u32 v15, $0x4;
	v22 =	vshll.u32 v22, $0x4;
	v16 =	vor.u32 v36, v16;
	v33 =	vld.idx.msk [tilespmem:v11+s2+$0x0], $0xffff  }
0x245: {  	v22 =	vor.u32 v0, v22;
	v34 =	vand.u32 v18, v16;
	v35 =	vshll.u32 v20, $0x4;
	v30 =	vld.idx.msk [tilespmem:v30+s2+$0x0], $0xffff  }
0x246: {  	v20 =	vadd.s32 v8, v27;
	v34 =	vadd.s32 v18, v34;
	v29 =	vshll.u32 v29, $0x4;
	v38 =	vld.idx.msk [tilespmem:v10+s2+$0x0], $0xffff  }
0x247: {  	v39 =	vor.u32 $0x2, v11;
	v27 =	vadd.s32 v8, v15;
	v34 =	vxor.u32 v18, v34  }
0x248: {  	v15 =	vor.u32 v16, v34;
	v16 =	vor.u32 $0x1, v11;
	v34 =	vld.idx.msk [tilespmem:v31+s2+$0x0], $0xffff;
	v31 =	vadd.s32 v8, v35  }
0x249: {  	v37 =	vadd.s32 v8, v29;
	v29 =	vor.u32 $0x3, v10;
	v35 =	vor.u32 v18, v15  }
0x24a: {  	v40 =	vor.u32 $0x2, v10;
	v35 =	vxor.u32 $0xFFFFFFFF, v35;
	v33 =	vshll.u32 v33, $0x4;
	v22 =	vld.idx.msk [tilespmem:v22+s14+$0x0], $0xffff  }
0x24b: {  	v35 =	vor.u32 v35, v36;
	v36 =	vor.u32 $0x1, v10;
	v30 =	vshll.u32 v30, $0x4  }
0x24c: {  	v41 =	vshrl.u32 v35, $0x1F;
	v35 =	vshll.u32 v35, $0x1;
	v38 =	vshll.u32 v38, $0x4;
	v39 =	vld.idx.msk [tilespmem:v39+s2+$0x0], $0xffff  }
0x24d: {  	v42 =	vor.u32 $0x3, v13;
	v35 =	vor.u32 $0x1000, v35;
	v38 =	vadd.s32 v6, v38;
	v16 =	vld.idx.msk [tilespmem:v16+s2+$0x0], $0xffff  }
0x24e: {  	v18 =	vand.u32 v18, v15;
	v43 =	vor.u32 v15, v35;
	v34 =	vshll.u32 v34, $0x4;
	v29 =	vld.idx.msk [tilespmem:v29+s2+$0x0], $0xffff  }
0x24f: {  	v15 =	vand.u32 v15, v35;
	v35 =	vshll.u32 v18, $0x1;
	v43 =	vxor.u32 $0xFFFFFFFF, v43;
	v40 =	vld.idx.msk [tilespmem:v40+s2+$0x0], $0xffff  }
0x250: {  	v18 =	vshra.s32 v18, $0x1F;
	v35 =	vor.u32 v43, v35;
	v22 =	vor.u32 v22, v15;
	v36 =	vld.idx.msk [tilespmem:v36+s2+$0x0], $0xffff  }
0x251: {  	v44 =	vor.u32 v0, v34;
	v14 =	vadd.s32 v14, v18;
	v43 =	vand.u32 v35, v22  }
0x252: {  	v14 =	vadd.s32 v41, v14;
	v18 =	vadd.s32 v35, v43;
	v34 =	vshll.u32 v39, $0x4;
	v43 =	vld.idx.msk [tilespmem:v42+s2+$0x0], $0xffff  }
0x253: {  	v33 =	vadd.s32 v7, v33;
	v18 =	vxor.u32 v35, v18;
	v16 =	vshll.u32 v16, $0x4  }
0x254: {  	v39 =	vadd.s32 v7, v34;
	v34 =	vadd.s32 v7, v30;
	v18 =	vor.u32 v22, v18;
	v38 =	vld.idx.msk [tilespmem:v38+s14+$0x0], $0xffff  }
0x255: {  	v22 =	vadd.s32 v7, v16;
	v16 =	vshll.u32 v29, $0x4;
	v30 =	vor.u32 v35, v18  }
0x256: {  	v40 =	vshll.u32 v40, $0x4;
	v29 =	vxor.u32 $0xFFFFFFFF, v30;
	v30 =	vshll.u32 v36, $0x4;
	v36 =	vld.idx.msk [tilespmem:v44+s14+$0x0], $0xffff  }
0x257: {  	v42 =	vadd.s32 v6, v16;
	v15 =	vor.u32 v29, v15;
	v29 =	vadd.s32 v6, v30  }
0x258: {  	v16 =	vshrl.u32 v15, $0x1F;
	v15 =	vshll.u32 v15, $0x1;
	v30 =	vshll.u32 v43, $0x4  }
0x259: {  	v35 =	vand.u32 v35, v18;
	v15 =	vor.u32 $0x1000, v15;
	v30 =	vor.u32 v0, v30  }
0x25a: {  	v41 =	vshll.u32 v35, $0x1;
	v38 =	vor.u32 v32, v38;
	v43 =	vor.u32 v18, v15  }
0x25b: {  	v18 =	vand.u32 v18, v15;
	v44 =	vand.u32 v28, v38;
	v15 =	vxor.u32 $0xFFFFFFFF, v43  }
0x25c: {  	v43 =	vadd.s32 v28, v44;
	v15 =	vor.u32 v15, v41;
	v36 =	vor.u32 v36, v18  }
0x25d: {  	v35 =	vshra.s32 v35, $0x1F;
	v41 =	vxor.u32 v28, v43;
	v43 =	vand.u32 v15, v36  }
0x25e: {  	v14 =	vadd.s32 v35, v14;
	v38 =	vor.u32 v38, v41;
	v41 =	vadd.s32 v15, v43  }
0x25f: {  	v14 =	vadd.s32 v16, v14;
	v35 =	vor.u32 v28, v38;
	v41 =	vxor.u32 v15, v41  }
0x260: {  	v16 =	vxor.u32 $0xFFFFFFFF, v35;
	v35 =	vor.u32 v36, v41;
	v36 =	vadd.s32 v6, v40;
	v29 =	vld.idx.msk [tilespmem:v29+s14+$0x0], $0xffff  }
0x261: {  	v13 =	vadd.s32 $0x4, v13;
	v16 =	vor.u32 v16, v32;
	v32 =	vor.u32 v15, v35  }
0x262: {  	v40 =	vshrl.u32 v16, $0x1F;
	v16 =	vshll.u32 v16, $0x1;
	v32 =	vxor.u32 $0xFFFFFFFF, v32  }
0x263: {  	v15 =	vand.u32 v15, v35;
	v41 =	vor.u32 $0x1000, v16;
	v16 =	vor.u32 v32, v18;
	v18 =	vld.idx.msk [tilespmem:v30+s14+$0x0], $0xffff  }
0x264: {  	v28 =	vand.u32 v28, v38;
	v30 =	vor.u32 v38, v41;
	v32 =	vshll.u32 v16, $0x1  }
0x265: {  	s18 =	sadd.s32 $0x4, s18;
	v38 =	vand.u32 v38, v41;
	v41 =	vshll.u32 v28, $0x1;
	v30 =	vxor.u32 $0xFFFFFFFF, v30  }
0x266: {  	p0 =	slt.u32 s18, $0x10;
	v41 =	vor.u32 v30, v41;
	v29 =	vor.u32 v29, v38;
	v30 =	vor.u32 $0x1000, v32  }
0x267: {  	v43 =	vshll.u32 v15, $0x1;
	v44 =	vor.u32 v35, v30;
	v32 =	vld.idx.msk [tilespmem:v33+s14+$0x0], $0xffff;
	v33 =	vand.u32 v41, v29  }
0x268: {  	v35 =	vand.u32 v35, v30;
	v30 =	vxor.u32 $0xFFFFFFFF, v44;
	v20 =	vld.idx.msk [tilespmem:v20+s14+$0x0], $0xffff;
	v33 =	vadd.s32 v41, v33  }
0x269: {  	v43 =	vor.u32 v30, v43;
	v18 =	vor.u32 v18, v35;
	v33 =	vxor.u32 v41, v33  }
0x26a: {  	v28 =	vshra.s32 v28, $0x1F;
	v44 =	vor.u32 v29, v33;
	v29 =	vand.u32 v43, v18  }
0x26b: {  	v19 =	vadd.s32 v19, v28;
	v30 =	vor.u32 v41, v44;
	v29 =	vadd.s32 v43, v29  }
0x26c: {  	v28 =	vxor.u32 $0xFFFFFFFF, v30;
	v45 =	vld.idx.msk [tilespmem:v36+s14+$0x0], $0xffff;
	v33 =	vxor.u32 v43, v29;
	v29 =	vadd.s32 v40, v19  }
0x26d: {  	v32 =	vor.u32 v26, v32;
	v30 =	vor.u32 v28, v38;
	v36 =	vor.u32 v18, v33  }
0x26e: {  	v28 =	vor.u32 v24, v20;
	v18 =	vshll.u32 v30, $0x1;
	v20 =	vor.u32 v43, v36  }
0x26f: {  	v19 =	vand.u32 v43, v36;
	v18 =	vor.u32 $0x1000, v18;
	v20 =	vxor.u32 $0xFFFFFFFF, v20  }
0x270: {  	v33 =	vand.u32 v41, v44;
	v38 =	vor.u32 v44, v18;
	v20 =	vor.u32 v20, v35  }
0x271: {  	v41 =	vand.u32 v44, v18;
	v18 =	vshll.u32 v33, $0x1;
	v35 =	vxor.u32 $0xFFFFFFFF, v38  }
0x272: {  	v40 =	vor.u32 v35, v18;
	v18 =	vor.u32 v45, v41;
	v35 =	vshll.u32 v20, $0x1  }
0x273: {  	v43 =	vand.u32 v40, v18;
	v38 =	vor.u32 $0x1000, v35;
	v35 =	vshll.u32 v19, $0x1  }
0x274: {  	v44 =	vand.u32 v25, v32;
	v43 =	vadd.s32 v40, v43;
	v45 =	vor.u32 v36, v38  }
0x275: {  	v44 =	vadd.s32 v25, v44;
	v43 =	vxor.u32 v40, v43;
	v45 =	vxor.u32 $0xFFFFFFFF, v45  }
0x276: {  	v44 =	vxor.u32 v25, v44;
	v43 =	vor.u32 v18, v43;
	v18 =	vor.u32 v45, v35  }
0x277: {  	v32 =	vor.u32 v32, v44;
	v35 =	vand.u32 v40, v43;
	v40 =	vor.u32 v40, v43  }
0x278: {  	v44 =	vor.u32 v25, v32;
	v45 =	vand.u32 v23, v28;
	v46 =	vshll.u32 v35, $0x1  }
0x279: {  	v44 =	vxor.u32 $0xFFFFFFFF, v44;
	v45 =	vadd.s32 v23, v45;
	v47 =	vld.idx.msk [tilespmem:v22+s14+$0x0], $0xffff;
	v22 =	vxor.u32 $0xFFFFFFFF, v40  }
0x27a: {  	v40 =	vor.u32 v44, v26;
	v26 =	vxor.u32 v23, v45;
	v22 =	vor.u32 v22, v41  }
0x27b: {  	v44 =	vshll.u32 v40, $0x1;
	v26 =	vor.u32 v28, v26;
	v28 =	vshll.u32 v22, $0x1  }
0x27c: {  	v41 =	vand.u32 v25, v32;
	v25 =	vor.u32 $0x1000, v44;
	v44 =	vor.u32 v23, v26  }
0x27d: {  	v45 =	vshll.u32 v41, $0x1;
	v48 =	vor.u32 v32, v25;
	v44 =	vxor.u32 $0xFFFFFFFF, v44;
	v49 =	vld.idx.msk [tilespmem:v37+s14+$0x0], $0xffff  }
0x27e: {  	v25 =	vand.u32 v32, v25;
	v32 =	vxor.u32 $0xFFFFFFFF, v48;
	v37 =	vor.u32 v44, v24  }
0x27f: {  	v24 =	vor.u32 v32, v45;
	v32 =	vshll.u32 v37, $0x1;
	v44 =	vor.u32 v47, v25  }
0x280: {  	v28 =	vor.u32 $0x1000, v28;
	v32 =	vor.u32 $0x1000, v32;
	v45 =	vand.u32 v24, v44;
	v47 =	vld.idx.msk [tilespmem:v42+s14+$0x0], $0xffff  }
0x281: {  	v42 =	vand.u32 v23, v26;
	v23 =	vor.u32 v26, v32;
	v45 =	vadd.s32 v24, v45  }
0x282: {  	v26 =	vand.u32 v26, v32;
	v32 =	vshll.u32 v42, $0x1;
	v23 =	vxor.u32 $0xFFFFFFFF, v23  }
0x283: {  	v23 =	vor.u32 v23, v32;
	v32 =	vxor.u32 v24, v45;
	v45 =	vor.u32 v49, v26  }
0x284: {  	v48 =	vand.u32 v43, v28;
	v32 =	vor.u32 v44, v32;
	v44 =	vand.u32 v23, v45  }
0x285: {  	v28 =	vor.u32 v43, v28;
	v49 =	vor.u32 v24, v32;
	v44 =	vadd.s32 v23, v44  }
0x286: {  	v43 =	vxor.u32 $0xFFFFFFFF, v49;
	v44 =	vxor.u32 v23, v44;
	v47 =	vor.u32 v47, v48;
	v49 =	vld.idx.msk [tilespmem:v39+s14+$0x0], $0xffff  }
0x287: {  	v28 =	vxor.u32 $0xFFFFFFFF, v28;
	v39 =	vor.u32 v43, v25;
	v25 =	vor.u32 v45, v44  }
0x288: {  	v28 =	vor.u32 v28, v46;
	v44 =	vshll.u32 v39, $0x1;
	v45 =	vor.u32 v23, v25  }
0x289: {  	v43 =	vand.u32 v24, v32;
	v24 =	vor.u32 $0x1000, v44;
	v44 =	vxor.u32 $0xFFFFFFFF, v45;
	v31 =	vld.idx.msk [tilespmem:v31+s14+$0x0], $0xffff  }
0x28a: {  	v45 =	vshll.u32 v43, $0x1;
	v46 =	vor.u32 v32, v24;
	v44 =	vor.u32 v44, v26  }
0x28b: {  	v24 =	vand.u32 v32, v24;
	v26 =	vxor.u32 $0xFFFFFFFF, v46;
	v32 =	vshll.u32 v44, $0x1  }
0x28c: {  	v26 =	vor.u32 v26, v45;
	v32 =	vor.u32 $0x1000, v32;
	v45 =	vor.u32 v49, v24  }
0x28d: {  	v46 =	vand.u32 v23, v25;
	v23 =	vor.u32 v25, v32;
	v49 =	vand.u32 v26, v45  }
0x28e: {  	v25 =	vand.u32 v25, v32;
	v32 =	vshll.u32 v46, $0x1;
	v23 =	vxor.u32 $0xFFFFFFFF, v23  }
0x28f: {  	v23 =	vor.u32 v23, v32;
	v32 =	vadd.s32 v26, v49;
	v31 =	vor.u32 v31, v25  }
0x290: {  	v50 =	vand.u32 v28, v47;
	v32 =	vxor.u32 v26, v32;
	v49 =	vand.u32 v23, v31  }
0x291: {  	v32 =	vor.u32 v45, v32;
	v45 =	vadd.s32 v23, v49;
	v49 =	vadd.s32 v28, v50  }
0x292: {  	v50 =	vor.u32 v26, v32;
	v45 =	vxor.u32 v23, v45;
	v49 =	vxor.u32 v28, v49;
	v34 =	vld.idx.msk [tilespmem:v34+s14+$0x0], $0xffff  }
0x293: {  	v50 =	vxor.u32 $0xFFFFFFFF, v50;
	v45 =	vor.u32 v31, v45;
	v47 =	vor.u32 v47, v49  }
0x294: {  	v49 =	vor.u32 v50, v24;
	v24 =	vor.u32 v23, v45;
	v31 =	vand.u32 v28, v47  }
0x295: {  	v28 =	vor.u32 v28, v47;
	v50 =	vshll.u32 v49, $0x1;
	v24 =	vxor.u32 $0xFFFFFFFF, v24;
	v27 =	vld.idx.msk [tilespmem:v27+s14+$0x0], $0xffff  }
0x296: {  	v51 =	vand.u32 v26, v32;
	v26 =	vor.u32 $0x1000, v50;
	v50 =	vor.u32 v24, v25  }
0x297: {  	v25 =	vshll.u32 v51, $0x1;
	v24 =	vand.u32 v32, v26;
	v52 =	vshll.u32 v50, $0x1  }
0x298: {  	v26 =	vor.u32 v32, v26;
	v32 =	vor.u32 $0x1000, v52;
	v52 =	vor.u32 v34, v24  }
0x299: {  	v53 =	vand.u32 v23, v45;
	v26 =	vxor.u32 $0xFFFFFFFF, v26;
	v23 =	vor.u32 v45, v32  }
0x29a: {  	v34 =	vshll.u32 v53, $0x1;
	v32 =	vand.u32 v45, v32;
	v23 =	vxor.u32 $0xFFFFFFFF, v23  }
0x29b: {  	v25 =	vor.u32 v26, v25;
	v23 =	vor.u32 v23, v34;
	v26 =	vor.u32 v27, v32  }
0x29c: {  	v27 =	vshll.u32 v31, $0x1;
	v34 =	vand.u32 v25, v52;
	v45 =	vand.u32 v23, v26  }
0x29d: {  	v28 =	vxor.u32 $0xFFFFFFFF, v28;
	v54 =	vadd.s32 v25, v34;
	v45 =	vadd.s32 v23, v45  }
0x29e: {  	v34 =	vor.u32 v28, v48;
	v28 =	vxor.u32 v25, v54;
	v45 =	vxor.u32 v23, v45  }
0x29f: {  	v48 =	vshll.u32 v34, $0x1;
	v52 =	vor.u32 v52, v28;
	v45 =	vor.u32 v26, v45  }
0x2a0: {  	v26 =	vor.u32 $0x1000, v48;
	v28 =	vor.u32 v25, v52;
	v48 =	vor.u32 v23, v45  }
0x2a1: {  	v54 =	vor.u32 v47, v26;
	v28 =	vxor.u32 $0xFFFFFFFF, v28;
	v48 =	vxor.u32 $0xFFFFFFFF, v48  }
0x2a2: {  	v54 =	vxor.u32 $0xFFFFFFFF, v54;
	v55 =	vor.u32 v28, v24;
	v48 =	vor.u32 v48, v32  }
0x2a3: {  	v56 =	vand.u32 v25, v52;
	v24 =	vshll.u32 v55, $0x1;
	v25 =	vshll.u32 v48, $0x1  }
0x2a4: {  	v32 =	vshll.u32 v56, $0x1;
	v24 =	vor.u32 $0x1000, v24;
	v57 =	vor.u32 $0x1000, v25  }
0x2a5: {  	v58 =	vand.u32 v23, v45;
	v25 =	vor.u32 v52, v24;
	v23 =	vor.u32 v45, v57  }
0x2a6: {  	v59 =	vshll.u32 v58, $0x1;
	v25 =	vxor.u32 $0xFFFFFFFF, v25;
	v23 =	vxor.u32 $0xFFFFFFFF, v23  }
0x2a7: {  	v28 =	vor.u32 v54, v27;
	v25 =	vor.u32 v25, v32;
	v23 =	vor.u32 v23, v59  }
0x2a8: {  	v32 =	vand.u32 v47, v26;
	v26 =	vand.u32 v52, v24;
	v24 =	vand.u32 v45, v57  }
0x2a9: {  	v36 =	vand.u32 v36, v38;
	v27 =	vshrl.u32 v37, $0x1F;
	v37 =	vshra.s32 v42, $0x1F  }
0x2aa: {  	v38 =	vshrl.u32 v44, $0x1F;
	v42 =	vshra.s32 v46, $0x1F;
	v17 =	vadd.s32 v17, v37  }
0x2ab: {  	v44 =	vshra.s32 v53, $0x1F;
	v37 =	vshrl.u32 v50, $0x1F;
	v17 =	vadd.s32 v27, v17  }
0x2ac: {  	v27 =	vshrl.u32 v48, $0x1F;
	v17 =	vadd.s32 v42, v17;
	v45 =	vshra.s32 v58, $0x1F  }
0x2ad: {  	v40 =	vshrl.u32 v40, $0x1F;
	v41 =	vshra.s32 v41, $0x1F;
	v17 =	vadd.s32 v38, v17  }
0x2ae: {  	v21 =	vadd.s32 v21, v41;
	v38 =	vshra.s32 v43, $0x1F;
	v17 =	vadd.s32 v44, v17  }
0x2af: {  	v21 =	vadd.s32 v40, v21;
	v39 =	vshrl.u32 v39, $0x1F;
	v17 =	vadd.s32 v37, v17  }
.Ltmp5:
0x2b0: {  	v21 =	vadd.s32 v38, v21;
	v37 =	vshra.s32 v51, $0x1F;
	v17 =	vadd.s32 v45, v17;
	(pc) =	sbr.rel @p0 .LBB2_12-.Ltmp5, $4  }
0x2b1: {  	v38 =	vshrl.u32 v49, $0x1F;
	v39 =	vadd.s32 v39, v21;
	v17 =	vadd.s32 v27, v17  }
0x2b2: {  	v21 =	vshrl.u32 v55, $0x1F;
	v39 =	vadd.s32 v37, v39;
	v27 =	vshra.s32 v56, $0x1F  }
0x2b3: {  	v33 =	vshra.s32 v33, $0x1F;
	v37 =	vshrl.u32 v30, $0x1F;
	v38 =	vadd.s32 v38, v39  }
0x2b4: {  	v29 =	vadd.s32 v33, v29;
	v30 =	vshra.s32 v35, $0x1F;
	v27 =	vadd.s32 v27, v38  }
0x2b5: {  	v10 =	vshra.s32 v15, $0x1F  }
0x2b6: {  	v11 =	vshrl.u32 v16, $0x1F;
	v10 =	vadd.s32 v10, v14  }
0x2b7: {  	v12 =	vshra.s32 v19, $0x1F;
	v10 =	vadd.s32 v11, v10  }
0x2b8: {  	v11 =	vshrl.u32 v20, $0x1F;
	v10 =	vadd.s32 v12, v10  }
0x2b9: {  	v10 =	vadd.s32 v11, v10  }
0x2ba: {  	vm0 =	vlt.s32 v10, $0x1F  }
0x2bb: {  	v10 =	vnsel vm0, $0x1F, v10  }
0x2bc: {  	v10 =	vshll.u32 v10, $0x2;
	_ =	sdelay $0x4  }
0x2bd: {  	v44 =	vor.u32 $0x2000, v9;
	v11 =	vld.idx.msk [tilespmem:v10+s9+$0x0], $0xffff  }
0x2be: {  	v13 =	vor.u32 $0x1, v10;
	_ =	sdelay $0x3  }
0x2bf: {  	[tilespmem:v44+s15+$0x0] =	vst.idx.msk $0xffff, v11  }
0x2c0: {  	v45 =	vor.u32 $0x2001, v9;
	v11 =	vld.idx.msk [tilespmem:v13+s9+$0x0], $0xffff  }
0x2c1: {  	v46 =	vor.u32 $0x2, v10;
	_ =	sdelay $0x3  }
0x2c2: {  	[tilespmem:v45+s15+$0x0] =	vst.idx.msk $0xffff, v11  }
0x2c3: {  	v47 =	vor.u32 $0x2002, v9;
	v11 =	vadd.s32 v37, v29;
	v12 =	vld.idx.msk [tilespmem:v46+s9+$0x0], $0xffff  }
0x2c4: {  	v48 =	vshrl.u32 v22, $0x1F;
	v10 =	vor.u32 $0x3, v10;
	v11 =	vadd.s32 v30, v11  }
0x2c5: {  	v49 =	vshra.s32 v31, $0x1F;
	v11 =	vadd.s32 v48, v11  }
0x2c6: {  	v50 =	vshrl.u32 v34, $0x1F;
	v11 =	vadd.s32 v49, v11  }
0x2c7: {  	v11 =	vadd.s32 v50, v11  }
0x2c8: {  	vm13 =	vlt.s32 v11, $0x1F;
	[tilespmem:v47+s15+$0x0] =	vst.idx.msk $0xffff, v12  }
0x2c9: {  	v51 =	vor.u32 $0x2003, v9;
	v11 =	vnsel vm13, $0x1F, v11;
	v10 =	vld.idx.msk [tilespmem:v10+s9+$0x0], $0xffff  }
0x2ca: {  	v11 =	vshll.u32 v11, $0x2;
	_ =	sdelay $0x3  }
0x2cb: {  	[tilespmem:v51+s15+$0x0] =	vst.idx.msk $0xffff, v10  }
0x2cc: {  	v52 =	vor.u32 $0x2800, v9;
	v10 =	vld.idx.msk [tilespmem:v11+s9+$0x0], $0xffff  }
0x2cd: {  	v53 =	vor.u32 $0x1, v11;
	_ =	sdelay $0x3  }
0x2ce: {  	[tilespmem:v52+s15+$0x0] =	vst.idx.msk $0xffff, v10  }
0x2cf: {  	v54 =	vor.u32 $0x2801, v9;
	v10 =	vld.idx.msk [tilespmem:v53+s9+$0x0], $0xffff  }
0x2d0: {  	v55 =	vor.u32 $0x2, v11;
	_ =	sdelay $0x3  }
0x2d1: {  	[tilespmem:v54+s15+$0x0] =	vst.idx.msk $0xffff, v10  }
0x2d2: {  	v56 =	vor.u32 $0x2802, v9;
	v10 =	vld.idx.msk [tilespmem:v55+s9+$0x0], $0xffff  }
0x2d3: {  	v11 =	vor.u32 $0x3, v11;
	_ =	sdelay $0x2  }
0x2d4: {  	v57 =	vadd.s32 v21, v27  }
0x2d5: {  	vm14 =	vlt.s32 v57, $0x1F;
	[tilespmem:v56+s15+$0x0] =	vst.idx.msk $0xffff, v10  }
0x2d6: {  	v58 =	vnsel vm14, $0x1F, v57;
	v10 =	vld.idx.msk [tilespmem:v11+s9+$0x0], $0xffff;
	v11 =	vor.u32 $0x2803, v9  }
0x2d7: {  	v12 =	vshll.u32 v58, $0x2;
	_ =	sdelay $0x3  }
0x2d8: {  	[tilespmem:v11+s15+$0x0] =	vst.idx.msk $0xffff, v10  }
0x2d9: {  	v11 =	vor.u32 $0x3000, v9;
	v10 =	vld.idx.msk [tilespmem:v12+s9+$0x0], $0xffff  }
0x2da: {  	v59 =	vor.u32 $0x1, v12;
	_ =	sdelay $0x3  }
0x2db: {  	[tilespmem:v11+s15+$0x0] =	vst.idx.msk $0xffff, v10  }
0x2dc: {  	v11 =	vor.u32 $0x3001, v9;
	v10 =	vld.idx.msk [tilespmem:v59+s9+$0x0], $0xffff  }
0x2dd: {  	v60 =	vor.u32 $0x2, v12;
	_ =	sdelay $0x3  }
0x2de: {  	[tilespmem:v11+s15+$0x0] =	vst.idx.msk $0xffff, v10  }
0x2df: {  	v11 =	vor.u32 $0x3002, v9;
	v10 =	vld.idx.msk [tilespmem:v60+s9+$0x0], $0xffff  }
0x2e0: {  	v12 =	vor.u32 $0x3, v12;
	_ =	sdelay $0x3  }
0x2e1: {  	vm15 =	vlt.s32 v17, $0x1F;
	[tilespmem:v11+s15+$0x0] =	vst.idx.msk $0xffff, v10  }
0x2e2: {  	v61 =	vnsel vm15, $0x1F, v17;
	v11 =	vor.u32 $0x3003, v9;
	v10 =	vld.idx.msk [tilespmem:v12+s9+$0x0], $0xffff  }
0x2e3: {  	v12 =	vshll.u32 v61, $0x2;
	_ =	sdelay $0x3  }
0x2e4: {  	[tilespmem:v11+s15+$0x0] =	vst.idx.msk $0xffff, v10  }
0x2e5: {  	v11 =	vor.u32 $0x3800, v9;
	v10 =	vld.idx.msk [tilespmem:v12+s9+$0x0], $0xffff  }
0x2e6: {  	v62 =	vor.u32 $0x1, v12;
	_ =	sdelay $0x3  }
0x2e7: {  	[tilespmem:v11+s15+$0x0] =	vst.idx.msk $0xffff, v10  }
0x2e8: {  	v11 =	vor.u32 $0x3801, v9;
	v10 =	vld.idx.msk [tilespmem:v62+s9+$0x0], $0xffff  }
0x2e9: {  	v63 =	vor.u32 $0x2, v12;
	_ =	sdelay $0x3  }
0x2ea: {  	[tilespmem:v11+s15+$0x0] =	vst.idx.msk $0xffff, v10  }
0x2eb: {  	v11 =	vor.u32 $0x3802, v9;
	v10 =	vld.idx.msk [tilespmem:v63+s9+$0x0], $0xffff  }
0x2ec: {  	v12 =	vor.u32 $0x3, v12;
	_ =	sdelay $0x3  }
0x2ed: {  	[tilespmem:v11+s15+$0x0] =	vst.idx.msk $0xffff, v10  }
0x2ee: {  	v9 =	vor.u32 $0x3803, v9;
	v10 =	vld.idx.msk [tilespmem:v12+s9+$0x0], $0xffff;
	_ =	sdelay $0x2  }
0x2ef: {  	s17 =	sadd.s32 $0x1, s17  }
0x2f0: {  	p0 =	sne.s32 s17, s7  }
.Ltmp6:
0x2f1: {  	[tilespmem:v9+s15+$0x0] =	vst.idx.msk $0xffff, v10;
	(pc) =	sbr.rel @p0 .LBB2_1-.Ltmp6, $4  }
0x2f2: {  	[hbm4b:s6+s2] =	stream.linear.scatter [tilespmem:s15], [sflag:$0x4], $0x4000, $0x38;
	[tilespmem:$0x7480] =	vst v63  }
0x2f3: {  	_ =	swait.ge [sflag:s16], $0x4000  }
0x2f4: {  	[sflag:s16] =	ssyncset.done $0x0  }
0x2f5: {  	[sflag:s16] =	ssyncadd.s32 $0xFFFFC000  }
0x2f6: {  	_ =	sfence.sel $0x180000  }
0x2f7: {  	[bflag:$0x0] =	sbarrier.arrive $0xFFFF  }
0x2f8: {  	p0 =	sne.s32 s0, $0x0;
	_ =	strace $0x90000047  }
0x2f9: {  	s0 =	sadd.s32 @!p0 $0x100000, s1;
	[bflag:$0x2] =	sbarrier.arrive $0xFFFF  }
0x2fa: {  	[sflag:s0] =	ssyncadd.tile.s32 @!p0 $0x1;
	_ =	shalt  }
.Lfunc_end2:
_tile_overlayer_lowered:
.L_overlay_start_2:
0x2fb: {  	(tag) =	ssettag $0x2  }
0x2fc: {  	s0 =	rddreg [dreg:$0x0];
	s2 =	stileid.u32  }
0x2fd: {  	s1 =	rddreg [dreg:$0x1];
	p0 =	sne.s32 s2, $0x0  }
0x2fe: {  	s3 =	rddreg [dreg:$0x2];
	[bflag:$0x3] =	sbarrier.arrive $0xFFFF;
	s2 =	simm.s32 @!p0 $0x1C04  }
0x2ff: {  	[timem:s3], [sflag:s2] =	dma.local @!p0 [hbm:s0], s1  }
0x300: {  	s0 =	simm.s32 @!p0 $0x4  }
0x301: {  	_ =	swait.ge @!p0 [sflag:s0], s1  }
0x302: {  	s1 =	ssub.s32 @!p0 $0x0, s1;
	[sflag:s0] =	ssyncset.done @!p0 $0x0  }
0x303: {  	[sflag:s0] =	ssyncadd.s32 @!p0 s1  }
0x304: {  	[bflag:$0x3] =	sbarrier.arrive $0xFFFF  }
0x305: {  	_ =	shalt  }

</sc_bundles>
